<compile_context>
chip_gen: v7x
topology: tpu7x:2x2x1
jax: 0.10.2.dev20260603
libtpu: 0.0.44.dev20260713+nightly
codegen_flags: <defaults>
</compile_context>

<pallas_src>
import functools

import jax
import jax.numpy as jnp
from jax import lax
from jax.experimental import pallas as pl
from jax.experimental.pallas import tpu as pltpu
from jax.experimental.pallas import tpu_sc as plsc

N = 10000
E = 320000
D = 128

NC = 2
NS = 16
NW = NC * NS

N_PAD = 10240
RPT = N_PAD // NS
E_PAD = 327680
EPW = E_PAD // NW
CHUNK = 64
NBUF = 5
NGRP = EPW // (NBUF * CHUNK)
DEG_CHUNK = 128
DEG_CHUNKS = E_PAD // NS // DEG_CHUNK

_MESH = plsc.VectorSubcoreMesh(core_axis_name="c", subcore_axis_name="s")


def _zero_vmem(ref, rows, cols):
    zeros = jnp.zeros((16,), jnp.float32)
    if rows == 1:
        @pl.loop(0, cols // 16)
        def _(k):
            ref[pl.ds(k * 16, 16)] = zeros
    else:
        @pl.loop(0, rows)
        def _(j):
            for k in range(cols // 16):
                ref[j, pl.ds(k * 16, 16)] = zeros


def _deg_body(dst_hbm, deg_hbm, idx_v, ones_v, buf_v, deg_sh):
    c = lax.axis_index("c")
    s = lax.axis_index("s")
    _zero_vmem(buf_v, 1, RPT)
    pltpu.sync_copy(buf_v, deg_sh.at[pl.ds(s * RPT, RPT)])
    ones = jnp.ones((16,), jnp.float32)
    for k in range(DEG_CHUNK // 16):
        ones_v[pl.ds(k * 16, 16)] = ones
    plsc.subcore_barrier()
    pltpu.sync_copy(dst_hbm.at[s], idx_v)

    @pl.loop(0, DEG_CHUNKS)
    def _(j):
        pltpu.sync_copy(ones_v, deg_sh.at[idx_v.at[j]], add=True)

    plsc.subcore_barrier()
    half = RPT // 2
    off = s * RPT + c * half
    pltpu.sync_copy(deg_sh.at[pl.ds(off, half)], buf_v.at[pl.ds(c * half, half)])
    pltpu.sync_copy(buf_v.at[pl.ds(c * half, half)], deg_hbm.at[pl.ds(off, half)])


@functools.partial(
    pl.kernel,
    out_type=jax.ShapeDtypeStruct((N_PAD,), jnp.float32),
    mesh=_MESH,
    scratch_types=[
        pltpu.VMEM((DEG_CHUNKS, DEG_CHUNK), jnp.int32),
        pltpu.VMEM((DEG_CHUNK,), jnp.float32),
        pltpu.VMEM((RPT,), jnp.float32),
        pltpu.VMEM_SHARED((N_PAD,), jnp.float32),
    ],
)
def _deg_kernel(dst_hbm, deg_hbm, idx_v, ones_v, buf_v, deg_sh):
    _deg_body(dst_hbm, deg_hbm, idx_v, ones_v, buf_v, deg_sh)


def _edge_body(xp_hbm, idx_hbm, parts_hbm,
               idx_v, rows_v, zbuf_v, acc_sh, gsem, ssem, isem):
    c = lax.axis_index("c")
    s = lax.axis_index("s")
    w = c * NS + s
    _zero_vmem(zbuf_v, 16, D)
    @pl.loop(0, RPT // 16)
    def _(k):
        pltpu.sync_copy(zbuf_v, acc_sh.at[pl.ds(s * RPT + k * 16, 16)])
    plsc.subcore_barrier()

    def gather(g, b, p):
        pltpu.async_copy(xp_hbm.at[idx_v.at[p, b, 0]], rows_v.at[b],
                         gsem.at[b])

    def gather_wait(g, b, p):
        pltpu.make_async_copy(
            xp_hbm.at[idx_v.at[p, b, 0]], rows_v.at[b], gsem.at[b]).wait()

    def scatter(g, b, p):
        pltpu.async_copy(rows_v.at[b], acc_sh.at[idx_v.at[p, b, 1]],
                         ssem.at[b], add=True)

    def scatter_wait(g, b, p):
        pltpu.make_async_copy(
            rows_v.at[b], acc_sh.at[idx_v.at[p, b, 1]], ssem.at[b]).wait()

    def idx_load(g, p):
        pltpu.async_copy(idx_hbm.at[w, g], idx_v.at[p], isem)

    def idx_wait(g, p):
        pltpu.make_async_copy(idx_hbm.at[w, g], idx_v.at[p], isem).wait()

    pltpu.sync_copy(idx_hbm.at[w, 0], idx_v.at[0])
    for b in range(NBUF):
        gather(0, b, 0)
    idx_load(1, 1)

    @pl.loop(0, NGRP, step=2)
    def _(g):
        for p in range(2):
            gg = g + p
            for b in range(NBUF):
                gather_wait(gg, b, p)
                scatter(gg, b, p)
            nxt = gg + 1

            @pl.when(nxt < NGRP)
            def _():
                idx_wait(nxt, 1 - p)
            for b in range(NBUF):
                scatter_wait(gg, b, p)

                @pl.when(nxt < NGRP)
                def _():
                    gather(nxt, b, 1 - p)

            @pl.when(nxt + 1 < NGRP)
            def _():
                idx_load(nxt + 1, p)

    plsc.subcore_barrier()
    pltpu.sync_copy(acc_sh.at[pl.ds(s * RPT, RPT)],
                    parts_hbm.at[c].at[pl.ds(s * RPT, RPT)])


@functools.partial(
    pl.kernel,
    out_type=jax.ShapeDtypeStruct((NC, N_PAD, D), jnp.float32),
    mesh=_MESH,
    scratch_types=[
        pltpu.VMEM((2, NBUF, 2, CHUNK), jnp.int32),
        pltpu.VMEM((NBUF, CHUNK, D), jnp.float32),
        pltpu.VMEM((16, D), jnp.float32),
        pltpu.VMEM_SHARED((N_PAD, D), jnp.float32),
        pltpu.SemaphoreType.DMA((NBUF,)),
        pltpu.SemaphoreType.DMA((NBUF,)),
        pltpu.SemaphoreType.DMA,
    ],
)
def _edge_kernel(xp_hbm, idx_hbm, parts_hbm,
                 idx_v, rows_v, zbuf_v, acc_sh, gsem, ssem, isem):
    _edge_body(xp_hbm, idx_hbm, parts_hbm,
               idx_v, rows_v, zbuf_v, acc_sh, gsem, ssem, isem)


def _scale_body(x_ref, deg_ref, xp_ref, dis_ref):
    dis = lax.rsqrt(deg_ref[...] + 1.0)
    dis_ref[...] = dis
    xp_ref[...] = x_ref[...] * dis[:, None]


def _scale(x_pad, deg):
    blk = 2048
    return pl.pallas_call(
        _scale_body,
        grid=(N_PAD // blk,),
        in_specs=[
            pl.BlockSpec((blk, D), lambda i: (i, 0)),
            pl.BlockSpec((blk,), lambda i: (i,)),
        ],
        out_specs=[
            pl.BlockSpec((blk, D), lambda i: (i, 0)),
            pl.BlockSpec((blk,), lambda i: (i,)),
        ],
        out_shape=[
            jax.ShapeDtypeStruct((N_PAD, D), jnp.float32),
            jax.ShapeDtypeStruct((N_PAD,), jnp.float32),
        ],
    )(x_pad, deg)


BLK = 512
NBLK = N_PAD // BLK


def _final_body(parts_ref, xp_ref, dis_ref, W_ref, b_ref, g_ref, be_ref,
                o_ref, olin_ref, ssum_ref, ssq_ref, stat_ref):
    p = pl.program_id(0)
    i = pl.program_id(1)

    @pl.when(p == 0)
    def _():
        @pl.when(i == 0)
        def _():
            ssum_ref[...] = jnp.zeros_like(ssum_ref)
            ssq_ref[...] = jnp.zeros_like(ssq_ref)

        a = (parts_ref[0] + parts_ref[1] + xp_ref[...]) * dis_ref[...][:, None]
        ol = jnp.dot(a, W_ref[...], preferred_element_type=jnp.float32)
        ol = ol + b_ref[...][None, :]
        rows = i * BLK + lax.broadcasted_iota(jnp.int32, (BLK, 1), 0)
        m = (rows < N).astype(jnp.float32)
        olm = ol * m
        olin_ref[pl.ds(i * BLK, BLK), :] = ol
        ssum_ref[...] += jnp.sum(olm, axis=0, keepdims=True)
        ssq_ref[...] += jnp.sum(olm * olm, axis=0, keepdims=True)

    @pl.when(p == 1)
    def _():
        @pl.when(i == 0)
        def _():
            mean = ssum_ref[...] / N
            var = ssq_ref[...] / N - mean * mean
            stat_ref[0:1, :] = mean
            stat_ref[1:2, :] = lax.rsqrt(var + 1e-5)

        mean = stat_ref[0:1, :]
        inv = stat_ref[1:2, :]
        ol = olin_ref[pl.ds(i * BLK, BLK), :]
        o_ref[...] = jnp.maximum(
            (ol - mean) * inv * g_ref[...][None, :] + be_ref[...][None, :], 0.0)


def _final(parts, xp, dis, W, b, gamma, beta):
    return pl.pallas_call(
        _final_body,
        grid=(2, NBLK),
        in_specs=[
            pl.BlockSpec((NC, BLK, D), lambda p, i: (0, i, 0)),
            pl.BlockSpec((BLK, D), lambda p, i: (i, 0)),
            pl.BlockSpec((BLK,), lambda p, i: (i,)),
            pl.BlockSpec((D, D), lambda p, i: (0, 0)),
            pl.BlockSpec((D,), lambda p, i: (0,)),
            pl.BlockSpec((D,), lambda p, i: (0,)),
            pl.BlockSpec((D,), lambda p, i: (0,)),
        ],
        out_specs=pl.BlockSpec((BLK, D), lambda p, i: (i, 0)),
        out_shape=jax.ShapeDtypeStruct((N_PAD, D), jnp.float32),
        scratch_shapes=[
            pltpu.VMEM((N_PAD, D), jnp.float32),
            pltpu.VMEM((1, D), jnp.float32),
            pltpu.VMEM((1, D), jnp.float32),
            pltpu.VMEM((2, D), jnp.float32),
        ],
    )(parts, xp, dis, W, b, gamma, beta)


def kernel(x, edge_index, W, b, gamma, beta):
    src = edge_index[0]
    dst = edge_index[1]
    pad = jnp.full((E_PAD - E,), N, dtype=jnp.int32)
    srcp = jnp.concatenate([src, pad]).reshape(NW, NGRP, NBUF, CHUNK)
    dstp = jnp.concatenate([dst, pad]).reshape(NW, NGRP, NBUF, CHUNK)
    eidx = jnp.stack([srcp, dstp], axis=3)
    dst_deg = dstp.reshape(NS, DEG_CHUNKS, DEG_CHUNK)
    x_pad = jnp.concatenate([x, jnp.zeros((N_PAD - N, D), x.dtype)])

    deg = _deg_kernel(dst_deg)
    xp, dis = _scale(x_pad, deg)
    parts = _edge_kernel(xp, eidx)
    out = _final(parts, xp, dis, W, b, gamma, beta)
    return out[:N]

# --- scband reference (transcript-rebuilt; emitter-appended) ---
"""Pipeline reference for scband-gnnlayer-10943576671007 (READ-ONLY COPY).

The authoritative reference and input builder live on the scoring server;
editing this copy changes nothing except your own understanding.
"""

import jax, jax.numpy as jnp
import numpy as np

N = 10000
E = 320000
D_IN = 128
D_OUT = 128


def setup_inputs(seed: int = 0) -> dict:
    key = jax.random.key(seed)
    k1, k2, k3, k4, k5, k6 = jax.random.split(key, 6)
    x = jax.random.normal(k1, (N, D_IN), dtype=jnp.float32)
    edge_index = jax.random.randint(k2, (2, E), 0, N, dtype=jnp.int32)
    # GCNConv weight (glorot) and bias
    W = jax.random.normal(k3, (D_IN, D_OUT), dtype=jnp.float32) * (1.0 / np.sqrt(D_IN))
    b = jnp.zeros((D_OUT,), dtype=jnp.float32)
    # BatchNorm affine params
    gamma = jnp.ones((D_OUT,), dtype=jnp.float32)
    beta = jnp.zeros((D_OUT,), dtype=jnp.float32)
    return {"x": x, "edge_index": edge_index, "W": W, "b": b, "gamma": gamma, "beta": beta}


def reference(x, edge_index, W, b, gamma, beta):
    n = x.shape[0]
    # --- GCNConv: add self-loops, symmetric normalization ---
    loop = jnp.arange(n, dtype=edge_index.dtype)
    src = jnp.concatenate([edge_index[0], loop])
    dst = jnp.concatenate([edge_index[1], loop])
    deg = jnp.zeros((n,), dtype=x.dtype).at[dst].add(1.0)
    deg_inv_sqrt = jnp.where(deg > 0, jax.lax.rsqrt(jnp.maximum(deg, 1e-12)), 0.0)
    norm = deg_inv_sqrt[src] * deg_inv_sqrt[dst]
    h = x @ W
    msg = jnp.take(h, src, axis=0) * norm[:, None]
    out = jax.ops.segment_sum(msg, dst, num_segments=n) + b
    # --- BatchNorm1d (training mode: batch statistics, biased variance) ---
    mean = jnp.mean(out, axis=0)
    var = jnp.var(out, axis=0)
    out = (out - mean) * jax.lax.rsqrt(var + 1e-5) * gamma + beta
    # --- ReLU ---
    return jax.nn.relu(out)

if __name__ == "__main__":
    import jax
    _d = setup_inputs()
    print(jax.jit(kernel)(*tuple(_d.values())))

</pallas_src>

<mosaic_0001>
#map = affine_map<(d0, d1) -> (0, 0)>
#map1 = affine_map<(d0, d1) -> (0, 0, 0, 0, 0)>
#map2 = affine_map<(d0, d1) -> (0, 0, 0)>
module attributes {stable_mosaic.version = 14 : i64} {
  func.func @_edge_kernel(%arg0: i32, %arg1: i32, %arg2: memref<10240x128xf32, #tpu.memory_space<hbm>>, %arg3: memref<32x32x5x2x64xi32, #tpu.memory_space<hbm>>, %arg4: memref<2x10240x128xf32, #tpu.memory_space<hbm>>, %arg5: memref<2x5x2x64xi32, #tpu.memory_space<vmem>>, %arg6: memref<5x64x128xf32, #tpu.memory_space<vmem>>, %arg7: memref<16x128xf32, #tpu.memory_space<vmem>>, %arg8: memref<10240x128xf32, #tpu.memory_space<vmem_shared>>, %arg9: memref<5x!tpu.dma_semaphore, #tpu.memory_space<semaphore_mem>>, %arg10: memref<5x!tpu.dma_semaphore, #tpu.memory_space<semaphore_mem>>, %arg11: memref<!tpu.dma_semaphore, #tpu.memory_space<semaphore_mem>>) attributes {dimension_semantics = [#tpu.dimension_semantics<core_parallel>, #tpu.dimension_semantics<subcore_parallel>], iteration_bounds = array<i64: 2, 16>, scalar_prefetch = 0 : i64, scratch_operands = 7 : i64, tpu.core_type = #tpu.core_type<sc_vector_subcore>, window_params = [{transform_indices = #map}, {transform_indices = #map1}, {transform_indices = #map2}]} {
    %mul3A = arith.constant 16 : i32
    %mul3A_0 = arith.muli %arg0, %mul3A : i32
    %add3A = arith.addi %mul3A_0, %arg1 : i32
    %broadcast_in_dim3A = arith.constant 0.000000e+00 : f32
    %broadcast_in_dim3A_1 = vector.broadcast %broadcast_in_dim3A : f32 to vector<16xf32>
    %scan3A = arith.constant 0 : i32
    %scan3A_2 = arith.constant 16 : i32
    %scan3A_3 = arith.addi %scan3A, %scan3A_2 : i32
    %scan3A_4 = arith.constant 1 : i32
    scf.for %scan3A_128 = %scan3A to %scan3A_3 step %scan3A_4  : i32 {
      %mul3A_129 = arith.constant 1 : i32
      %mul3A_130 = arith.muli %scan3A_128, %mul3A_129 : i32
      %add3A_131 = arith.constant 0 : i32
      %add3A_132 = arith.addi %add3A_131, %mul3A_130 : i32
      %swap3A = arith.index_cast %add3A_132 : i32 to index
      %swap3A_133 = arith.constant 0 : index
      %swap3A_134 = tpu.vector_load %arg7[%swap3A, %swap3A_133] {strides = array<i32>} : memref<16x128xf32, #tpu.memory_space<vmem>>, vector<1x16xf32>,
      %swap3A_135 = vector.shape_cast %swap3A_134 : vector<1x16xf32> to vector<16xf32>
      %swap3A_136 = vector.shape_cast %broadcast_in_dim3A_1 : vector<16xf32> to vector<1x16xf32>
      tpu.vector_store %arg7[%swap3A, %swap3A_133], %swap3A_136 {strides = array<i32>} : memref<16x128xf32, #tpu.memory_space<vmem>>, vector<1x16xf32>,
      %swap3A_137 = arith.index_cast %add3A_132 : i32 to index
      %swap3A_138 = arith.constant 16 : index
      %swap3A_139 = tpu.vector_load %arg7[%swap3A_137, %swap3A_138] {strides = array<i32>} : memref<16x128xf32, #tpu.memory_space<vmem>>, vector<1x16xf32>,
      %swap3A_140 = vector.shape_cast %swap3A_139 : vector<1x16xf32> to vector<16xf32>
      %swap3A_141 = vector.shape_cast %broadcast_in_dim3A_1 : vector<16xf32> to vector<1x16xf32>
      tpu.vector_store %arg7[%swap3A_137, %swap3A_138], %swap3A_141 {strides = array<i32>} : memref<16x128xf32, #tpu.memory_space<vmem>>, vector<1x16xf32>,
      %swap3A_142 = arith.index_cast %add3A_132 : i32 to index
      %swap3A_143 = arith.constant 32 : index
      %swap3A_144 = tpu.vector_load %arg7[%swap3A_142, %swap3A_143] {strides = array<i32>} : memref<16x128xf32, #tpu.memory_space<vmem>>, vector<1x16xf32>,
      %swap3A_145 = vector.shape_cast %swap3A_144 : vector<1x16xf32> to vector<16xf32>
      %swap3A_146 = vector.shape_cast %broadcast_in_dim3A_1 : vector<16xf32> to vector<1x16xf32>
      tpu.vector_store %arg7[%swap3A_142, %swap3A_143], %swap3A_146 {strides = array<i32>} : memref<16x128xf32, #tpu.memory_space<vmem>>, vector<1x16xf32>,
      %swap3A_147 = arith.index_cast %add3A_132 : i32 to index
      %swap3A_148 = arith.constant 48 : index
      %swap3A_149 = tpu.vector_load %arg7[%swap3A_147, %swap3A_148] {strides = array<i32>} : memref<16x128xf32, #tpu.memory_space<vmem>>, vector<1x16xf32>,
      %swap3A_150 = vector.shape_cast %swap3A_149 : vector<1x16xf32> to vector<16xf32>
      %swap3A_151 = vector.shape_cast %broadcast_in_dim3A_1 : vector<16xf32> to vector<1x16xf32>
      tpu.vector_store %arg7[%swap3A_147, %swap3A_148], %swap3A_151 {strides = array<i32>} : memref<16x128xf32, #tpu.memory_space<vmem>>, vector<1x16xf32>,
      %swap3A_152 = arith.index_cast %add3A_132 : i32 to index
      %swap3A_153 = arith.constant 64 : index
      %swap3A_154 = tpu.vector_load %arg7[%swap3A_152, %swap3A_153] {strides = array<i32>} : memref<16x128xf32, #tpu.memory_space<vmem>>, vector<1x16xf32>,
      %swap3A_155 = vector.shape_cast %swap3A_154 : vector<1x16xf32> to vector<16xf32>
      %swap3A_156 = vector.shape_cast %broadcast_in_dim3A_1 : vector<16xf32> to vector<1x16xf32>
      tpu.vector_store %arg7[%swap3A_152, %swap3A_153], %swap3A_156 {strides = array<i32>} : memref<16x128xf32, #tpu.memory_space<vmem>>, vector<1x16xf32>,
      %swap3A_157 = arith.index_cast %add3A_132 : i32 to index
      %swap3A_158 = arith.constant 80 : index
      %swap3A_159 = tpu.vector_load %arg7[%swap3A_157, %swap3A_158] {strides = array<i32>} : memref<16x128xf32, #tpu.memory_space<vmem>>, vector<1x16xf32>,
      %swap3A_160 = vector.shape_cast %swap3A_159 : vector<1x16xf32> to vector<16xf32>
      %swap3A_161 = vector.shape_cast %broadcast_in_dim3A_1 : vector<16xf32> to vector<1x16xf32>
      tpu.vector_store %arg7[%swap3A_157, %swap3A_158], %swap3A_161 {strides = array<i32>} : memref<16x128xf32, #tpu.memory_space<vmem>>, vector<1x16xf32>,
      %swap3A_162 = arith.index_cast %add3A_132 : i32 to index
      %swap3A_163 = arith.constant 96 : index
      %swap3A_164 = tpu.vector_load %arg7[%swap3A_162, %swap3A_163] {strides = array<i32>} : memref<16x128xf32, #tpu.memory_space<vmem>>, vector<1x16xf32>,
      %swap3A_165 = vector.shape_cast %swap3A_164 : vector<1x16xf32> to vector<16xf32>
      %swap3A_166 = vector.shape_cast %broadcast_in_dim3A_1 : vector<16xf32> to vector<1x16xf32>
      tpu.vector_store %arg7[%swap3A_162, %swap3A_163], %swap3A_166 {strides = array<i32>} : memref<16x128xf32, #tpu.memory_space<vmem>>, vector<1x16xf32>,
      %swap3A_167 = arith.index_cast %add3A_132 : i32 to index
      %swap3A_168 = arith.constant 112 : index
      %swap3A_169 = tpu.vector_load %arg7[%swap3A_167, %swap3A_168] {strides = array<i32>} : memref<16x128xf32, #tpu.memory_space<vmem>>, vector<1x16xf32>,
      %swap3A_170 = vector.shape_cast %swap3A_169 : vector<1x16xf32> to vector<16xf32>
      %swap3A_171 = vector.shape_cast %broadcast_in_dim3A_1 : vector<16xf32> to vector<1x16xf32>
      tpu.vector_store %arg7[%swap3A_167, %swap3A_168], %swap3A_171 {strides = array<i32>} : memref<16x128xf32, #tpu.memory_space<vmem>>, vector<1x16xf32>,
    }
    %scan3A_5 = arith.constant 16 : i32
    %scan3A_6 = arith.constant 0 : i32
    %scan3A_7 = arith.constant 40 : i32
    %scan3A_8 = arith.addi %scan3A_6, %scan3A_7 : i32
    %scan3A_9 = arith.constant 1 : i32
    scf.for %scan3A_128 = %scan3A_6 to %scan3A_8 step %scan3A_9  : i32 {
      %mul3A_129 = arith.constant 1 : i32
      %mul3A_130 = arith.muli %scan3A_128, %mul3A_129 : i32
      %add3A_131 = arith.constant 0 : i32
      %add3A_132 = arith.addi %add3A_131, %mul3A_130 : i32
      %mul3A_133 = arith.constant 640 : i32
      %mul3A_134 = arith.muli %arg1, %mul3A_133 : i32
      %mul3A_135 = arith.constant 16 : i32
      %mul3A_136 = arith.muli %add3A_132, %mul3A_135 : i32
      %add3A_137 = arith.addi %mul3A_134, %mul3A_136 : i32
      "tpu.region"() ({
        %run_scoped3A_138 = tpu.sem_alloc : memref<!tpu.dma_semaphore, #tpu.memory_space<semaphore_mem>>
        %dma_start3A_139 = arith.constant 0 : i32
        %dma_start3A_140 = tpu.memref_slice %arg8[%add3A_137, %dma_start3A_139] : memref<10240x128xf32, #tpu.memory_space<vmem_shared>> -> memref<16x128xf32, #tpu.memory_space<vmem_shared>>
        %dma_start3A_141 = arith.constant 0 : i32
        %dma_start3A_142 = tpu.memref_slice %arg8[%add3A_137, %dma_start3A_141] : memref<10240x128xf32, #tpu.memory_space<vmem_shared>> -> memref<16x128xf32, #tpu.memory_space<vmem_shared>>
        tpu.enqueue_dma source(%arg7 : memref<16x128xf32, #tpu.memory_space<vmem>>) target(%dma_start3A_142 : memref<16x128xf32, #tpu.memory_space<vmem_shared>>) target_semaphore(%run_scoped3A_138 : memref<!tpu.dma_semaphore, #tpu.memory_space<semaphore_mem>>)
        %dma_wait3A = arith.constant 0 : i32
        %dma_wait3A_143 = tpu.memref_slice %arg8[%add3A_137, %dma_wait3A] : memref<10240x128xf32, #tpu.memory_space<vmem_shared>> -> memref<16x128xf32, #tpu.memory_space<vmem_shared>>
        %dma_wait3A_144 = arith.constant 0 : i32
        %dma_wait3A_145 = tpu.memref_slice %arg8[%add3A_137, %dma_wait3A_144] : memref<10240x128xf32, #tpu.memory_space<vmem_shared>> -> memref<16x128xf32, #tpu.memory_space<vmem_shared>>
        tpu.wait_dma2 semaphore(%run_scoped3A_138 : memref<!tpu.dma_semaphore, #tpu.memory_space<semaphore_mem>>) src(%arg7 : memref<16x128xf32, #tpu.memory_space<vmem>>) dst(%dma_wait3A_145 : memref<16x128xf32, #tpu.memory_space<vmem_shared>>)
        tpu.yield
      }) : () -> ()
    }
    %scan3A_10 = arith.constant 40 : i32
    %barrier3A = arith.constant 0 : index
    tpu.barrier barrier_id(%barrier3A)
    %run_scoped3A = arith.constant 0 : i32
    %run_scoped3A_11 = arith.constant 0 : i32
    "tpu.region"() ({
      %run_scoped3A_128 = tpu.sem_alloc : memref<!tpu.dma_semaphore, #tpu.memory_space<semaphore_mem>>
      %dma_start3A_129 = arith.constant 0 : i32
      %dma_start3A_130 = arith.constant 0 : i32
      %dma_start3A_131 = arith.constant 0 : i32
      %dma_start3A_132 = tpu.memref_slice %arg5[%run_scoped3A_11, %dma_start3A_129, %dma_start3A_130, %dma_start3A_131] : memref<2x5x2x64xi32, #tpu.memory_space<vmem>> -> memref<1x5x2x64xi32, #tpu.memory_space<vmem>>
      %dma_start3A_133 = tpu.memref_squeeze %dma_start3A_132 : memref<1x5x2x64xi32, #tpu.memory_space<vmem>> -> memref<5x2x64xi32, #tpu.memory_space<vmem>>
      %dma_start3A_134 = arith.constant 0 : i32
      %dma_start3A_135 = arith.constant 0 : i32
      %dma_start3A_136 = arith.constant 0 : i32
      %dma_start3A_137 = tpu.memref_slice %arg3[%add3A, %run_scoped3A, %dma_start3A_134, %dma_start3A_135, %dma_start3A_136] : memref<32x32x5x2x64xi32, #tpu.memory_space<hbm>> -> memref<1x1x5x2x64xi32, #tpu.memory_space<hbm>>
      %dma_start3A_138 = tpu.memref_squeeze %dma_start3A_137 : memref<1x1x5x2x64xi32, #tpu.memory_space<hbm>> -> memref<5x2x64xi32, #tpu.memory_space<hbm>>
      %dma_start3A_139 = arith.constant 0 : i32
      %dma_start3A_140 = arith.constant 0 : i32
      %dma_start3A_141 = arith.constant 0 : i32
      %dma_start3A_142 = tpu.memref_slice %arg5[%run_scoped3A_11, %dma_start3A_139, %dma_start3A_140, %dma_start3A_141] : memref<2x5x2x64xi32, #tpu.memory_space<vmem>> -> memref<1x5x2x64xi32, #tpu.memory_space<vmem>>
      %dma_start3A_143 = tpu.memref_squeeze %dma_start3A_142 : memref<1x5x2x64xi32, #tpu.memory_space<vmem>> -> memref<5x2x64xi32, #tpu.memory_space<vmem>>
      %dma_start3A_144 = arith.constant 0 : i32
      %dma_start3A_145 = arith.constant 0 : i32
      %dma_start3A_146 = arith.constant 0 : i32
      %dma_start3A_147 = tpu.memref_slice %arg3[%add3A, %run_scoped3A, %dma_start3A_144, %dma_start3A_145, %dma_start3A_146] : memref<32x32x5x2x64xi32, #tpu.memory_space<hbm>> -> memref<1x1x5x2x64xi32, #tpu.memory_space<hbm>>
      %dma_start3A_148 = tpu.memref_squeeze %dma_start3A_147 : memref<1x1x5x2x64xi32, #tpu.memory_space<hbm>> -> memref<5x2x64xi32, #tpu.memory_space<hbm>>
      tpu.enqueue_dma source(%dma_start3A_148 : memref<5x2x64xi32, #tpu.memory_space<hbm>>) target(%dma_start3A_143 : memref<5x2x64xi32, #tpu.memory_space<vmem>>) target_semaphore(%run_scoped3A_128 : memref<!tpu.dma_semaphore, #tpu.memory_space<semaphore_mem>>)
      %dma_wait3A = arith.constant 0 : i32
      %dma_wait3A_149 = arith.constant 0 : i32
      %dma_wait3A_150 = arith.constant 0 : i32
      %dma_wait3A_151 = tpu.memref_slice %arg5[%run_scoped3A_11, %dma_wait3A, %dma_wait3A_149, %dma_wait3A_150] : memref<2x5x2x64xi32, #tpu.memory_space<vmem>> -> memref<1x5x2x64xi32, #tpu.memory_space<vmem>>
      %dma_wait3A_152 = tpu.memref_squeeze %dma_wait3A_151 : memref<1x5x2x64xi32, #tpu.memory_space<vmem>> -> memref<5x2x64xi32, #tpu.memory_space<vmem>>
      %dma_wait3A_153 = arith.constant 0 : i32
      %dma_wait3A_154 = arith.constant 0 : i32
      %dma_wait3A_155 = arith.constant 0 : i32
      %dma_wait3A_156 = tpu.memref_slice %arg3[%add3A, %run_scoped3A, %dma_wait3A_153, %dma_wait3A_154, %dma_wait3A_155] : memref<32x32x5x2x64xi32, #tpu.memory_space<hbm>> -> memref<1x1x5x2x64xi32, #tpu.memory_space<hbm>>
      %dma_wait3A_157 = tpu.memref_squeeze %dma_wait3A_156 : memref<1x1x5x2x64xi32, #tpu.memory_space<hbm>> -> memref<5x2x64xi32, #tpu.memory_space<hbm>>
      %dma_wait3A_158 = arith.constant 0 : i32
      %dma_wait3A_159 = arith.constant 0 : i32
      %dma_wait3A_160 = arith.constant 0 : i32
      %dma_wait3A_161 = tpu.memref_slice %arg5[%run_scoped3A_11, %dma_wait3A_158, %dma_wait3A_159, %dma_wait3A_160] : memref<2x5x2x64xi32, #tpu.memory_space<vmem>> -> memref<1x5x2x64xi32, #tpu.memory_space<vmem>>
      %dma_wait3A_162 = tpu.memref_squeeze %dma_wait3A_161 : memref<1x5x2x64xi32, #tpu.memory_space<vmem>> -> memref<5x2x64xi32, #tpu.memory_space<vmem>>
      %dma_wait3A_163 = arith.constant 0 : i32
      %dma_wait3A_164 = arith.constant 0 : i32
      %dma_wait3A_165 = arith.constant 0 : i32
      %dma_wait3A_166 = tpu.memref_slice %arg3[%add3A, %run_scoped3A, %dma_wait3A_163, %dma_wait3A_164, %dma_wait3A_165] : memref<32x32x5x2x64xi32, #tpu.memory_space<hbm>> -> memref<1x1x5x2x64xi32, #tpu.memory_space<hbm>>
      %dma_wait3A_167 = tpu.memref_squeeze %dma_wait3A_166 : memref<1x1x5x2x64xi32, #tpu.memory_space<hbm>> -> memref<5x2x64xi32, #tpu.memory_space<hbm>>
      tpu.wait_dma2 semaphore(%run_scoped3A_128 : memref<!tpu.dma_semaphore, #tpu.memory_space<semaphore_mem>>) src(%dma_wait3A_167 : memref<5x2x64xi32, #tpu.memory_space<hbm>>) dst(%dma_wait3A_162 : memref<5x2x64xi32, #tpu.memory_space<vmem>>)
      tpu.yield
    }) : () -> ()
    %dma_start3A = arith.constant 0 : i32
    %dma_start3A_12 = arith.constant 0 : i32
    %dma_start3A_13 = arith.constant 0 : i32
    %dma_start3A_14 = arith.constant 0 : i32
    %dma_start3A_15 = arith.constant 0 : i32
    %dma_start3A_16 = arith.constant 0 : i32
    %dma_start3A_17 = arith.constant 0 : i32
    %dma_start3A_18 = tpu.memref_slice %arg6[%dma_start3A_14, %dma_start3A_16, %dma_start3A_17] : memref<5x64x128xf32, #tpu.memory_space<vmem>> -> memref<1x64x128xf32, #tpu.memory_space<vmem>>
    %dma_start3A_19 = tpu.memref_squeeze %dma_start3A_18 : memref<1x64x128xf32, #tpu.memory_space<vmem>> -> memref<64x128xf32, #tpu.memory_space<vmem>>
    %dma_start3A_20 = arith.constant 0 : i32
    %dma_start3A_21 = tpu.memref_slice %arg5[%dma_start3A, %dma_start3A_12, %dma_start3A_13, %dma_start3A_20] : memref<2x5x2x64xi32, #tpu.memory_space<vmem>> -> memref<1x1x1x64xi32, #tpu.memory_space<vmem>>
    %dma_start3A_22 = tpu.memref_squeeze %dma_start3A_21 : memref<1x1x1x64xi32, #tpu.memory_space<vmem>> -> memref<64xi32, #tpu.memory_space<vmem>>
    %dma_start3A_23 = arith.constant 0 : i32
    %dma_start3A_24 = arith.constant 0 : i32
    %dma_start3A_25 = tpu.memref_slice %arg2[%dma_start3A_23, %dma_start3A_24] : memref<10240x128xf32, #tpu.memory_space<hbm>> -> memref<10240x128xf32, #tpu.memory_space<hbm>>
    %dma_start3A_26 = tpu.memref_slice %arg9[%dma_start3A_15] : memref<5x!tpu.dma_semaphore, #tpu.memory_space<semaphore_mem>> -> memref<1x!tpu.dma_semaphore, #tpu.memory_space<semaphore_mem>>
    %dma_start3A_27 = tpu.memref_squeeze %dma_start3A_26 : memref<1x!tpu.dma_semaphore, #tpu.memory_space<semaphore_mem>> -> memref<!tpu.dma_semaphore, #tpu.memory_space<semaphore_mem>>
    tpu.enqueue_indirect_dma source(%dma_start3A_25 : memref<10240x128xf32, #tpu.memory_space<hbm>>) target(%dma_start3A_19 : memref<64x128xf32, #tpu.memory_space<vmem>>) offsets(%dma_start3A_22 : memref<64xi32, #tpu.memory_space<vmem>>) semaphore(%dma_start3A_27 : memref<!tpu.dma_semaphore, #tpu.memory_space<semaphore_mem>>)
    %dma_start3A_28 = arith.constant 0 : i32
    %dma_start3A_29 = arith.constant 1 : i32
    %dma_start3A_30 = arith.constant 0 : i32
    %dma_start3A_31 = arith.constant 1 : i32
    %dma_start3A_32 = arith.constant 1 : i32
    %dma_start3A_33 = arith.constant 0 : i32
    %dma_start3A_34 = arith.constant 0 : i32
    %dma_start3A_35 = tpu.memref_slice %arg6[%dma_start3A_31, %dma_start3A_33, %dma_start3A_34] : memref<5x64x128xf32, #tpu.memory_space<vmem>> -> memref<1x64x128xf32, #tpu.memory_space<vmem>>
    %dma_start3A_36 = tpu.memref_squeeze %dma_start3A_35 : memref<1x64x128xf32, #tpu.memory_space<vmem>> -> memref<64x128xf32, #tpu.memory_space<vmem>>
    %dma_start3A_37 = arith.constant 0 : i32
    %dma_start3A_38 = tpu.memref_slice %arg5[%dma_start3A_28, %dma_start3A_29, %dma_start3A_30, %dma_start3A_37] : memref<2x5x2x64xi32, #tpu.memory_space<vmem>> -> memref<1x1x1x64xi32, #tpu.memory_space<vmem>>
    %dma_start3A_39 = tpu.memref_squeeze %dma_start3A_38 : memref<1x1x1x64xi32, #tpu.memory_space<vmem>> -> memref<64xi32, #tpu.memory_space<vmem>>
    %dma_start3A_40 = arith.constant 0 : i32
    %dma_start3A_41 = arith.constant 0 : i32
    %dma_start3A_42 = tpu.memref_slice %arg2[%dma_start3A_40, %dma_start3A_41] : memref<10240x128xf32, #tpu.memory_space<hbm>> -> memref<10240x128xf32, #tpu.memory_space<hbm>>
    %dma_start3A_43 = tpu.memref_slice %arg9[%dma_start3A_32] : memref<5x!tpu.dma_semaphore, #tpu.memory_space<semaphore_mem>> -> memref<1x!tpu.dma_semaphore, #tpu.memory_space<semaphore_mem>>
    %dma_start3A_44 = tpu.memref_squeeze %dma_start3A_43 : memref<1x!tpu.dma_semaphore, #tpu.memory_space<semaphore_mem>> -> memref<!tpu.dma_semaphore, #tpu.memory_space<semaphore_mem>>
    tpu.enqueue_indirect_dma source(%dma_start3A_42 : memref<10240x128xf32, #tpu.memory_space<hbm>>) target(%dma_start3A_36 : memref<64x128xf32, #tpu.memory_space<vmem>>) offsets(%dma_start3A_39 : memref<64xi32, #tpu.memory_space<vmem>>) semaphore(%dma_start3A_44 : memref<!tpu.dma_semaphore, #tpu.memory_space<semaphore_mem>>)
    %dma_start3A_45 = arith.constant 0 : i32
    %dma_start3A_46 = arith.constant 2 : i32
    %dma_start3A_47 = arith.constant 0 : i32
    %dma_start3A_48 = arith.constant 2 : i32
    %dma_start3A_49 = arith.constant 2 : i32
    %dma_start3A_50 = arith.constant 0 : i32
    %dma_start3A_51 = arith.constant 0 : i32
    %dma_start3A_52 = tpu.memref_slice %arg6[%dma_start3A_48, %dma_start3A_50, %dma_start3A_51] : memref<5x64x128xf32, #tpu.memory_space<vmem>> -> memref<1x64x128xf32, #tpu.memory_space<vmem>>
    %dma_start3A_53 = tpu.memref_squeeze %dma_start3A_52 : memref<1x64x128xf32, #tpu.memory_space<vmem>> -> memref<64x128xf32, #tpu.memory_space<vmem>>
    %dma_start3A_54 = arith.constant 0 : i32
    %dma_start3A_55 = tpu.memref_slice %arg5[%dma_start3A_45, %dma_start3A_46, %dma_start3A_47, %dma_start3A_54] : memref<2x5x2x64xi32, #tpu.memory_space<vmem>> -> memref<1x1x1x64xi32, #tpu.memory_space<vmem>>
    %dma_start3A_56 = tpu.memref_squeeze %dma_start3A_55 : memref<1x1x1x64xi32, #tpu.memory_space<vmem>> -> memref<64xi32, #tpu.memory_space<vmem>>
    %dma_start3A_57 = arith.constant 0 : i32
    %dma_start3A_58 = arith.constant 0 : i32
    %dma_start3A_59 = tpu.memref_slice %arg2[%dma_start3A_57, %dma_start3A_58] : memref<10240x128xf32, #tpu.memory_space<hbm>> -> memref<10240x128xf32, #tpu.memory_space<hbm>>
    %dma_start3A_60 = tpu.memref_slice %arg9[%dma_start3A_49] : memref<5x!tpu.dma_semaphore, #tpu.memory_space<semaphore_mem>> -> memref<1x!tpu.dma_semaphore, #tpu.memory_space<semaphore_mem>>
    %dma_start3A_61 = tpu.memref_squeeze %dma_start3A_60 : memref<1x!tpu.dma_semaphore, #tpu.memory_space<semaphore_mem>> -> memref<!tpu.dma_semaphore, #tpu.memory_space<semaphore_mem>>
    tpu.enqueue_indirect_dma source(%dma_start3A_59 : memref<10240x128xf32, #tpu.memory_space<hbm>>) target(%dma_start3A_53 : memref<64x128xf32, #tpu.memory_space<vmem>>) offsets(%dma_start3A_56 : memref<64xi32, #tpu.memory_space<vmem>>) semaphore(%dma_start3A_61 : memref<!tpu.dma_semaphore, #tpu.memory_space<semaphore_mem>>)
    %dma_start3A_62 = arith.constant 0 : i32
    %dma_start3A_63 = arith.constant 3 : i32
    %dma_start3A_64 = arith.constant 0 : i32
    %dma_start3A_65 = arith.constant 3 : i32
    %dma_start3A_66 = arith.constant 3 : i32
    %dma_start3A_67 = arith.constant 0 : i32
    %dma_start3A_68 = arith.constant 0 : i32
    %dma_start3A_69 = tpu.memref_slice %arg6[%dma_start3A_65, %dma_start3A_67, %dma_start3A_68] : memref<5x64x128xf32, #tpu.memory_space<vmem>> -> memref<1x64x128xf32, #tpu.memory_space<vmem>>
    %dma_start3A_70 = tpu.memref_squeeze %dma_start3A_69 : memref<1x64x128xf32, #tpu.memory_space<vmem>> -> memref<64x128xf32, #tpu.memory_space<vmem>>
    %dma_start3A_71 = arith.constant 0 : i32
    %dma_start3A_72 = tpu.memref_slice %arg5[%dma_start3A_62, %dma_start3A_63, %dma_start3A_64, %dma_start3A_71] : memref<2x5x2x64xi32, #tpu.memory_space<vmem>> -> memref<1x1x1x64xi32, #tpu.memory_space<vmem>>
    %dma_start3A_73 = tpu.memref_squeeze %dma_start3A_72 : memref<1x1x1x64xi32, #tpu.memory_space<vmem>> -> memref<64xi32, #tpu.memory_space<vmem>>
    %dma_start3A_74 = arith.constant 0 : i32
    %dma_start3A_75 = arith.constant 0 : i32
    %dma_start3A_76 = tpu.memref_slice %arg2[%dma_start3A_74, %dma_start3A_75] : memref<10240x128xf32, #tpu.memory_space<hbm>> -> memref<10240x128xf32, #tpu.memory_space<hbm>>
    %dma_start3A_77 = tpu.memref_slice %arg9[%dma_start3A_66] : memref<5x!tpu.dma_semaphore, #tpu.memory_space<semaphore_mem>> -> memref<1x!tpu.dma_semaphore, #tpu.memory_space<semaphore_mem>>
    %dma_start3A_78 = tpu.memref_squeeze %dma_start3A_77 : memref<1x!tpu.dma_semaphore, #tpu.memory_space<semaphore_mem>> -> memref<!tpu.dma_semaphore, #tpu.memory_space<semaphore_mem>>
    tpu.enqueue_indirect_dma source(%dma_start3A_76 : memref<10240x128xf32, #tpu.memory_space<hbm>>) target(%dma_start3A_70 : memref<64x128xf32, #tpu.memory_space<vmem>>) offsets(%dma_start3A_73 : memref<64xi32, #tpu.memory_space<vmem>>) semaphore(%dma_start3A_78 : memref<!tpu.dma_semaphore, #tpu.memory_space<semaphore_mem>>)
    %dma_start3A_79 = arith.constant 0 : i32
    %dma_start3A_80 = arith.constant 4 : i32
    %dma_start3A_81 = arith.constant 0 : i32
    %dma_start3A_82 = arith.constant 4 : i32
    %dma_start3A_83 = arith.constant 4 : i32
    %dma_start3A_84 = arith.constant 0 : i32
    %dma_start3A_85 = arith.constant 0 : i32
    %dma_start3A_86 = tpu.memref_slice %arg6[%dma_start3A_82, %dma_start3A_84, %dma_start3A_85] : memref<5x64x128xf32, #tpu.memory_space<vmem>> -> memref<1x64x128xf32, #tpu.memory_space<vmem>>
    %dma_start3A_87 = tpu.memref_squeeze %dma_start3A_86 : memref<1x64x128xf32, #tpu.memory_space<vmem>> -> memref<64x128xf32, #tpu.memory_space<vmem>>
    %dma_start3A_88 = arith.constant 0 : i32
    %dma_start3A_89 = tpu.memref_slice %arg5[%dma_start3A_79, %dma_start3A_80, %dma_start3A_81, %dma_start3A_88] : memref<2x5x2x64xi32, #tpu.memory_space<vmem>> -> memref<1x1x1x64xi32, #tpu.memory_space<vmem>>
    %dma_start3A_90 = tpu.memref_squeeze %dma_start3A_89 : memref<1x1x1x64xi32, #tpu.memory_space<vmem>> -> memref<64xi32, #tpu.memory_space<vmem>>
    %dma_start3A_91 = arith.constant 0 : i32
    %dma_start3A_92 = arith.constant 0 : i32
    %dma_start3A_93 = tpu.memref_slice %arg2[%dma_start3A_91, %dma_start3A_92] : memref<10240x128xf32, #tpu.memory_space<hbm>> -> memref<10240x128xf32, #tpu.memory_space<hbm>>
    %dma_start3A_94 = tpu.memref_slice %arg9[%dma_start3A_83] : memref<5x!tpu.dma_semaphore, #tpu.memory_space<semaphore_mem>> -> memref<1x!tpu.dma_semaphore, #tpu.memory_space<semaphore_mem>>
    %dma_start3A_95 = tpu.memref_squeeze %dma_start3A_94 : memref<1x!tpu.dma_semaphore, #tpu.memory_space<semaphore_mem>> -> memref<!tpu.dma_semaphore, #tpu.memory_space<semaphore_mem>>
    tpu.enqueue_indirect_dma source(%dma_start3A_93 : memref<10240x128xf32, #tpu.memory_space<hbm>>) target(%dma_start3A_87 : memref<64x128xf32, #tpu.memory_space<vmem>>) offsets(%dma_start3A_90 : memref<64xi32, #tpu.memory_space<vmem>>) semaphore(%dma_start3A_95 : memref<!tpu.dma_semaphore, #tpu.memory_space<semaphore_mem>>)
    %dma_start3A_96 = arith.constant 1 : i32
    %dma_start3A_97 = arith.constant 1 : i32
    %dma_start3A_98 = arith.constant 0 : i32
    %dma_start3A_99 = arith.constant 0 : i32
    %dma_start3A_100 = arith.constant 0 : i32
    %dma_start3A_101 = tpu.memref_slice %arg5[%dma_start3A_97, %dma_start3A_98, %dma_start3A_99, %dma_start3A_100] : memref<2x5x2x64xi32, #tpu.memory_space<vmem>> -> memref<1x5x2x64xi32, #tpu.memory_space<vmem>>
    %dma_start3A_102 = tpu.memref_squeeze %dma_start3A_101 : memref<1x5x2x64xi32, #tpu.memory_space<vmem>> -> memref<5x2x64xi32, #tpu.memory_space<vmem>>
    %dma_start3A_103 = arith.constant 0 : i32
    %dma_start3A_104 = arith.constant 0 : i32
    %dma_start3A_105 = arith.constant 0 : i32
    %dma_start3A_106 = tpu.memref_slice %arg3[%add3A, %dma_start3A_96, %dma_start3A_103, %dma_start3A_104, %dma_start3A_105] : memref<32x32x5x2x64xi32, #tpu.memory_space<hbm>> -> memref<1x1x5x2x64xi32, #tpu.memory_space<hbm>>
    %dma_start3A_107 = tpu.memref_squeeze %dma_start3A_106 : memref<1x1x5x2x64xi32, #tpu.memory_space<hbm>> -> memref<5x2x64xi32, #tpu.memory_space<hbm>>
    %dma_start3A_108 = arith.constant 0 : i32
    %dma_start3A_109 = arith.constant 0 : i32
    %dma_start3A_110 = arith.constant 0 : i32
    %dma_start3A_111 = tpu.memref_slice %arg5[%dma_start3A_97, %dma_start3A_108, %dma_start3A_109, %dma_start3A_110] : memref<2x5x2x64xi32, #tpu.memory_space<vmem>> -> memref<1x5x2x64xi32, #tpu.memory_space<vmem>>
    %dma_start3A_112 = tpu.memref_squeeze %dma_start3A_111 : memref<1x5x2x64xi32, #tpu.memory_space<vmem>> -> memref<5x2x64xi32, #tpu.memory_space<vmem>>
    %dma_start3A_113 = arith.constant 0 : i32
    %dma_start3A_114 = arith.constant 0 : i32
    %dma_start3A_115 = arith.constant 0 : i32
    %dma_start3A_116 = tpu.memref_slice %arg3[%add3A, %dma_start3A_96, %dma_start3A_113, %dma_start3A_114, %dma_start3A_115] : memref<32x32x5x2x64xi32, #tpu.memory_space<hbm>> -> memref<1x1x5x2x64xi32, #tpu.memory_space<hbm>>
    %dma_start3A_117 = tpu.memref_squeeze %dma_start3A_116 : memref<1x1x5x2x64xi32, #tpu.memory_space<hbm>> -> memref<5x2x64xi32, #tpu.memory_space<hbm>>
    tpu.enqueue_dma source(%dma_start3A_117 : memref<5x2x64xi32, #tpu.memory_space<hbm>>) target(%dma_start3A_112 : memref<5x2x64xi32, #tpu.memory_space<vmem>>) target_semaphore(%arg11 : memref<!tpu.dma_semaphore, #tpu.memory_space<semaphore_mem>>)
    %scan3A_118 = arith.constant 0 : i32
    %scan3A_119 = arith.constant 16 : i32
    %scan3A_120 = arith.addi %scan3A_118, %scan3A_119 : i32
    %scan3A_121 = arith.constant 1 : i32
    scf.for %scan3A_128 = %scan3A_118 to %scan3A_120 step %scan3A_121  : i32 {
      %mul3A_129 = arith.constant 2 : i32
      %mul3A_130 = arith.muli %scan3A_128, %mul3A_129 : i32
      %add3A_131 = arith.constant 0 : i32
      %add3A_132 = arith.addi %add3A_131, %mul3A_130 : i32
      %add3A_133 = arith.constant 0 : i32
      %add3A_134 = arith.addi %add3A_132, %add3A_133 : i32
      %dma_wait3A = arith.constant 0 : i32
      %dma_wait3A_135 = arith.constant 0 : i32
      %dma_wait3A_136 = arith.constant 0 : i32
      %dma_wait3A_137 = arith.constant 0 : i32
      %dma_wait3A_138 = arith.constant 0 : i32
      %dma_wait3A_139 = arith.constant 0 : i32
      %dma_wait3A_140 = arith.constant 0 : i32
      %dma_wait3A_141 = tpu.memref_slice %arg6[%dma_wait3A_137, %dma_wait3A_139, %dma_wait3A_140] : memref<5x64x128xf32, #tpu.memory_space<vmem>> -> memref<1x64x128xf32, #tpu.memory_space<vmem>>
      %dma_wait3A_142 = tpu.memref_squeeze %dma_wait3A_141 : memref<1x64x128xf32, #tpu.memory_space<vmem>> -> memref<64x128xf32, #tpu.memory_space<vmem>>
      %dma_wait3A_143 = arith.constant 0 : i32
      %dma_wait3A_144 = tpu.memref_slice %arg5[%dma_wait3A, %dma_wait3A_135, %dma_wait3A_136, %dma_wait3A_143] : memref<2x5x2x64xi32, #tpu.memory_space<vmem>> -> memref<1x1x1x64xi32, #tpu.memory_space<vmem>>
      %dma_wait3A_145 = tpu.memref_squeeze %dma_wait3A_144 : memref<1x1x1x64xi32, #tpu.memory_space<vmem>> -> memref<64xi32, #tpu.memory_space<vmem>>
      %dma_wait3A_146 = arith.constant 0 : i32
      %dma_wait3A_147 = arith.constant 0 : i32
      %dma_wait3A_148 = tpu.memref_slice %arg2[%dma_wait3A_146, %dma_wait3A_147] : memref<10240x128xf32, #tpu.memory_space<hbm>> -> memref<10240x128xf32, #tpu.memory_space<hbm>>
      %dma_wait3A_149 = tpu.memref_slice %arg9[%dma_wait3A_138] : memref<5x!tpu.dma_semaphore, #tpu.memory_space<semaphore_mem>> -> memref<1x!tpu.dma_semaphore, #tpu.memory_space<semaphore_mem>>
      %dma_wait3A_150 = tpu.memref_squeeze %dma_wait3A_149 : memref<1x!tpu.dma_semaphore, #tpu.memory_space<semaphore_mem>> -> memref<!tpu.dma_semaphore, #tpu.memory_space<semaphore_mem>>
      tpu.wait_indirect_dma semaphore(%dma_wait3A_150 : memref<!tpu.dma_semaphore, #tpu.memory_space<semaphore_mem>>) src(%dma_wait3A_148 : memref<10240x128xf32, #tpu.memory_space<hbm>>) dst(%dma_wait3A_142 : memref<64x128xf32, #tpu.memory_space<vmem>>)
      %dma_start3A_151 = arith.constant 0 : i32
      %dma_start3A_152 = arith.constant 0 : i32
      %dma_start3A_153 = arith.constant 0 : i32
      %dma_start3A_154 = arith.constant 1 : i32
      %dma_start3A_155 = arith.constant 0 : i32
      %dma_start3A_156 = arith.constant 0 : i32
      %dma_start3A_157 = arith.constant 0 : i32
      %dma_start3A_158 = tpu.memref_slice %arg6[%dma_start3A_151, %dma_start3A_156, %dma_start3A_157] : memref<5x64x128xf32, #tpu.memory_space<vmem>> -> memref<1x64x128xf32, #tpu.memory_space<vmem>>
      %dma_start3A_159 = tpu.memref_squeeze %dma_start3A_158 : memref<1x64x128xf32, #tpu.memory_space<vmem>> -> memref<64x128xf32, #tpu.memory_space<vmem>>
      %dma_start3A_160 = arith.constant 0 : i32
      %dma_start3A_161 = tpu.memref_slice %arg5[%dma_start3A_152, %dma_start3A_153, %dma_start3A_154, %dma_start3A_160] : memref<2x5x2x64xi32, #tpu.memory_space<vmem>> -> memref<1x1x1x64xi32, #tpu.memory_space<vmem>>
      %dma_start3A_162 = tpu.memref_squeeze %dma_start3A_161 : memref<1x1x1x64xi32, #tpu.memory_space<vmem>> -> memref<64xi32, #tpu.memory_space<vmem>>
      %dma_start3A_163 = arith.constant 0 : i32
      %dma_start3A_164 = arith.constant 0 : i32
      %dma_start3A_165 = tpu.memref_slice %arg8[%dma_start3A_163, %dma_start3A_164] : memref<10240x128xf32, #tpu.memory_space<vmem_shared>> -> memref<10240x128xf32, #tpu.memory_space<vmem_shared>>
      %dma_start3A_166 = tpu.memref_slice %arg10[%dma_start3A_155] : memref<5x!tpu.dma_semaphore, #tpu.memory_space<semaphore_mem>> -> memref<1x!tpu.dma_semaphore, #tpu.memory_space<semaphore_mem>>
      %dma_start3A_167 = tpu.memref_squeeze %dma_start3A_166 : memref<1x!tpu.dma_semaphore, #tpu.memory_space<semaphore_mem>> -> memref<!tpu.dma_semaphore, #tpu.memory_space<semaphore_mem>>
      tpu.enqueue_indirect_dma source(%dma_start3A_159 : memref<64x128xf32, #tpu.memory_space<vmem>>) target(%dma_start3A_165 : memref<10240x128xf32, #tpu.memory_space<vmem_shared>>) offsets(%dma_start3A_162 : memref<64xi32, #tpu.memory_space<vmem>>) semaphore(%dma_start3A_167 : memref<!tpu.dma_semaphore, #tpu.memory_space<semaphore_mem>>) {add = true}
      %dma_wait3A_168 = arith.constant 0 : i32
      %dma_wait3A_169 = arith.constant 1 : i32
      %dma_wait3A_170 = arith.constant 0 : i32
      %dma_wait3A_171 = arith.constant 1 : i32
      %dma_wait3A_172 = arith.constant 1 : i32
      %dma_wait3A_173 = arith.constant 0 : i32
      %dma_wait3A_174 = arith.constant 0 : i32
      %dma_wait3A_175 = tpu.memref_slice %arg6[%dma_wait3A_171, %dma_wait3A_173, %dma_wait3A_174] : memref<5x64x128xf32, #tpu.memory_space<vmem>> -> memref<1x64x128xf32, #tpu.memory_space<vmem>>
      %dma_wait3A_176 = tpu.memref_squeeze %dma_wait3A_175 : memref<1x64x128xf32, #tpu.memory_space<vmem>> -> memref<64x128xf32, #tpu.memory_space<vmem>>
      %dma_wait3A_177 = arith.constant 0 : i32
      %dma_wait3A_178 = tpu.memref_slice %arg5[%dma_wait3A_168, %dma_wait3A_169, %dma_wait3A_170, %dma_wait3A_177] : memref<2x5x2x64xi32, #tpu.memory_space<vmem>> -> memref<1x1x1x64xi32, #tpu.memory_space<vmem>>
      %dma_wait3A_179 = tpu.memref_squeeze %dma_wait3A_178 : memref<1x1x1x64xi32, #tpu.memory_space<vmem>> -> memref<64xi32, #tpu.memory_space<vmem>>
      %dma_wait3A_180 = arith.constant 0 : i32
      %dma_wait3A_181 = arith.constant 0 : i32
      %dma_wait3A_182 = tpu.memref_slice %arg2[%dma_wait3A_180, %dma_wait3A_181] : memref<10240x128xf32, #tpu.memory_space<hbm>> -> memref<10240x128xf32, #tpu.memory_space<hbm>>
      %dma_wait3A_183 = tpu.memref_slice %arg9[%dma_wait3A_172] : memref<5x!tpu.dma_semaphore, #tpu.memory_space<semaphore_mem>> -> memref<1x!tpu.dma_semaphore, #tpu.memory_space<semaphore_mem>>
      %dma_wait3A_184 = tpu.memref_squeeze %dma_wait3A_183 : memref<1x!tpu.dma_semaphore, #tpu.memory_space<semaphore_mem>> -> memref<!tpu.dma_semaphore, #tpu.memory_space<semaphore_mem>>
      tpu.wait_indirect_dma semaphore(%dma_wait3A_184 : memref<!tpu.dma_semaphore, #tpu.memory_space<semaphore_mem>>) src(%dma_wait3A_182 : memref<10240x128xf32, #tpu.memory_space<hbm>>) dst(%dma_wait3A_176 : memref<64x128xf32, #tpu.memory_space<vmem>>)
      %dma_start3A_185 = arith.constant 1 : i32
      %dma_start3A_186 = arith.constant 0 : i32
      %dma_start3A_187 = arith.constant 1 : i32
      %dma_start3A_188 = arith.constant 1 : i32
      %dma_start3A_189 = arith.constant 1 : i32
      %dma_start3A_190 = arith.constant 0 : i32
      %dma_start3A_191 = arith.constant 0 : i32
      %dma_start3A_192 = tpu.memref_slice %arg6[%dma_start3A_185, %dma_start3A_190, %dma_start3A_191] : memref<5x64x128xf32, #tpu.memory_space<vmem>> -> memref<1x64x128xf32, #tpu.memory_space<vmem>>
      %dma_start3A_193 = tpu.memref_squeeze %dma_start3A_192 : memref<1x64x128xf32, #tpu.memory_space<vmem>> -> memref<64x128xf32, #tpu.memory_space<vmem>>
      %dma_start3A_194 = arith.constant 0 : i32
      %dma_start3A_195 = tpu.memref_slice %arg5[%dma_start3A_186, %dma_start3A_187, %dma_start3A_188, %dma_start3A_194] : memref<2x5x2x64xi32, #tpu.memory_space<vmem>> -> memref<1x1x1x64xi32, #tpu.memory_space<vmem>>
      %dma_start3A_196 = tpu.memref_squeeze %dma_start3A_195 : memref<1x1x1x64xi32, #tpu.memory_space<vmem>> -> memref<64xi32, #tpu.memory_space<vmem>>
      %dma_start3A_197 = arith.constant 0 : i32
      %dma_start3A_198 = arith.constant 0 : i32
      %dma_start3A_199 = tpu.memref_slice %arg8[%dma_start3A_197, %dma_start3A_198] : memref<10240x128xf32, #tpu.memory_space<vmem_shared>> -> memref<10240x128xf32, #tpu.memory_space<vmem_shared>>
      %dma_start3A_200 = tpu.memref_slice %arg10[%dma_start3A_189] : memref<5x!tpu.dma_semaphore, #tpu.memory_space<semaphore_mem>> -> memref<1x!tpu.dma_semaphore, #tpu.memory_space<semaphore_mem>>
      %dma_start3A_201 = tpu.memref_squeeze %dma_start3A_200 : memref<1x!tpu.dma_semaphore, #tpu.memory_space<semaphore_mem>> -> memref<!tpu.dma_semaphore, #tpu.memory_space<semaphore_mem>>
      tpu.enqueue_indirect_dma source(%dma_start3A_193 : memref<64x128xf32, #tpu.memory_space<vmem>>) target(%dma_start3A_199 : memref<10240x128xf32, #tpu.memory_space<vmem_shared>>) offsets(%dma_start3A_196 : memref<64xi32, #tpu.memory_space<vmem>>) semaphore(%dma_start3A_201 : memref<!tpu.dma_semaphore, #tpu.memory_space<semaphore_mem>>) {add = true}
      %dma_wait3A_202 = arith.constant 0 : i32
      %dma_wait3A_203 = arith.constant 2 : i32
      %dma_wait3A_204 = arith.constant 0 : i32
      %dma_wait3A_205 = arith.constant 2 : i32
      %dma_wait3A_206 = arith.constant 2 : i32
      %dma_wait3A_207 = arith.constant 0 : i32
      %dma_wait3A_208 = arith.constant 0 : i32
      %dma_wait3A_209 = tpu.memref_slice %arg6[%dma_wait3A_205, %dma_wait3A_207, %dma_wait3A_208] : memref<5x64x128xf32, #tpu.memory_space<vmem>> -> memref<1x64x128xf32, #tpu.memory_space<vmem>>
      %dma_wait3A_210 = tpu.memref_squeeze %dma_wait3A_209 : memref<1x64x128xf32, #tpu.memory_space<vmem>> -> memref<64x128xf32, #tpu.memory_space<vmem>>
      %dma_wait3A_211 = arith.constant 0 : i32
      %dma_wait3A_212 = tpu.memref_slice %arg5[%dma_wait3A_202, %dma_wait3A_203, %dma_wait3A_204, %dma_wait3A_211] : memref<2x5x2x64xi32, #tpu.memory_space<vmem>> -> memref<1x1x1x64xi32, #tpu.memory_space<vmem>>
      %dma_wait3A_213 = tpu.memref_squeeze %dma_wait3A_212 : memref<1x1x1x64xi32, #tpu.memory_space<vmem>> -> memref<64xi32, #tpu.memory_space<vmem>>
      %dma_wait3A_214 = arith.constant 0 : i32
      %dma_wait3A_215 = arith.constant 0 : i32
      %dma_wait3A_216 = tpu.memref_slice %arg2[%dma_wait3A_214, %dma_wait3A_215] : memref<10240x128xf32, #tpu.memory_space<hbm>> -> memref<10240x128xf32, #tpu.memory_space<hbm>>
      %dma_wait3A_217 = tpu.memref_slice %arg9[%dma_wait3A_206] : memref<5x!tpu.dma_semaphore, #tpu.memory_space<semaphore_mem>> -> memref<1x!tpu.dma_semaphore, #tpu.memory_space<semaphore_mem>>
      %dma_wait3A_218 = tpu.memref_squeeze %dma_wait3A_217 : memref<1x!tpu.dma_semaphore, #tpu.memory_space<semaphore_mem>> -> memref<!tpu.dma_semaphore, #tpu.memory_space<semaphore_mem>>
      tpu.wait_indirect_dma semaphore(%dma_wait3A_218 : memref<!tpu.dma_semaphore, #tpu.memory_space<semaphore_mem>>) src(%dma_wait3A_216 : memref<10240x128xf32, #tpu.memory_space<hbm>>) dst(%dma_wait3A_210 : memref<64x128xf32, #tpu.memory_space<vmem>>)
      %dma_start3A_219 = arith.constant 2 : i32
      %dma_start3A_220 = arith.constant 0 : i32
      %dma_start3A_221 = arith.constant 2 : i32
      %dma_start3A_222 = arith.constant 1 : i32
      %dma_start3A_223 = arith.constant 2 : i32
      %dma_start3A_224 = arith.constant 0 : i32
      %dma_start3A_225 = arith.constant 0 : i32
      %dma_start3A_226 = tpu.memref_slice %arg6[%dma_start3A_219, %dma_start3A_224, %dma_start3A_225] : memref<5x64x128xf32, #tpu.memory_space<vmem>> -> memref<1x64x128xf32, #tpu.memory_space<vmem>>
      %dma_start3A_227 = tpu.memref_squeeze %dma_start3A_226 : memref<1x64x128xf32, #tpu.memory_space<vmem>> -> memref<64x128xf32, #tpu.memory_space<vmem>>
      %dma_start3A_228 = arith.constant 0 : i32
      %dma_start3A_229 = tpu.memref_slice %arg5[%dma_start3A_220, %dma_start3A_221, %dma_start3A_222, %dma_start3A_228] : memref<2x5x2x64xi32, #tpu.memory_space<vmem>> -> memref<1x1x1x64xi32, #tpu.memory_space<vmem>>
      %dma_start3A_230 = tpu.memref_squeeze %dma_start3A_229 : memref<1x1x1x64xi32, #tpu.memory_space<vmem>> -> memref<64xi32, #tpu.memory_space<vmem>>
      %dma_start3A_231 = arith.constant 0 : i32
      %dma_start3A_232 = arith.constant 0 : i32
      %dma_start3A_233 = tpu.memref_slice %arg8[%dma_start3A_231, %dma_start3A_232] : memref<10240x128xf32, #tpu.memory_space<vmem_shared>> -> memref<10240x128xf32, #tpu.memory_space<vmem_shared>>
      %dma_start3A_234 = tpu.memref_slice %arg10[%dma_start3A_223] : memref<5x!tpu.dma_semaphore, #tpu.memory_space<semaphore_mem>> -> memref<1x!tpu.dma_semaphore, #tpu.memory_space<semaphore_mem>>
      %dma_start3A_235 = tpu.memref_squeeze %dma_start3A_234 : memref<1x!tpu.dma_semaphore, #tpu.memory_space<semaphore_mem>> -> memref<!tpu.dma_semaphore, #tpu.memory_space<semaphore_mem>>
      tpu.enqueue_indirect_dma source(%dma_start3A_227 : memref<64x128xf32, #tpu.memory_space<vmem>>) target(%dma_start3A_233 : memref<10240x128xf32, #tpu.memory_space<vmem_shared>>) offsets(%dma_start3A_230 : memref<64xi32, #tpu.memory_space<vmem>>) semaphore(%dma_start3A_235 : memref<!tpu.dma_semaphore, #tpu.memory_space<semaphore_mem>>) {add = true}
      %dma_wait3A_236 = arith.constant 0 : i32
      %dma_wait3A_237 = arith.constant 3 : i32
      %dma_wait3A_238 = arith.constant 0 : i32
      %dma_wait3A_239 = arith.constant 3 : i32
      %dma_wait3A_240 = arith.constant 3 : i32
      %dma_wait3A_241 = arith.constant 0 : i32
      %dma_wait3A_242 = arith.constant 0 : i32
      %dma_wait3A_243 = tpu.memref_slice %arg6[%dma_wait3A_239, %dma_wait3A_241, %dma_wait3A_242] : memref<5x64x128xf32, #tpu.memory_space<vmem>> -> memref<1x64x128xf32, #tpu.memory_space<vmem>>
      %dma_wait3A_244 = tpu.memref_squeeze %dma_wait3A_243 : memref<1x64x128xf32, #tpu.memory_space<vmem>> -> memref<64x128xf32, #tpu.memory_space<vmem>>
      %dma_wait3A_245 = arith.constant 0 : i32
      %dma_wait3A_246 = tpu.memref_slice %arg5[%dma_wait3A_236, %dma_wait3A_237, %dma_wait3A_238, %dma_wait3A_245] : memref<2x5x2x64xi32, #tpu.memory_space<vmem>> -> memref<1x1x1x64xi32, #tpu.memory_space<vmem>>
      %dma_wait3A_247 = tpu.memref_squeeze %dma_wait3A_246 : memref<1x1x1x64xi32, #tpu.memory_space<vmem>> -> memref<64xi32, #tpu.memory_space<vmem>>
      %dma_wait3A_248 = arith.constant 0 : i32
      %dma_wait3A_249 = arith.constant 0 : i32
      %dma_wait3A_250 = tpu.memref_slice %arg2[%dma_wait3A_248, %dma_wait3A_249] : memref<10240x128xf32, #tpu.memory_space<hbm>> -> memref<10240x128xf32, #tpu.memory_space<hbm>>
      %dma_wait3A_251 = tpu.memref_slice %arg9[%dma_wait3A_240] : memref<5x!tpu.dma_semaphore, #tpu.memory_space<semaphore_mem>> -> memref<1x!tpu.dma_semaphore, #tpu.memory_space<semaphore_mem>>
      %dma_wait3A_252 = tpu.memref_squeeze %dma_wait3A_251 : memref<1x!tpu.dma_semaphore, #tpu.memory_space<semaphore_mem>> -> memref<!tpu.dma_semaphore, #tpu.memory_space<semaphore_mem>>
      tpu.wait_indirect_dma semaphore(%dma_wait3A_252 : memref<!tpu.dma_semaphore, #tpu.memory_space<semaphore_mem>>) src(%dma_wait3A_250 : memref<10240x128xf32, #tpu.memory_space<hbm>>) dst(%dma_wait3A_244 : memref<64x128xf32, #tpu.memory_space<vmem>>)
      %dma_start3A_253 = arith.constant 3 : i32
      %dma_start3A_254 = arith.constant 0 : i32
      %dma_start3A_255 = arith.constant 3 : i32
      %dma_start3A_256 = arith.constant 1 : i32
      %dma_start3A_257 = arith.constant 3 : i32
      %dma_start3A_258 = arith.constant 0 : i32
      %dma_start3A_259 = arith.constant 0 : i32
      %dma_start3A_260 = tpu.memref_slice %arg6[%dma_start3A_253, %dma_start3A_258, %dma_start3A_259] : memref<5x64x128xf32, #tpu.memory_space<vmem>> -> memref<1x64x128xf32, #tpu.memory_space<vmem>>
      %dma_start3A_261 = tpu.memref_squeeze %dma_start3A_260 : memref<1x64x128xf32, #tpu.memory_space<vmem>> -> memref<64x128xf32, #tpu.memory_space<vmem>>
      %dma_start3A_262 = arith.constant 0 : i32
      %dma_start3A_263 = tpu.memref_slice %arg5[%dma_start3A_254, %dma_start3A_255, %dma_start3A_256, %dma_start3A_262] : memref<2x5x2x64xi32, #tpu.memory_space<vmem>> -> memref<1x1x1x64xi32, #tpu.memory_space<vmem>>
      %dma_start3A_264 = tpu.memref_squeeze %dma_start3A_263 : memref<1x1x1x64xi32, #tpu.memory_space<vmem>> -> memref<64xi32, #tpu.memory_space<vmem>>
      %dma_start3A_265 = arith.constant 0 : i32
      %dma_start3A_266 = arith.constant 0 : i32
      %dma_start3A_267 = tpu.memref_slice %arg8[%dma_start3A_265, %dma_start3A_266] : memref<10240x128xf32, #tpu.memory_space<vmem_shared>> -> memref<10240x128xf32, #tpu.memory_space<vmem_shared>>
      %dma_start3A_268 = tpu.memref_slice %arg10[%dma_start3A_257] : memref<5x!tpu.dma_semaphore, #tpu.memory_space<semaphore_mem>> -> memref<1x!tpu.dma_semaphore, #tpu.memory_space<semaphore_mem>>
      %dma_start3A_269 = tpu.memref_squeeze %dma_start3A_268 : memref<1x!tpu.dma_semaphore, #tpu.memory_space<semaphore_mem>> -> memref<!tpu.dma_semaphore, #tpu.memory_space<semaphore_mem>>
      tpu.enqueue_indirect_dma source(%dma_start3A_261 : memref<64x128xf32, #tpu.memory_space<vmem>>) target(%dma_start3A_267 : memref<10240x128xf32, #tpu.memory_space<vmem_shared>>) offsets(%dma_start3A_264 : memref<64xi32, #tpu.memory_space<vmem>>) semaphore(%dma_start3A_269 : memref<!tpu.dma_semaphore, #tpu.memory_space<semaphore_mem>>) {add = true}
      %dma_wait3A_270 = arith.constant 0 : i32
      %dma_wait3A_271 = arith.constant 4 : i32
      %dma_wait3A_272 = arith.constant 0 : i32
      %dma_wait3A_273 = arith.constant 4 : i32
      %dma_wait3A_274 = arith.constant 4 : i32
      %dma_wait3A_275 = arith.constant 0 : i32
      %dma_wait3A_276 = arith.constant 0 : i32
      %dma_wait3A_277 = tpu.memref_slice %arg6[%dma_wait3A_273, %dma_wait3A_275, %dma_wait3A_276] : memref<5x64x128xf32, #tpu.memory_space<vmem>> -> memref<1x64x128xf32, #tpu.memory_space<vmem>>
      %dma_wait3A_278 = tpu.memref_squeeze %dma_wait3A_277 : memref<1x64x128xf32, #tpu.memory_space<vmem>> -> memref<64x128xf32, #tpu.memory_space<vmem>>
      %dma_wait3A_279 = arith.constant 0 : i32
      %dma_wait3A_280 = tpu.memref_slice %arg5[%dma_wait3A_270, %dma_wait3A_271, %dma_wait3A_272, %dma_wait3A_279] : memref<2x5x2x64xi32, #tpu.memory_space<vmem>> -> memref<1x1x1x64xi32, #tpu.memory_space<vmem>>
      %dma_wait3A_281 = tpu.memref_squeeze %dma_wait3A_280 : memref<1x1x1x64xi32, #tpu.memory_space<vmem>> -> memref<64xi32, #tpu.memory_space<vmem>>
      %dma_wait3A_282 = arith.constant 0 : i32
      %dma_wait3A_283 = arith.constant 0 : i32
      %dma_wait3A_284 = tpu.memref_slice %arg2[%dma_wait3A_282, %dma_wait3A_283] : memref<10240x128xf32, #tpu.memory_space<hbm>> -> memref<10240x128xf32, #tpu.memory_space<hbm>>
      %dma_wait3A_285 = tpu.memref_slice %arg9[%dma_wait3A_274] : memref<5x!tpu.dma_semaphore, #tpu.memory_space<semaphore_mem>> -> memref<1x!tpu.dma_semaphore, #tpu.memory_space<semaphore_mem>>
      %dma_wait3A_286 = tpu.memref_squeeze %dma_wait3A_285 : memref<1x!tpu.dma_semaphore, #tpu.memory_space<semaphore_mem>> -> memref<!tpu.dma_semaphore, #tpu.memory_space<semaphore_mem>>
      tpu.wait_indirect_dma semaphore(%dma_wait3A_286 : memref<!tpu.dma_semaphore, #tpu.memory_space<semaphore_mem>>) src(%dma_wait3A_284 : memref<10240x128xf32, #tpu.memory_space<hbm>>) dst(%dma_wait3A_278 : memref<64x128xf32, #tpu.memory_space<vmem>>)
      %dma_start3A_287 = arith.constant 4 : i32
      %dma_start3A_288 = arith.constant 0 : i32
      %dma_start3A_289 = arith.constant 4 : i32
      %dma_start3A_290 = arith.constant 1 : i32
      %dma_start3A_291 = arith.constant 4 : i32
      %dma_start3A_292 = arith.constant 0 : i32
      %dma_start3A_293 = arith.constant 0 : i32
      %dma_start3A_294 = tpu.memref_slice %arg6[%dma_start3A_287, %dma_start3A_292, %dma_start3A_293] : memref<5x64x128xf32, #tpu.memory_space<vmem>> -> memref<1x64x128xf32, #tpu.memory_space<vmem>>
      %dma_start3A_295 = tpu.memref_squeeze %dma_start3A_294 : memref<1x64x128xf32, #tpu.memory_space<vmem>> -> memref<64x128xf32, #tpu.memory_space<vmem>>
      %dma_start3A_296 = arith.constant 0 : i32
      %dma_start3A_297 = tpu.memref_slice %arg5[%dma_start3A_288, %dma_start3A_289, %dma_start3A_290, %dma_start3A_296] : memref<2x5x2x64xi32, #tpu.memory_space<vmem>> -> memref<1x1x1x64xi32, #tpu.memory_space<vmem>>
      %dma_start3A_298 = tpu.memref_squeeze %dma_start3A_297 : memref<1x1x1x64xi32, #tpu.memory_space<vmem>> -> memref<64xi32, #tpu.memory_space<vmem>>
      %dma_start3A_299 = arith.constant 0 : i32
      %dma_start3A_300 = arith.constant 0 : i32
      %dma_start3A_301 = tpu.memref_slice %arg8[%dma_start3A_299, %dma_start3A_300] : memref<10240x128xf32, #tpu.memory_space<vmem_shared>> -> memref<10240x128xf32, #tpu.memory_space<vmem_shared>>
      %dma_start3A_302 = tpu.memref_slice %arg10[%dma_start3A_291] : memref<5x!tpu.dma_semaphore, #tpu.memory_space<semaphore_mem>> -> memref<1x!tpu.dma_semaphore, #tpu.memory_space<semaphore_mem>>
      %dma_start3A_303 = tpu.memref_squeeze %dma_start3A_302 : memref<1x!tpu.dma_semaphore, #tpu.memory_space<semaphore_mem>> -> memref<!tpu.dma_semaphore, #tpu.memory_space<semaphore_mem>>
      tpu.enqueue_indirect_dma source(%dma_start3A_295 : memref<64x128xf32, #tpu.memory_space<vmem>>) target(%dma_start3A_301 : memref<10240x128xf32, #tpu.memory_space<vmem_shared>>) offsets(%dma_start3A_298 : memref<64xi32, #tpu.memory_space<vmem>>) semaphore(%dma_start3A_303 : memref<!tpu.dma_semaphore, #tpu.memory_space<semaphore_mem>>) {add = true}
      %add3A_304 = arith.constant 1 : i32
      %add3A_305 = arith.addi %add3A_134, %add3A_304 : i32
      %lt3A = arith.constant 32 : i32
      %lt3A_306 = arith.cmpi slt, %add3A_305, %lt3A : i32
      %convert_element_type3A = arith.extui %lt3A_306 : i1 to i32
      %cond3A = arith.constant 0 : i32
      %cond3A_307 = arith.cmpi ne, %convert_element_type3A, %cond3A : i32
      scf.if %cond3A_307 {
        %dma_wait3A_721 = arith.constant 1 : i32
        %dma_wait3A_722 = arith.constant 0 : i32
        %dma_wait3A_723 = arith.constant 0 : i32
        %dma_wait3A_724 = arith.constant 0 : i32
        %dma_wait3A_725 = tpu.memref_slice %arg5[%dma_wait3A_721, %dma_wait3A_722, %dma_wait3A_723, %dma_wait3A_724] : memref<2x5x2x64xi32, #tpu.memory_space<vmem>> -> memref<1x5x2x64xi32, #tpu.memory_space<vmem>>
        %dma_wait3A_726 = tpu.memref_squeeze %dma_wait3A_725 : memref<1x5x2x64xi32, #tpu.memory_space<vmem>> -> memref<5x2x64xi32, #tpu.memory_space<vmem>>
        %dma_wait3A_727 = arith.constant 0 : i32
        %dma_wait3A_728 = arith.constant 0 : i32
        %dma_wait3A_729 = arith.constant 0 : i32
        %dma_wait3A_730 = tpu.memref_slice %arg3[%add3A, %add3A_305, %dma_wait3A_727, %dma_wait3A_728, %dma_wait3A_729] : memref<32x32x5x2x64xi32, #tpu.memory_space<hbm>> -> memref<1x1x5x2x64xi32, #tpu.memory_space<hbm>>
        %dma_wait3A_731 = tpu.memref_squeeze %dma_wait3A_730 : memref<1x1x5x2x64xi32, #tpu.memory_space<hbm>> -> memref<5x2x64xi32, #tpu.memory_space<hbm>>
        %dma_wait3A_732 = arith.constant 0 : i32
        %dma_wait3A_733 = arith.constant 0 : i32
        %dma_wait3A_734 = arith.constant 0 : i32
        %dma_wait3A_735 = tpu.memref_slice %arg5[%dma_wait3A_721, %dma_wait3A_732, %dma_wait3A_733, %dma_wait3A_734] : memref<2x5x2x64xi32, #tpu.memory_space<vmem>> -> memref<1x5x2x64xi32, #tpu.memory_space<vmem>>
        %dma_wait3A_736 = tpu.memref_squeeze %dma_wait3A_735 : memref<1x5x2x64xi32, #tpu.memory_space<vmem>> -> memref<5x2x64xi32, #tpu.memory_space<vmem>>
        %dma_wait3A_737 = arith.constant 0 : i32
        %dma_wait3A_738 = arith.constant 0 : i32
        %dma_wait3A_739 = arith.constant 0 : i32
        %dma_wait3A_740 = tpu.memref_slice %arg3[%add3A, %add3A_305, %dma_wait3A_737, %dma_wait3A_738, %dma_wait3A_739] : memref<32x32x5x2x64xi32, #tpu.memory_space<hbm>> -> memref<1x1x5x2x64xi32, #tpu.memory_space<hbm>>
        %dma_wait3A_741 = tpu.memref_squeeze %dma_wait3A_740 : memref<1x1x5x2x64xi32, #tpu.memory_space<hbm>> -> memref<5x2x64xi32, #tpu.memory_space<hbm>>
        tpu.wait_dma2 semaphore(%arg11 : memref<!tpu.dma_semaphore, #tpu.memory_space<semaphore_mem>>) src(%dma_wait3A_741 : memref<5x2x64xi32, #tpu.memory_space<hbm>>) dst(%dma_wait3A_736 : memref<5x2x64xi32, #tpu.memory_space<vmem>>)
      } else {
      }
      %dma_wait3A_308 = arith.constant 0 : i32
      %dma_wait3A_309 = arith.constant 0 : i32
      %dma_wait3A_310 = arith.constant 0 : i32
      %dma_wait3A_311 = arith.constant 1 : i32
      %dma_wait3A_312 = arith.constant 0 : i32
      %dma_wait3A_313 = arith.constant 0 : i32
      %dma_wait3A_314 = arith.constant 0 : i32
      %dma_wait3A_315 = tpu.memref_slice %arg6[%dma_wait3A_308, %dma_wait3A_313, %dma_wait3A_314] : memref<5x64x128xf32, #tpu.memory_space<vmem>> -> memref<1x64x128xf32, #tpu.memory_space<vmem>>
      %dma_wait3A_316 = tpu.memref_squeeze %dma_wait3A_315 : memref<1x64x128xf32, #tpu.memory_space<vmem>> -> memref<64x128xf32, #tpu.memory_space<vmem>>
      %dma_wait3A_317 = arith.constant 0 : i32
      %dma_wait3A_318 = tpu.memref_slice %arg5[%dma_wait3A_309, %dma_wait3A_310, %dma_wait3A_311, %dma_wait3A_317] : memref<2x5x2x64xi32, #tpu.memory_space<vmem>> -> memref<1x1x1x64xi32, #tpu.memory_space<vmem>>
      %dma_wait3A_319 = tpu.memref_squeeze %dma_wait3A_318 : memref<1x1x1x64xi32, #tpu.memory_space<vmem>> -> memref<64xi32, #tpu.memory_space<vmem>>
      %dma_wait3A_320 = arith.constant 0 : i32
      %dma_wait3A_321 = arith.constant 0 : i32
      %dma_wait3A_322 = tpu.memref_slice %arg8[%dma_wait3A_320, %dma_wait3A_321] : memref<10240x128xf32, #tpu.memory_space<vmem_shared>> -> memref<10240x128xf32, #tpu.memory_space<vmem_shared>>
      %dma_wait3A_323 = tpu.memref_slice %arg10[%dma_wait3A_312] : memref<5x!tpu.dma_semaphore, #tpu.memory_space<semaphore_mem>> -> memref<1x!tpu.dma_semaphore, #tpu.memory_space<semaphore_mem>>
      %dma_wait3A_324 = tpu.memref_squeeze %dma_wait3A_323 : memref<1x!tpu.dma_semaphore, #tpu.memory_space<semaphore_mem>> -> memref<!tpu.dma_semaphore, #tpu.memory_space<semaphore_mem>>
      tpu.wait_indirect_dma semaphore(%dma_wait3A_324 : memref<!tpu.dma_semaphore, #tpu.memory_space<semaphore_mem>>) src(%dma_wait3A_316 : memref<64x128xf32, #tpu.memory_space<vmem>>) dst(%dma_wait3A_322 : memref<10240x128xf32, #tpu.memory_space<vmem_shared>>)
      %lt3A_325 = arith.constant 32 : i32
      %lt3A_326 = arith.cmpi slt, %add3A_305, %lt3A_325 : i32
      %convert_element_type3A_327 = arith.extui %lt3A_326 : i1 to i32
      %cond3A_328 = arith.constant 0 : i32
      %cond3A_329 = arith.cmpi ne, %convert_element_type3A_327, %cond3A_328 : i32
      scf.if %cond3A_329 {
        %dma_start3A_721 = arith.constant 1 : i32
        %dma_start3A_722 = arith.constant 0 : i32
        %dma_start3A_723 = arith.constant 0 : i32
        %dma_start3A_724 = arith.constant 0 : i32
        %dma_start3A_725 = arith.constant 0 : i32
        %dma_start3A_726 = arith.constant 0 : i32
        %dma_start3A_727 = arith.constant 0 : i32
        %dma_start3A_728 = tpu.memref_slice %arg6[%dma_start3A_724, %dma_start3A_726, %dma_start3A_727] : memref<5x64x128xf32, #tpu.memory_space<vmem>> -> memref<1x64x128xf32, #tpu.memory_space<vmem>>
        %dma_start3A_729 = tpu.memref_squeeze %dma_start3A_728 : memref<1x64x128xf32, #tpu.memory_space<vmem>> -> memref<64x128xf32, #tpu.memory_space<vmem>>
        %dma_start3A_730 = arith.constant 0 : i32
        %dma_start3A_731 = tpu.memref_slice %arg5[%dma_start3A_721, %dma_start3A_722, %dma_start3A_723, %dma_start3A_730] : memref<2x5x2x64xi32, #tpu.memory_space<vmem>> -> memref<1x1x1x64xi32, #tpu.memory_space<vmem>>
        %dma_start3A_732 = tpu.memref_squeeze %dma_start3A_731 : memref<1x1x1x64xi32, #tpu.memory_space<vmem>> -> memref<64xi32, #tpu.memory_space<vmem>>
        %dma_start3A_733 = arith.constant 0 : i32
        %dma_start3A_734 = arith.constant 0 : i32
        %dma_start3A_735 = tpu.memref_slice %arg2[%dma_start3A_733, %dma_start3A_734] : memref<10240x128xf32, #tpu.memory_space<hbm>> -> memref<10240x128xf32, #tpu.memory_space<hbm>>
        %dma_start3A_736 = tpu.memref_slice %arg9[%dma_start3A_725] : memref<5x!tpu.dma_semaphore, #tpu.memory_space<semaphore_mem>> -> memref<1x!tpu.dma_semaphore, #tpu.memory_space<semaphore_mem>>
        %dma_start3A_737 = tpu.memref_squeeze %dma_start3A_736 : memref<1x!tpu.dma_semaphore, #tpu.memory_space<semaphore_mem>> -> memref<!tpu.dma_semaphore, #tpu.memory_space<semaphore_mem>>
        tpu.enqueue_indirect_dma source(%dma_start3A_735 : memref<10240x128xf32, #tpu.memory_space<hbm>>) target(%dma_start3A_729 : memref<64x128xf32, #tpu.memory_space<vmem>>) offsets(%dma_start3A_732 : memref<64xi32, #tpu.memory_space<vmem>>) semaphore(%dma_start3A_737 : memref<!tpu.dma_semaphore, #tpu.memory_space<semaphore_mem>>)
      } else {
      }
      %dma_wait3A_330 = arith.constant 1 : i32
      %dma_wait3A_331 = arith.constant 0 : i32
      %dma_wait3A_332 = arith.constant 1 : i32
      %dma_wait3A_333 = arith.constant 1 : i32
      %dma_wait3A_334 = arith.constant 1 : i32
      %dma_wait3A_335 = arith.constant 0 : i32
      %dma_wait3A_336 = arith.constant 0 : i32
      %dma_wait3A_337 = tpu.memref_slice %arg6[%dma_wait3A_330, %dma_wait3A_335, %dma_wait3A_336] : memref<5x64x128xf32, #tpu.memory_space<vmem>> -> memref<1x64x128xf32, #tpu.memory_space<vmem>>
      %dma_wait3A_338 = tpu.memref_squeeze %dma_wait3A_337 : memref<1x64x128xf32, #tpu.memory_space<vmem>> -> memref<64x128xf32, #tpu.memory_space<vmem>>
      %dma_wait3A_339 = arith.constant 0 : i32
      %dma_wait3A_340 = tpu.memref_slice %arg5[%dma_wait3A_331, %dma_wait3A_332, %dma_wait3A_333, %dma_wait3A_339] : memref<2x5x2x64xi32, #tpu.memory_space<vmem>> -> memref<1x1x1x64xi32, #tpu.memory_space<vmem>>
      %dma_wait3A_341 = tpu.memref_squeeze %dma_wait3A_340 : memref<1x1x1x64xi32, #tpu.memory_space<vmem>> -> memref<64xi32, #tpu.memory_space<vmem>>
      %dma_wait3A_342 = arith.constant 0 : i32
      %dma_wait3A_343 = arith.constant 0 : i32
      %dma_wait3A_344 = tpu.memref_slice %arg8[%dma_wait3A_342, %dma_wait3A_343] : memref<10240x128xf32, #tpu.memory_space<vmem_shared>> -> memref<10240x128xf32, #tpu.memory_space<vmem_shared>>
      %dma_wait3A_345 = tpu.memref_slice %arg10[%dma_wait3A_334] : memref<5x!tpu.dma_semaphore, #tpu.memory_space<semaphore_mem>> -> memref<1x!tpu.dma_semaphore, #tpu.memory_space<semaphore_mem>>
      %dma_wait3A_346 = tpu.memref_squeeze %dma_wait3A_345 : memref<1x!tpu.dma_semaphore, #tpu.memory_space<semaphore_mem>> -> memref<!tpu.dma_semaphore, #tpu.memory_space<semaphore_mem>>
      tpu.wait_indirect_dma semaphore(%dma_wait3A_346 : memref<!tpu.dma_semaphore, #tpu.memory_space<semaphore_mem>>) src(%dma_wait3A_338 : memref<64x128xf32, #tpu.memory_space<vmem>>) dst(%dma_wait3A_344 : memref<10240x128xf32, #tpu.memory_space<vmem_shared>>)
      %lt3A_347 = arith.constant 32 : i32
      %lt3A_348 = arith.cmpi slt, %add3A_305, %lt3A_347 : i32
      %convert_element_type3A_349 = arith.extui %lt3A_348 : i1 to i32
      %cond3A_350 = arith.constant 0 : i32
      %cond3A_351 = arith.cmpi ne, %convert_element_type3A_349, %cond3A_350 : i32
      scf.if %cond3A_351 {
        %dma_start3A_721 = arith.constant 1 : i32
        %dma_start3A_722 = arith.constant 1 : i32
        %dma_start3A_723 = arith.constant 0 : i32
        %dma_start3A_724 = arith.constant 1 : i32
        %dma_start3A_725 = arith.constant 1 : i32
        %dma_start3A_726 = arith.constant 0 : i32
        %dma_start3A_727 = arith.constant 0 : i32
        %dma_start3A_728 = tpu.memref_slice %arg6[%dma_start3A_724, %dma_start3A_726, %dma_start3A_727] : memref<5x64x128xf32, #tpu.memory_space<vmem>> -> memref<1x64x128xf32, #tpu.memory_space<vmem>>
        %dma_start3A_729 = tpu.memref_squeeze %dma_start3A_728 : memref<1x64x128xf32, #tpu.memory_space<vmem>> -> memref<64x128xf32, #tpu.memory_space<vmem>>
        %dma_start3A_730 = arith.constant 0 : i32
        %dma_start3A_731 = tpu.memref_slice %arg5[%dma_start3A_721, %dma_start3A_722, %dma_start3A_723, %dma_start3A_730] : memref<2x5x2x64xi32, #tpu.memory_space<vmem>> -> memref<1x1x1x64xi32, #tpu.memory_space<vmem>>
        %dma_start3A_732 = tpu.memref_squeeze %dma_start3A_731 : memref<1x1x1x64xi32, #tpu.memory_space<vmem>> -> memref<64xi32, #tpu.memory_space<vmem>>
        %dma_start3A_733 = arith.constant 0 : i32
        %dma_start3A_734 = arith.constant 0 : i32
        %dma_start3A_735 = tpu.memref_slice %arg2[%dma_start3A_733, %dma_start3A_734] : memref<10240x128xf32, #tpu.memory_space<hbm>> -> memref<10240x128xf32, #tpu.memory_space<hbm>>
        %dma_start3A_736 = tpu.memref_slice %arg9[%dma_start3A_725] : memref<5x!tpu.dma_semaphore, #tpu.memory_space<semaphore_mem>> -> memref<1x!tpu.dma_semaphore, #tpu.memory_space<semaphore_mem>>
        %dma_start3A_737 = tpu.memref_squeeze %dma_start3A_736 : memref<1x!tpu.dma_semaphore, #tpu.memory_space<semaphore_mem>> -> memref<!tpu.dma_semaphore, #tpu.memory_space<semaphore_mem>>
        tpu.enqueue_indirect_dma source(%dma_start3A_735 : memref<10240x128xf32, #tpu.memory_space<hbm>>) target(%dma_start3A_729 : memref<64x128xf32, #tpu.memory_space<vmem>>) offsets(%dma_start3A_732 : memref<64xi32, #tpu.memory_space<vmem>>) semaphore(%dma_start3A_737 : memref<!tpu.dma_semaphore, #tpu.memory_space<semaphore_mem>>)
      } else {
      }
      %dma_wait3A_352 = arith.constant 2 : i32
      %dma_wait3A_353 = arith.constant 0 : i32
      %dma_wait3A_354 = arith.constant 2 : i32
      %dma_wait3A_355 = arith.constant 1 : i32
      %dma_wait3A_356 = arith.constant 2 : i32
      %dma_wait3A_357 = arith.constant 0 : i32
      %dma_wait3A_358 = arith.constant 0 : i32
      %dma_wait3A_359 = tpu.memref_slice %arg6[%dma_wait3A_352, %dma_wait3A_357, %dma_wait3A_358] : memref<5x64x128xf32, #tpu.memory_space<vmem>> -> memref<1x64x128xf32, #tpu.memory_space<vmem>>
      %dma_wait3A_360 = tpu.memref_squeeze %dma_wait3A_359 : memref<1x64x128xf32, #tpu.memory_space<vmem>> -> memref<64x128xf32, #tpu.memory_space<vmem>>
      %dma_wait3A_361 = arith.constant 0 : i32
      %dma_wait3A_362 = tpu.memref_slice %arg5[%dma_wait3A_353, %dma_wait3A_354, %dma_wait3A_355, %dma_wait3A_361] : memref<2x5x2x64xi32, #tpu.memory_space<vmem>> -> memref<1x1x1x64xi32, #tpu.memory_space<vmem>>
      %dma_wait3A_363 = tpu.memref_squeeze %dma_wait3A_362 : memref<1x1x1x64xi32, #tpu.memory_space<vmem>> -> memref<64xi32, #tpu.memory_space<vmem>>
      %dma_wait3A_364 = arith.constant 0 : i32
      %dma_wait3A_365 = arith.constant 0 : i32
      %dma_wait3A_366 = tpu.memref_slice %arg8[%dma_wait3A_364, %dma_wait3A_365] : memref<10240x128xf32, #tpu.memory_space<vmem_shared>> -> memref<10240x128xf32, #tpu.memory_space<vmem_shared>>
      %dma_wait3A_367 = tpu.memref_slice %arg10[%dma_wait3A_356] : memref<5x!tpu.dma_semaphore, #tpu.memory_space<semaphore_mem>> -> memref<1x!tpu.dma_semaphore, #tpu.memory_space<semaphore_mem>>
      %dma_wait3A_368 = tpu.memref_squeeze %dma_wait3A_367 : memref<1x!tpu.dma_semaphore, #tpu.memory_space<semaphore_mem>> -> memref<!tpu.dma_semaphore, #tpu.memory_space<semaphore_mem>>
      tpu.wait_indirect_dma semaphore(%dma_wait3A_368 : memref<!tpu.dma_semaphore, #tpu.memory_space<semaphore_mem>>) src(%dma_wait3A_360 : memref<64x128xf32, #tpu.memory_space<vmem>>) dst(%dma_wait3A_366 : memref<10240x128xf32, #tpu.memory_space<vmem_shared>>)
      %lt3A_369 = arith.constant 32 : i32
      %lt3A_370 = arith.cmpi slt, %add3A_305, %lt3A_369 : i32
      %convert_element_type3A_371 = arith.extui %lt3A_370 : i1 to i32
      %cond3A_372 = arith.constant 0 : i32
      %cond3A_373 = arith.cmpi ne, %convert_element_type3A_371, %cond3A_372 : i32
      scf.if %cond3A_373 {
        %dma_start3A_721 = arith.constant 1 : i32
        %dma_start3A_722 = arith.constant 2 : i32
        %dma_start3A_723 = arith.constant 0 : i32
        %dma_start3A_724 = arith.constant 2 : i32
        %dma_start3A_725 = arith.constant 2 : i32
        %dma_start3A_726 = arith.constant 0 : i32
        %dma_start3A_727 = arith.constant 0 : i32
        %dma_start3A_728 = tpu.memref_slice %arg6[%dma_start3A_724, %dma_start3A_726, %dma_start3A_727] : memref<5x64x128xf32, #tpu.memory_space<vmem>> -> memref<1x64x128xf32, #tpu.memory_space<vmem>>
        %dma_start3A_729 = tpu.memref_squeeze %dma_start3A_728 : memref<1x64x128xf32, #tpu.memory_space<vmem>> -> memref<64x128xf32, #tpu.memory_space<vmem>>
        %dma_start3A_730 = arith.constant 0 : i32
        %dma_start3A_731 = tpu.memref_slice %arg5[%dma_start3A_721, %dma_start3A_722, %dma_start3A_723, %dma_start3A_730] : memref<2x5x2x64xi32, #tpu.memory_space<vmem>> -> memref<1x1x1x64xi32, #tpu.memory_space<vmem>>
        %dma_start3A_732 = tpu.memref_squeeze %dma_start3A_731 : memref<1x1x1x64xi32, #tpu.memory_space<vmem>> -> memref<64xi32, #tpu.memory_space<vmem>>
        %dma_start3A_733 = arith.constant 0 : i32
        %dma_start3A_734 = arith.constant 0 : i32
        %dma_start3A_735 = tpu.memref_slice %arg2[%dma_start3A_733, %dma_start3A_734] : memref<10240x128xf32, #tpu.memory_space<hbm>> -> memref<10240x128xf32, #tpu.memory_space<hbm>>
        %dma_start3A_736 = tpu.memref_slice %arg9[%dma_start3A_725] : memref<5x!tpu.dma_semaphore, #tpu.memory_space<semaphore_mem>> -> memref<1x!tpu.dma_semaphore, #tpu.memory_space<semaphore_mem>>
        %dma_start3A_737 = tpu.memref_squeeze %dma_start3A_736 : memref<1x!tpu.dma_semaphore, #tpu.memory_space<semaphore_mem>> -> memref<!tpu.dma_semaphore, #tpu.memory_space<semaphore_mem>>
        tpu.enqueue_indirect_dma source(%dma_start3A_735 : memref<10240x128xf32, #tpu.memory_space<hbm>>) target(%dma_start3A_729 : memref<64x128xf32, #tpu.memory_space<vmem>>) offsets(%dma_start3A_732 : memref<64xi32, #tpu.memory_space<vmem>>) semaphore(%dma_start3A_737 : memref<!tpu.dma_semaphore, #tpu.memory_space<semaphore_mem>>)
      } else {
      }
      %dma_wait3A_374 = arith.constant 3 : i32
      %dma_wait3A_375 = arith.constant 0 : i32
      %dma_wait3A_376 = arith.constant 3 : i32
      %dma_wait3A_377 = arith.constant 1 : i32
      %dma_wait3A_378 = arith.constant 3 : i32
      %dma_wait3A_379 = arith.constant 0 : i32
      %dma_wait3A_380 = arith.constant 0 : i32
      %dma_wait3A_381 = tpu.memref_slice %arg6[%dma_wait3A_374, %dma_wait3A_379, %dma_wait3A_380] : memref<5x64x128xf32, #tpu.memory_space<vmem>> -> memref<1x64x128xf32, #tpu.memory_space<vmem>>
      %dma_wait3A_382 = tpu.memref_squeeze %dma_wait3A_381 : memref<1x64x128xf32, #tpu.memory_space<vmem>> -> memref<64x128xf32, #tpu.memory_space<vmem>>
      %dma_wait3A_383 = arith.constant 0 : i32
      %dma_wait3A_384 = tpu.memref_slice %arg5[%dma_wait3A_375, %dma_wait3A_376, %dma_wait3A_377, %dma_wait3A_383] : memref<2x5x2x64xi32, #tpu.memory_space<vmem>> -> memref<1x1x1x64xi32, #tpu.memory_space<vmem>>
      %dma_wait3A_385 = tpu.memref_squeeze %dma_wait3A_384 : memref<1x1x1x64xi32, #tpu.memory_space<vmem>> -> memref<64xi32, #tpu.memory_space<vmem>>
      %dma_wait3A_386 = arith.constant 0 : i32
      %dma_wait3A_387 = arith.constant 0 : i32
      %dma_wait3A_388 = tpu.memref_slice %arg8[%dma_wait3A_386, %dma_wait3A_387] : memref<10240x128xf32, #tpu.memory_space<vmem_shared>> -> memref<10240x128xf32, #tpu.memory_space<vmem_shared>>
      %dma_wait3A_389 = tpu.memref_slice %arg10[%dma_wait3A_378] : memref<5x!tpu.dma_semaphore, #tpu.memory_space<semaphore_mem>> -> memref<1x!tpu.dma_semaphore, #tpu.memory_space<semaphore_mem>>
      %dma_wait3A_390 = tpu.memref_squeeze %dma_wait3A_389 : memref<1x!tpu.dma_semaphore, #tpu.memory_space<semaphore_mem>> -> memref<!tpu.dma_semaphore, #tpu.memory_space<semaphore_mem>>
      tpu.wait_indirect_dma semaphore(%dma_wait3A_390 : memref<!tpu.dma_semaphore, #tpu.memory_space<semaphore_mem>>) src(%dma_wait3A_382 : memref<64x128xf32, #tpu.memory_space<vmem>>) dst(%dma_wait3A_388 : memref<10240x128xf32, #tpu.memory_space<vmem_shared>>)
      %lt3A_391 = arith.constant 32 : i32
      %lt3A_392 = arith.cmpi slt, %add3A_305, %lt3A_391 : i32
      %convert_element_type3A_393 = arith.extui %lt3A_392 : i1 to i32
      %cond3A_394 = arith.constant 0 : i32
      %cond3A_395 = arith.cmpi ne, %convert_element_type3A_393, %cond3A_394 : i32
      scf.if %cond3A_395 {
        %dma_start3A_721 = arith.constant 1 : i32
        %dma_start3A_722 = arith.constant 3 : i32
        %dma_start3A_723 = arith.constant 0 : i32
        %dma_start3A_724 = arith.constant 3 : i32
        %dma_start3A_725 = arith.constant 3 : i32
        %dma_start3A_726 = arith.constant 0 : i32
        %dma_start3A_727 = arith.constant 0 : i32
        %dma_start3A_728 = tpu.memref_slice %arg6[%dma_start3A_724, %dma_start3A_726, %dma_start3A_727] : memref<5x64x128xf32, #tpu.memory_space<vmem>> -> memref<1x64x128xf32, #tpu.memory_space<vmem>>
        %dma_start3A_729 = tpu.memref_squeeze %dma_start3A_728 : memref<1x64x128xf32, #tpu.memory_space<vmem>> -> memref<64x128xf32, #tpu.memory_space<vmem>>
        %dma_start3A_730 = arith.constant 0 : i32
        %dma_start3A_731 = tpu.memref_slice %arg5[%dma_start3A_721, %dma_start3A_722, %dma_start3A_723, %dma_start3A_730] : memref<2x5x2x64xi32, #tpu.memory_space<vmem>> -> memref<1x1x1x64xi32, #tpu.memory_space<vmem>>
        %dma_start3A_732 = tpu.memref_squeeze %dma_start3A_731 : memref<1x1x1x64xi32, #tpu.memory_space<vmem>> -> memref<64xi32, #tpu.memory_space<vmem>>
        %dma_start3A_733 = arith.constant 0 : i32
        %dma_start3A_734 = arith.constant 0 : i32
        %dma_start3A_735 = tpu.memref_slice %arg2[%dma_start3A_733, %dma_start3A_734] : memref<10240x128xf32, #tpu.memory_space<hbm>> -> memref<10240x128xf32, #tpu.memory_space<hbm>>
        %dma_start3A_736 = tpu.memref_slice %arg9[%dma_start3A_725] : memref<5x!tpu.dma_semaphore, #tpu.memory_space<semaphore_mem>> -> memref<1x!tpu.dma_semaphore, #tpu.memory_space<semaphore_mem>>
        %dma_start3A_737 = tpu.memref_squeeze %dma_start3A_736 : memref<1x!tpu.dma_semaphore, #tpu.memory_space<semaphore_mem>> -> memref<!tpu.dma_semaphore, #tpu.memory_space<semaphore_mem>>
        tpu.enqueue_indirect_dma source(%dma_start3A_735 : memref<10240x128xf32, #tpu.memory_space<hbm>>) target(%dma_start3A_729 : memref<64x128xf32, #tpu.memory_space<vmem>>) offsets(%dma_start3A_732 : memref<64xi32, #tpu.memory_space<vmem>>) semaphore(%dma_start3A_737 : memref<!tpu.dma_semaphore, #tpu.memory_space<semaphore_mem>>)
      } else {
      }
      %dma_wait3A_396 = arith.constant 4 : i32
      %dma_wait3A_397 = arith.constant 0 : i32
      %dma_wait3A_398 = arith.constant 4 : i32
      %dma_wait3A_399 = arith.constant 1 : i32
      %dma_wait3A_400 = arith.constant 4 : i32
      %dma_wait3A_401 = arith.constant 0 : i32
      %dma_wait3A_402 = arith.constant 0 : i32
      %dma_wait3A_403 = tpu.memref_slice %arg6[%dma_wait3A_396, %dma_wait3A_401, %dma_wait3A_402] : memref<5x64x128xf32, #tpu.memory_space<vmem>> -> memref<1x64x128xf32, #tpu.memory_space<vmem>>
      %dma_wait3A_404 = tpu.memref_squeeze %dma_wait3A_403 : memref<1x64x128xf32, #tpu.memory_space<vmem>> -> memref<64x128xf32, #tpu.memory_space<vmem>>
      %dma_wait3A_405 = arith.constant 0 : i32
      %dma_wait3A_406 = tpu.memref_slice %arg5[%dma_wait3A_397, %dma_wait3A_398, %dma_wait3A_399, %dma_wait3A_405] : memref<2x5x2x64xi32, #tpu.memory_space<vmem>> -> memref<1x1x1x64xi32, #tpu.memory_space<vmem>>
      %dma_wait3A_407 = tpu.memref_squeeze %dma_wait3A_406 : memref<1x1x1x64xi32, #tpu.memory_space<vmem>> -> memref<64xi32, #tpu.memory_space<vmem>>
      %dma_wait3A_408 = arith.constant 0 : i32
      %dma_wait3A_409 = arith.constant 0 : i32
      %dma_wait3A_410 = tpu.memref_slice %arg8[%dma_wait3A_408, %dma_wait3A_409] : memref<10240x128xf32, #tpu.memory_space<vmem_shared>> -> memref<10240x128xf32, #tpu.memory_space<vmem_shared>>
      %dma_wait3A_411 = tpu.memref_slice %arg10[%dma_wait3A_400] : memref<5x!tpu.dma_semaphore, #tpu.memory_space<semaphore_mem>> -> memref<1x!tpu.dma_semaphore, #tpu.memory_space<semaphore_mem>>
      %dma_wait3A_412 = tpu.memref_squeeze %dma_wait3A_411 : memref<1x!tpu.dma_semaphore, #tpu.memory_space<semaphore_mem>> -> memref<!tpu.dma_semaphore, #tpu.memory_space<semaphore_mem>>
      tpu.wait_indirect_dma semaphore(%dma_wait3A_412 : memref<!tpu.dma_semaphore, #tpu.memory_space<semaphore_mem>>) src(%dma_wait3A_404 : memref<64x128xf32, #tpu.memory_space<vmem>>) dst(%dma_wait3A_410 : memref<10240x128xf32, #tpu.memory_space<vmem_shared>>)
      %lt3A_413 = arith.constant 32 : i32
      %lt3A_414 = arith.cmpi slt, %add3A_305, %lt3A_413 : i32
      %convert_element_type3A_415 = arith.extui %lt3A_414 : i1 to i32
      %cond3A_416 = arith.constant 0 : i32
      %cond3A_417 = arith.cmpi ne, %convert_element_type3A_415, %cond3A_416 : i32
      scf.if %cond3A_417 {
        %dma_start3A_721 = arith.constant 1 : i32
        %dma_start3A_722 = arith.constant 4 : i32
        %dma_start3A_723 = arith.constant 0 : i32
        %dma_start3A_724 = arith.constant 4 : i32
        %dma_start3A_725 = arith.constant 4 : i32
        %dma_start3A_726 = arith.constant 0 : i32
        %dma_start3A_727 = arith.constant 0 : i32
        %dma_start3A_728 = tpu.memref_slice %arg6[%dma_start3A_724, %dma_start3A_726, %dma_start3A_727] : memref<5x64x128xf32, #tpu.memory_space<vmem>> -> memref<1x64x128xf32, #tpu.memory_space<vmem>>
        %dma_start3A_729 = tpu.memref_squeeze %dma_start3A_728 : memref<1x64x128xf32, #tpu.memory_space<vmem>> -> memref<64x128xf32, #tpu.memory_space<vmem>>
        %dma_start3A_730 = arith.constant 0 : i32
        %dma_start3A_731 = tpu.memref_slice %arg5[%dma_start3A_721, %dma_start3A_722, %dma_start3A_723, %dma_start3A_730] : memref<2x5x2x64xi32, #tpu.memory_space<vmem>> -> memref<1x1x1x64xi32, #tpu.memory_space<vmem>>
        %dma_start3A_732 = tpu.memref_squeeze %dma_start3A_731 : memref<1x1x1x64xi32, #tpu.memory_space<vmem>> -> memref<64xi32, #tpu.memory_space<vmem>>
        %dma_start3A_733 = arith.constant 0 : i32
        %dma_start3A_734 = arith.constant 0 : i32
        %dma_start3A_735 = tpu.memref_slice %arg2[%dma_start3A_733, %dma_start3A_734] : memref<10240x128xf32, #tpu.memory_space<hbm>> -> memref<10240x128xf32, #tpu.memory_space<hbm>>
        %dma_start3A_736 = tpu.memref_slice %arg9[%dma_start3A_725] : memref<5x!tpu.dma_semaphore, #tpu.memory_space<semaphore_mem>> -> memref<1x!tpu.dma_semaphore, #tpu.memory_space<semaphore_mem>>
        %dma_start3A_737 = tpu.memref_squeeze %dma_start3A_736 : memref<1x!tpu.dma_semaphore, #tpu.memory_space<semaphore_mem>> -> memref<!tpu.dma_semaphore, #tpu.memory_space<semaphore_mem>>
        tpu.enqueue_indirect_dma source(%dma_start3A_735 : memref<10240x128xf32, #tpu.memory_space<hbm>>) target(%dma_start3A_729 : memref<64x128xf32, #tpu.memory_space<vmem>>) offsets(%dma_start3A_732 : memref<64xi32, #tpu.memory_space<vmem>>) semaphore(%dma_start3A_737 : memref<!tpu.dma_semaphore, #tpu.memory_space<semaphore_mem>>)
      } else {
      }
      %add3A_418 = arith.constant 1 : i32
      %add3A_419 = arith.addi %add3A_305, %add3A_418 : i32
      %lt3A_420 = arith.constant 32 : i32
      %lt3A_421 = arith.cmpi slt, %add3A_419, %lt3A_420 : i32
      %convert_element_type3A_422 = arith.extui %lt3A_421 : i1 to i32
      %cond3A_423 = arith.constant 0 : i32
      %cond3A_424 = arith.cmpi ne, %convert_element_type3A_422, %cond3A_423 : i32
      scf.if %cond3A_424 {
        %add3A_721 = arith.constant 1 : i32
        %add3A_722 = arith.addi %add3A_305, %add3A_721 : i32
        %dma_start3A_723 = arith.constant 0 : i32
        %dma_start3A_724 = arith.constant 0 : i32
        %dma_start3A_725 = arith.constant 0 : i32
        %dma_start3A_726 = arith.constant 0 : i32
        %dma_start3A_727 = tpu.memref_slice %arg5[%dma_start3A_723, %dma_start3A_724, %dma_start3A_725, %dma_start3A_726] : memref<2x5x2x64xi32, #tpu.memory_space<vmem>> -> memref<1x5x2x64xi32, #tpu.memory_space<vmem>>
        %dma_start3A_728 = tpu.memref_squeeze %dma_start3A_727 : memref<1x5x2x64xi32, #tpu.memory_space<vmem>> -> memref<5x2x64xi32, #tpu.memory_space<vmem>>
        %dma_start3A_729 = arith.constant 0 : i32
        %dma_start3A_730 = arith.constant 0 : i32
        %dma_start3A_731 = arith.constant 0 : i32
        %dma_start3A_732 = tpu.memref_slice %arg3[%add3A, %add3A_722, %dma_start3A_729, %dma_start3A_730, %dma_start3A_731] : memref<32x32x5x2x64xi32, #tpu.memory_space<hbm>> -> memref<1x1x5x2x64xi32, #tpu.memory_space<hbm>>
        %dma_start3A_733 = tpu.memref_squeeze %dma_start3A_732 : memref<1x1x5x2x64xi32, #tpu.memory_space<hbm>> -> memref<5x2x64xi32, #tpu.memory_space<hbm>>
        %dma_start3A_734 = arith.constant 0 : i32
        %dma_start3A_735 = arith.constant 0 : i32
        %dma_start3A_736 = arith.constant 0 : i32
        %dma_start3A_737 = tpu.memref_slice %arg5[%dma_start3A_723, %dma_start3A_734, %dma_start3A_735, %dma_start3A_736] : memref<2x5x2x64xi32, #tpu.memory_space<vmem>> -> memref<1x5x2x64xi32, #tpu.memory_space<vmem>>
        %dma_start3A_738 = tpu.memref_squeeze %dma_start3A_737 : memref<1x5x2x64xi32, #tpu.memory_space<vmem>> -> memref<5x2x64xi32, #tpu.memory_space<vmem>>
        %dma_start3A_739 = arith.constant 0 : i32
        %dma_start3A_740 = arith.constant 0 : i32
        %dma_start3A_741 = arith.constant 0 : i32
        %dma_start3A_742 = tpu.memref_slice %arg3[%add3A, %add3A_722, %dma_start3A_739, %dma_start3A_740, %dma_start3A_741] : memref<32x32x5x2x64xi32, #tpu.memory_space<hbm>> -> memref<1x1x5x2x64xi32, #tpu.memory_space<hbm>>
        %dma_start3A_743 = tpu.memref_squeeze %dma_start3A_742 : memref<1x1x5x2x64xi32, #tpu.memory_space<hbm>> -> memref<5x2x64xi32, #tpu.memory_space<hbm>>
        tpu.enqueue_dma source(%dma_start3A_743 : memref<5x2x64xi32, #tpu.memory_space<hbm>>) target(%dma_start3A_738 : memref<5x2x64xi32, #tpu.memory_space<vmem>>) target_semaphore(%arg11 : memref<!tpu.dma_semaphore, #tpu.memory_space<semaphore_mem>>)
      } else {
      }
      %add3A_425 = arith.constant 1 : i32
      %add3A_426 = arith.addi %add3A_132, %add3A_425 : i32
      %dma_wait3A_427 = arith.constant 1 : i32
      %dma_wait3A_428 = arith.constant 0 : i32
      %dma_wait3A_429 = arith.constant 0 : i32
      %dma_wait3A_430 = arith.constant 0 : i32
      %dma_wait3A_431 = arith.constant 0 : i32
      %dma_wait3A_432 = arith.constant 0 : i32
      %dma_wait3A_433 = arith.constant 0 : i32
      %dma_wait3A_434 = tpu.memref_slice %arg6[%dma_wait3A_430, %dma_wait3A_432, %dma_wait3A_433] : memref<5x64x128xf32, #tpu.memory_space<vmem>> -> memref<1x64x128xf32, #tpu.memory_space<vmem>>
      %dma_wait3A_435 = tpu.memref_squeeze %dma_wait3A_434 : memref<1x64x128xf32, #tpu.memory_space<vmem>> -> memref<64x128xf32, #tpu.memory_space<vmem>>
      %dma_wait3A_436 = arith.constant 0 : i32
      %dma_wait3A_437 = tpu.memref_slice %arg5[%dma_wait3A_427, %dma_wait3A_428, %dma_wait3A_429, %dma_wait3A_436] : memref<2x5x2x64xi32, #tpu.memory_space<vmem>> -> memref<1x1x1x64xi32, #tpu.memory_space<vmem>>
      %dma_wait3A_438 = tpu.memref_squeeze %dma_wait3A_437 : memref<1x1x1x64xi32, #tpu.memory_space<vmem>> -> memref<64xi32, #tpu.memory_space<vmem>>
      %dma_wait3A_439 = arith.constant 0 : i32
      %dma_wait3A_440 = arith.constant 0 : i32
      %dma_wait3A_441 = tpu.memref_slice %arg2[%dma_wait3A_439, %dma_wait3A_440] : memref<10240x128xf32, #tpu.memory_space<hbm>> -> memref<10240x128xf32, #tpu.memory_space<hbm>>
      %dma_wait3A_442 = tpu.memref_slice %arg9[%dma_wait3A_431] : memref<5x!tpu.dma_semaphore, #tpu.memory_space<semaphore_mem>> -> memref<1x!tpu.dma_semaphore, #tpu.memory_space<semaphore_mem>>
      %dma_wait3A_443 = tpu.memref_squeeze %dma_wait3A_442 : memref<1x!tpu.dma_semaphore, #tpu.memory_space<semaphore_mem>> -> memref<!tpu.dma_semaphore, #tpu.memory_space<semaphore_mem>>
      tpu.wait_indirect_dma semaphore(%dma_wait3A_443 : memref<!tpu.dma_semaphore, #tpu.memory_space<semaphore_mem>>) src(%dma_wait3A_441 : memref<10240x128xf32, #tpu.memory_space<hbm>>) dst(%dma_wait3A_435 : memref<64x128xf32, #tpu.memory_space<vmem>>)
      %dma_start3A_444 = arith.constant 0 : i32
      %dma_start3A_445 = arith.constant 1 : i32
      %dma_start3A_446 = arith.constant 0 : i32
      %dma_start3A_447 = arith.constant 1 : i32
      %dma_start3A_448 = arith.constant 0 : i32
      %dma_start3A_449 = arith.constant 0 : i32
      %dma_start3A_450 = arith.constant 0 : i32
      %dma_start3A_451 = tpu.memref_slice %arg6[%dma_start3A_444, %dma_start3A_449, %dma_start3A_450] : memref<5x64x128xf32, #tpu.memory_space<vmem>> -> memref<1x64x128xf32, #tpu.memory_space<vmem>>
      %dma_start3A_452 = tpu.memref_squeeze %dma_start3A_451 : memref<1x64x128xf32, #tpu.memory_space<vmem>> -> memref<64x128xf32, #tpu.memory_space<vmem>>
      %dma_start3A_453 = arith.constant 0 : i32
      %dma_start3A_454 = tpu.memref_slice %arg5[%dma_start3A_445, %dma_start3A_446, %dma_start3A_447, %dma_start3A_453] : memref<2x5x2x64xi32, #tpu.memory_space<vmem>> -> memref<1x1x1x64xi32, #tpu.memory_space<vmem>>
      %dma_start3A_455 = tpu.memref_squeeze %dma_start3A_454 : memref<1x1x1x64xi32, #tpu.memory_space<vmem>> -> memref<64xi32, #tpu.memory_space<vmem>>
      %dma_start3A_456 = arith.constant 0 : i32
      %dma_start3A_457 = arith.constant 0 : i32
      %dma_start3A_458 = tpu.memref_slice %arg8[%dma_start3A_456, %dma_start3A_457] : memref<10240x128xf32, #tpu.memory_space<vmem_shared>> -> memref<10240x128xf32, #tpu.memory_space<vmem_shared>>
      %dma_start3A_459 = tpu.memref_slice %arg10[%dma_start3A_448] : memref<5x!tpu.dma_semaphore, #tpu.memory_space<semaphore_mem>> -> memref<1x!tpu.dma_semaphore, #tpu.memory_space<semaphore_mem>>
      %dma_start3A_460 = tpu.memref_squeeze %dma_start3A_459 : memref<1x!tpu.dma_semaphore, #tpu.memory_space<semaphore_mem>> -> memref<!tpu.dma_semaphore, #tpu.memory_space<semaphore_mem>>
      tpu.enqueue_indirect_dma source(%dma_start3A_452 : memref<64x128xf32, #tpu.memory_space<vmem>>) target(%dma_start3A_458 : memref<10240x128xf32, #tpu.memory_space<vmem_shared>>) offsets(%dma_start3A_455 : memref<64xi32, #tpu.memory_space<vmem>>) semaphore(%dma_start3A_460 : memref<!tpu.dma_semaphore, #tpu.memory_space<semaphore_mem>>) {add = true}
      %dma_wait3A_461 = arith.constant 1 : i32
      %dma_wait3A_462 = arith.constant 1 : i32
      %dma_wait3A_463 = arith.constant 0 : i32
      %dma_wait3A_464 = arith.constant 1 : i32
      %dma_wait3A_465 = arith.constant 1 : i32
      %dma_wait3A_466 = arith.constant 0 : i32
      %dma_wait3A_467 = arith.constant 0 : i32
      %dma_wait3A_468 = tpu.memref_slice %arg6[%dma_wait3A_464, %dma_wait3A_466, %dma_wait3A_467] : memref<5x64x128xf32, #tpu.memory_space<vmem>> -> memref<1x64x128xf32, #tpu.memory_space<vmem>>
      %dma_wait3A_469 = tpu.memref_squeeze %dma_wait3A_468 : memref<1x64x128xf32, #tpu.memory_space<vmem>> -> memref<64x128xf32, #tpu.memory_space<vmem>>
      %dma_wait3A_470 = arith.constant 0 : i32
      %dma_wait3A_471 = tpu.memref_slice %arg5[%dma_wait3A_461, %dma_wait3A_462, %dma_wait3A_463, %dma_wait3A_470] : memref<2x5x2x64xi32, #tpu.memory_space<vmem>> -> memref<1x1x1x64xi32, #tpu.memory_space<vmem>>
      %dma_wait3A_472 = tpu.memref_squeeze %dma_wait3A_471 : memref<1x1x1x64xi32, #tpu.memory_space<vmem>> -> memref<64xi32, #tpu.memory_space<vmem>>
      %dma_wait3A_473 = arith.constant 0 : i32
      %dma_wait3A_474 = arith.constant 0 : i32
      %dma_wait3A_475 = tpu.memref_slice %arg2[%dma_wait3A_473, %dma_wait3A_474] : memref<10240x128xf32, #tpu.memory_space<hbm>> -> memref<10240x128xf32, #tpu.memory_space<hbm>>
      %dma_wait3A_476 = tpu.memref_slice %arg9[%dma_wait3A_465] : memref<5x!tpu.dma_semaphore, #tpu.memory_space<semaphore_mem>> -> memref<1x!tpu.dma_semaphore, #tpu.memory_space<semaphore_mem>>
      %dma_wait3A_477 = tpu.memref_squeeze %dma_wait3A_476 : memref<1x!tpu.dma_semaphore, #tpu.memory_space<semaphore_mem>> -> memref<!tpu.dma_semaphore, #tpu.memory_space<semaphore_mem>>
      tpu.wait_indirect_dma semaphore(%dma_wait3A_477 : memref<!tpu.dma_semaphore, #tpu.memory_space<semaphore_mem>>) src(%dma_wait3A_475 : memref<10240x128xf32, #tpu.memory_space<hbm>>) dst(%dma_wait3A_469 : memref<64x128xf32, #tpu.memory_space<vmem>>)
      %dma_start3A_478 = arith.constant 1 : i32
      %dma_start3A_479 = arith.constant 1 : i32
      %dma_start3A_480 = arith.constant 1 : i32
      %dma_start3A_481 = arith.constant 1 : i32
      %dma_start3A_482 = arith.constant 1 : i32
      %dma_start3A_483 = arith.constant 0 : i32
      %dma_start3A_484 = arith.constant 0 : i32
      %dma_start3A_485 = tpu.memref_slice %arg6[%dma_start3A_478, %dma_start3A_483, %dma_start3A_484] : memref<5x64x128xf32, #tpu.memory_space<vmem>> -> memref<1x64x128xf32, #tpu.memory_space<vmem>>
      %dma_start3A_486 = tpu.memref_squeeze %dma_start3A_485 : memref<1x64x128xf32, #tpu.memory_space<vmem>> -> memref<64x128xf32, #tpu.memory_space<vmem>>
      %dma_start3A_487 = arith.constant 0 : i32
      %dma_start3A_488 = tpu.memref_slice %arg5[%dma_start3A_479, %dma_start3A_480, %dma_start3A_481, %dma_start3A_487] : memref<2x5x2x64xi32, #tpu.memory_space<vmem>> -> memref<1x1x1x64xi32, #tpu.memory_space<vmem>>
      %dma_start3A_489 = tpu.memref_squeeze %dma_start3A_488 : memref<1x1x1x64xi32, #tpu.memory_space<vmem>> -> memref<64xi32, #tpu.memory_space<vmem>>
      %dma_start3A_490 = arith.constant 0 : i32
      %dma_start3A_491 = arith.constant 0 : i32
      %dma_start3A_492 = tpu.memref_slice %arg8[%dma_start3A_490, %dma_start3A_491] : memref<10240x128xf32, #tpu.memory_space<vmem_shared>> -> memref<10240x128xf32, #tpu.memory_space<vmem_shared>>
      %dma_start3A_493 = tpu.memref_slice %arg10[%dma_start3A_482] : memref<5x!tpu.dma_semaphore, #tpu.memory_space<semaphore_mem>> -> memref<1x!tpu.dma_semaphore, #tpu.memory_space<semaphore_mem>>
      %dma_start3A_494 = tpu.memref_squeeze %dma_start3A_493 : memref<1x!tpu.dma_semaphore, #tpu.memory_space<semaphore_mem>> -> memref<!tpu.dma_semaphore, #tpu.memory_space<semaphore_mem>>
      tpu.enqueue_indirect_dma source(%dma_start3A_486 : memref<64x128xf32, #tpu.memory_space<vmem>>) target(%dma_start3A_492 : memref<10240x128xf32, #tpu.memory_space<vmem_shared>>) offsets(%dma_start3A_489 : memref<64xi32, #tpu.memory_space<vmem>>) semaphore(%dma_start3A_494 : memref<!tpu.dma_semaphore, #tpu.memory_space<semaphore_mem>>) {add = true}
      %dma_wait3A_495 = arith.constant 1 : i32
      %dma_wait3A_496 = arith.constant 2 : i32
      %dma_wait3A_497 = arith.constant 0 : i32
      %dma_wait3A_498 = arith.constant 2 : i32
      %dma_wait3A_499 = arith.constant 2 : i32
      %dma_wait3A_500 = arith.constant 0 : i32
      %dma_wait3A_501 = arith.constant 0 : i32
      %dma_wait3A_502 = tpu.memref_slice %arg6[%dma_wait3A_498, %dma_wait3A_500, %dma_wait3A_501] : memref<5x64x128xf32, #tpu.memory_space<vmem>> -> memref<1x64x128xf32, #tpu.memory_space<vmem>>
      %dma_wait3A_503 = tpu.memref_squeeze %dma_wait3A_502 : memref<1x64x128xf32, #tpu.memory_space<vmem>> -> memref<64x128xf32, #tpu.memory_space<vmem>>
      %dma_wait3A_504 = arith.constant 0 : i32
      %dma_wait3A_505 = tpu.memref_slice %arg5[%dma_wait3A_495, %dma_wait3A_496, %dma_wait3A_497, %dma_wait3A_504] : memref<2x5x2x64xi32, #tpu.memory_space<vmem>> -> memref<1x1x1x64xi32, #tpu.memory_space<vmem>>
      %dma_wait3A_506 = tpu.memref_squeeze %dma_wait3A_505 : memref<1x1x1x64xi32, #tpu.memory_space<vmem>> -> memref<64xi32, #tpu.memory_space<vmem>>
      %dma_wait3A_507 = arith.constant 0 : i32
      %dma_wait3A_508 = arith.constant 0 : i32
      %dma_wait3A_509 = tpu.memref_slice %arg2[%dma_wait3A_507, %dma_wait3A_508] : memref<10240x128xf32, #tpu.memory_space<hbm>> -> memref<10240x128xf32, #tpu.memory_space<hbm>>
      %dma_wait3A_510 = tpu.memref_slice %arg9[%dma_wait3A_499] : memref<5x!tpu.dma_semaphore, #tpu.memory_space<semaphore_mem>> -> memref<1x!tpu.dma_semaphore, #tpu.memory_space<semaphore_mem>>
      %dma_wait3A_511 = tpu.memref_squeeze %dma_wait3A_510 : memref<1x!tpu.dma_semaphore, #tpu.memory_space<semaphore_mem>> -> memref<!tpu.dma_semaphore, #tpu.memory_space<semaphore_mem>>
      tpu.wait_indirect_dma semaphore(%dma_wait3A_511 : memref<!tpu.dma_semaphore, #tpu.memory_space<semaphore_mem>>) src(%dma_wait3A_509 : memref<10240x128xf32, #tpu.memory_space<hbm>>) dst(%dma_wait3A_503 : memref<64x128xf32, #tpu.memory_space<vmem>>)
      %dma_start3A_512 = arith.constant 2 : i32
      %dma_start3A_513 = arith.constant 1 : i32
      %dma_start3A_514 = arith.constant 2 : i32
      %dma_start3A_515 = arith.constant 1 : i32
      %dma_start3A_516 = arith.constant 2 : i32
      %dma_start3A_517 = arith.constant 0 : i32
      %dma_start3A_518 = arith.constant 0 : i32
      %dma_start3A_519 = tpu.memref_slice %arg6[%dma_start3A_512, %dma_start3A_517, %dma_start3A_518] : memref<5x64x128xf32, #tpu.memory_space<vmem>> -> memref<1x64x128xf32, #tpu.memory_space<vmem>>
      %dma_start3A_520 = tpu.memref_squeeze %dma_start3A_519 : memref<1x64x128xf32, #tpu.memory_space<vmem>> -> memref<64x128xf32, #tpu.memory_space<vmem>>
      %dma_start3A_521 = arith.constant 0 : i32
      %dma_start3A_522 = tpu.memref_slice %arg5[%dma_start3A_513, %dma_start3A_514, %dma_start3A_515, %dma_start3A_521] : memref<2x5x2x64xi32, #tpu.memory_space<vmem>> -> memref<1x1x1x64xi32, #tpu.memory_space<vmem>>
      %dma_start3A_523 = tpu.memref_squeeze %dma_start3A_522 : memref<1x1x1x64xi32, #tpu.memory_space<vmem>> -> memref<64xi32, #tpu.memory_space<vmem>>
      %dma_start3A_524 = arith.constant 0 : i32
      %dma_start3A_525 = arith.constant 0 : i32
      %dma_start3A_526 = tpu.memref_slice %arg8[%dma_start3A_524, %dma_start3A_525] : memref<10240x128xf32, #tpu.memory_space<vmem_shared>> -> memref<10240x128xf32, #tpu.memory_space<vmem_shared>>
      %dma_start3A_527 = tpu.memref_slice %arg10[%dma_start3A_516] : memref<5x!tpu.dma_semaphore, #tpu.memory_space<semaphore_mem>> -> memref<1x!tpu.dma_semaphore, #tpu.memory_space<semaphore_mem>>
      %dma_start3A_528 = tpu.memref_squeeze %dma_start3A_527 : memref<1x!tpu.dma_semaphore, #tpu.memory_space<semaphore_mem>> -> memref<!tpu.dma_semaphore, #tpu.memory_space<semaphore_mem>>
      tpu.enqueue_indirect_dma source(%dma_start3A_520 : memref<64x128xf32, #tpu.memory_space<vmem>>) target(%dma_start3A_526 : memref<10240x128xf32, #tpu.memory_space<vmem_shared>>) offsets(%dma_start3A_523 : memref<64xi32, #tpu.memory_space<vmem>>) semaphore(%dma_start3A_528 : memref<!tpu.dma_semaphore, #tpu.memory_space<semaphore_mem>>) {add = true}
      %dma_wait3A_529 = arith.constant 1 : i32
      %dma_wait3A_530 = arith.constant 3 : i32
      %dma_wait3A_531 = arith.constant 0 : i32
      %dma_wait3A_532 = arith.constant 3 : i32
      %dma_wait3A_533 = arith.constant 3 : i32
      %dma_wait3A_534 = arith.constant 0 : i32
      %dma_wait3A_535 = arith.constant 0 : i32
      %dma_wait3A_536 = tpu.memref_slice %arg6[%dma_wait3A_532, %dma_wait3A_534, %dma_wait3A_535] : memref<5x64x128xf32, #tpu.memory_space<vmem>> -> memref<1x64x128xf32, #tpu.memory_space<vmem>>
      %dma_wait3A_537 = tpu.memref_squeeze %dma_wait3A_536 : memref<1x64x128xf32, #tpu.memory_space<vmem>> -> memref<64x128xf32, #tpu.memory_space<vmem>>
      %dma_wait3A_538 = arith.constant 0 : i32
      %dma_wait3A_539 = tpu.memref_slice %arg5[%dma_wait3A_529, %dma_wait3A_530, %dma_wait3A_531, %dma_wait3A_538] : memref<2x5x2x64xi32, #tpu.memory_space<vmem>> -> memref<1x1x1x64xi32, #tpu.memory_space<vmem>>
      %dma_wait3A_540 = tpu.memref_squeeze %dma_wait3A_539 : memref<1x1x1x64xi32, #tpu.memory_space<vmem>> -> memref<64xi32, #tpu.memory_space<vmem>>
      %dma_wait3A_541 = arith.constant 0 : i32
      %dma_wait3A_542 = arith.constant 0 : i32
      %dma_wait3A_543 = tpu.memref_slice %arg2[%dma_wait3A_541, %dma_wait3A_542] : memref<10240x128xf32, #tpu.memory_space<hbm>> -> memref<10240x128xf32, #tpu.memory_space<hbm>>
      %dma_wait3A_544 = tpu.memref_slice %arg9[%dma_wait3A_533] : memref<5x!tpu.dma_semaphore, #tpu.memory_space<semaphore_mem>> -> memref<1x!tpu.dma_semaphore, #tpu.memory_space<semaphore_mem>>
      %dma_wait3A_545 = tpu.memref_squeeze %dma_wait3A_544 : memref<1x!tpu.dma_semaphore, #tpu.memory_space<semaphore_mem>> -> memref<!tpu.dma_semaphore, #tpu.memory_space<semaphore_mem>>
      tpu.wait_indirect_dma semaphore(%dma_wait3A_545 : memref<!tpu.dma_semaphore, #tpu.memory_space<semaphore_mem>>) src(%dma_wait3A_543 : memref<10240x128xf32, #tpu.memory_space<hbm>>) dst(%dma_wait3A_537 : memref<64x128xf32, #tpu.memory_space<vmem>>)
      %dma_start3A_546 = arith.constant 3 : i32
      %dma_start3A_547 = arith.constant 1 : i32
      %dma_start3A_548 = arith.constant 3 : i32
      %dma_start3A_549 = arith.constant 1 : i32
      %dma_start3A_550 = arith.constant 3 : i32
      %dma_start3A_551 = arith.constant 0 : i32
      %dma_start3A_552 = arith.constant 0 : i32
      %dma_start3A_553 = tpu.memref_slice %arg6[%dma_start3A_546, %dma_start3A_551, %dma_start3A_552] : memref<5x64x128xf32, #tpu.memory_space<vmem>> -> memref<1x64x128xf32, #tpu.memory_space<vmem>>
      %dma_start3A_554 = tpu.memref_squeeze %dma_start3A_553 : memref<1x64x128xf32, #tpu.memory_space<vmem>> -> memref<64x128xf32, #tpu.memory_space<vmem>>
      %dma_start3A_555 = arith.constant 0 : i32
      %dma_start3A_556 = tpu.memref_slice %arg5[%dma_start3A_547, %dma_start3A_548, %dma_start3A_549, %dma_start3A_555] : memref<2x5x2x64xi32, #tpu.memory_space<vmem>> -> memref<1x1x1x64xi32, #tpu.memory_space<vmem>>
      %dma_start3A_557 = tpu.memref_squeeze %dma_start3A_556 : memref<1x1x1x64xi32, #tpu.memory_space<vmem>> -> memref<64xi32, #tpu.memory_space<vmem>>
      %dma_start3A_558 = arith.constant 0 : i32
      %dma_start3A_559 = arith.constant 0 : i32
      %dma_start3A_560 = tpu.memref_slice %arg8[%dma_start3A_558, %dma_start3A_559] : memref<10240x128xf32, #tpu.memory_space<vmem_shared>> -> memref<10240x128xf32, #tpu.memory_space<vmem_shared>>
      %dma_start3A_561 = tpu.memref_slice %arg10[%dma_start3A_550] : memref<5x!tpu.dma_semaphore, #tpu.memory_space<semaphore_mem>> -> memref<1x!tpu.dma_semaphore, #tpu.memory_space<semaphore_mem>>
      %dma_start3A_562 = tpu.memref_squeeze %dma_start3A_561 : memref<1x!tpu.dma_semaphore, #tpu.memory_space<semaphore_mem>> -> memref<!tpu.dma_semaphore, #tpu.memory_space<semaphore_mem>>
      tpu.enqueue_indirect_dma source(%dma_start3A_554 : memref<64x128xf32, #tpu.memory_space<vmem>>) target(%dma_start3A_560 : memref<10240x128xf32, #tpu.memory_space<vmem_shared>>) offsets(%dma_start3A_557 : memref<64xi32, #tpu.memory_space<vmem>>) semaphore(%dma_start3A_562 : memref<!tpu.dma_semaphore, #tpu.memory_space<semaphore_mem>>) {add = true}
      %dma_wait3A_563 = arith.constant 1 : i32
      %dma_wait3A_564 = arith.constant 4 : i32
      %dma_wait3A_565 = arith.constant 0 : i32
      %dma_wait3A_566 = arith.constant 4 : i32
      %dma_wait3A_567 = arith.constant 4 : i32
      %dma_wait3A_568 = arith.constant 0 : i32
      %dma_wait3A_569 = arith.constant 0 : i32
      %dma_wait3A_570 = tpu.memref_slice %arg6[%dma_wait3A_566, %dma_wait3A_568, %dma_wait3A_569] : memref<5x64x128xf32, #tpu.memory_space<vmem>> -> memref<1x64x128xf32, #tpu.memory_space<vmem>>
      %dma_wait3A_571 = tpu.memref_squeeze %dma_wait3A_570 : memref<1x64x128xf32, #tpu.memory_space<vmem>> -> memref<64x128xf32, #tpu.memory_space<vmem>>
      %dma_wait3A_572 = arith.constant 0 : i32
      %dma_wait3A_573 = tpu.memref_slice %arg5[%dma_wait3A_563, %dma_wait3A_564, %dma_wait3A_565, %dma_wait3A_572] : memref<2x5x2x64xi32, #tpu.memory_space<vmem>> -> memref<1x1x1x64xi32, #tpu.memory_space<vmem>>
      %dma_wait3A_574 = tpu.memref_squeeze %dma_wait3A_573 : memref<1x1x1x64xi32, #tpu.memory_space<vmem>> -> memref<64xi32, #tpu.memory_space<vmem>>
      %dma_wait3A_575 = arith.constant 0 : i32
      %dma_wait3A_576 = arith.constant 0 : i32
      %dma_wait3A_577 = tpu.memref_slice %arg2[%dma_wait3A_575, %dma_wait3A_576] : memref<10240x128xf32, #tpu.memory_space<hbm>> -> memref<10240x128xf32, #tpu.memory_space<hbm>>
      %dma_wait3A_578 = tpu.memref_slice %arg9[%dma_wait3A_567] : memref<5x!tpu.dma_semaphore, #tpu.memory_space<semaphore_mem>> -> memref<1x!tpu.dma_semaphore, #tpu.memory_space<semaphore_mem>>
      %dma_wait3A_579 = tpu.memref_squeeze %dma_wait3A_578 : memref<1x!tpu.dma_semaphore, #tpu.memory_space<semaphore_mem>> -> memref<!tpu.dma_semaphore, #tpu.memory_space<semaphore_mem>>
      tpu.wait_indirect_dma semaphore(%dma_wait3A_579 : memref<!tpu.dma_semaphore, #tpu.memory_space<semaphore_mem>>) src(%dma_wait3A_577 : memref<10240x128xf32, #tpu.memory_space<hbm>>) dst(%dma_wait3A_571 : memref<64x128xf32, #tpu.memory_space<vmem>>)
      %dma_start3A_580 = arith.constant 4 : i32
      %dma_start3A_581 = arith.constant 1 : i32
      %dma_start3A_582 = arith.constant 4 : i32
      %dma_start3A_583 = arith.constant 1 : i32
      %dma_start3A_584 = arith.constant 4 : i32
      %dma_start3A_585 = arith.constant 0 : i32
      %dma_start3A_586 = arith.constant 0 : i32
      %dma_start3A_587 = tpu.memref_slice %arg6[%dma_start3A_580, %dma_start3A_585, %dma_start3A_586] : memref<5x64x128xf32, #tpu.memory_space<vmem>> -> memref<1x64x128xf32, #tpu.memory_space<vmem>>
      %dma_start3A_588 = tpu.memref_squeeze %dma_start3A_587 : memref<1x64x128xf32, #tpu.memory_space<vmem>> -> memref<64x128xf32, #tpu.memory_space<vmem>>
      %dma_start3A_589 = arith.constant 0 : i32
      %dma_start3A_590 = tpu.memref_slice %arg5[%dma_start3A_581, %dma_start3A_582, %dma_start3A_583, %dma_start3A_589] : memref<2x5x2x64xi32, #tpu.memory_space<vmem>> -> memref<1x1x1x64xi32, #tpu.memory_space<vmem>>
      %dma_start3A_591 = tpu.memref_squeeze %dma_start3A_590 : memref<1x1x1x64xi32, #tpu.memory_space<vmem>> -> memref<64xi32, #tpu.memory_space<vmem>>
      %dma_start3A_592 = arith.constant 0 : i32
      %dma_start3A_593 = arith.constant 0 : i32
      %dma_start3A_594 = tpu.memref_slice %arg8[%dma_start3A_592, %dma_start3A_593] : memref<10240x128xf32, #tpu.memory_space<vmem_shared>> -> memref<10240x128xf32, #tpu.memory_space<vmem_shared>>
      %dma_start3A_595 = tpu.memref_slice %arg10[%dma_start3A_584] : memref<5x!tpu.dma_semaphore, #tpu.memory_space<semaphore_mem>> -> memref<1x!tpu.dma_semaphore, #tpu.memory_space<semaphore_mem>>
      %dma_start3A_596 = tpu.memref_squeeze %dma_start3A_595 : memref<1x!tpu.dma_semaphore, #tpu.memory_space<semaphore_mem>> -> memref<!tpu.dma_semaphore, #tpu.memory_space<semaphore_mem>>
      tpu.enqueue_indirect_dma source(%dma_start3A_588 : memref<64x128xf32, #tpu.memory_space<vmem>>) target(%dma_start3A_594 : memref<10240x128xf32, #tpu.memory_space<vmem_shared>>) offsets(%dma_start3A_591 : memref<64xi32, #tpu.memory_space<vmem>>) semaphore(%dma_start3A_596 : memref<!tpu.dma_semaphore, #tpu.memory_space<semaphore_mem>>) {add = true}
      %add3A_597 = arith.constant 1 : i32
      %add3A_598 = arith.addi %add3A_426, %add3A_597 : i32
      %lt3A_599 = arith.constant 32 : i32
      %lt3A_600 = arith.cmpi slt, %add3A_598, %lt3A_599 : i32
      %convert_element_type3A_601 = arith.extui %lt3A_600 : i1 to i32
      %cond3A_602 = arith.constant 0 : i32
      %cond3A_603 = arith.cmpi ne, %convert_element_type3A_601, %cond3A_602 : i32
      scf.if %cond3A_603 {
        %dma_wait3A_721 = arith.constant 0 : i32
        %dma_wait3A_722 = arith.constant 0 : i32
        %dma_wait3A_723 = arith.constant 0 : i32
        %dma_wait3A_724 = arith.constant 0 : i32
        %dma_wait3A_725 = tpu.memref_slice %arg5[%dma_wait3A_721, %dma_wait3A_722, %dma_wait3A_723, %dma_wait3A_724] : memref<2x5x2x64xi32, #tpu.memory_space<vmem>> -> memref<1x5x2x64xi32, #tpu.memory_space<vmem>>
        %dma_wait3A_726 = tpu.memref_squeeze %dma_wait3A_725 : memref<1x5x2x64xi32, #tpu.memory_space<vmem>> -> memref<5x2x64xi32, #tpu.memory_space<vmem>>
        %dma_wait3A_727 = arith.constant 0 : i32
        %dma_wait3A_728 = arith.constant 0 : i32
        %dma_wait3A_729 = arith.constant 0 : i32
        %dma_wait3A_730 = tpu.memref_slice %arg3[%add3A, %add3A_598, %dma_wait3A_727, %dma_wait3A_728, %dma_wait3A_729] : memref<32x32x5x2x64xi32, #tpu.memory_space<hbm>> -> memref<1x1x5x2x64xi32, #tpu.memory_space<hbm>>
        %dma_wait3A_731 = tpu.memref_squeeze %dma_wait3A_730 : memref<1x1x5x2x64xi32, #tpu.memory_space<hbm>> -> memref<5x2x64xi32, #tpu.memory_space<hbm>>
        %dma_wait3A_732 = arith.constant 0 : i32
        %dma_wait3A_733 = arith.constant 0 : i32
        %dma_wait3A_734 = arith.constant 0 : i32
        %dma_wait3A_735 = tpu.memref_slice %arg5[%dma_wait3A_721, %dma_wait3A_732, %dma_wait3A_733, %dma_wait3A_734] : memref<2x5x2x64xi32, #tpu.memory_space<vmem>> -> memref<1x5x2x64xi32, #tpu.memory_space<vmem>>
        %dma_wait3A_736 = tpu.memref_squeeze %dma_wait3A_735 : memref<1x5x2x64xi32, #tpu.memory_space<vmem>> -> memref<5x2x64xi32, #tpu.memory_space<vmem>>
        %dma_wait3A_737 = arith.constant 0 : i32
        %dma_wait3A_738 = arith.constant 0 : i32
        %dma_wait3A_739 = arith.constant 0 : i32
        %dma_wait3A_740 = tpu.memref_slice %arg3[%add3A, %add3A_598, %dma_wait3A_737, %dma_wait3A_738, %dma_wait3A_739] : memref<32x32x5x2x64xi32, #tpu.memory_space<hbm>> -> memref<1x1x5x2x64xi32, #tpu.memory_space<hbm>>
        %dma_wait3A_741 = tpu.memref_squeeze %dma_wait3A_740 : memref<1x1x5x2x64xi32, #tpu.memory_space<hbm>> -> memref<5x2x64xi32, #tpu.memory_space<hbm>>
        tpu.wait_dma2 semaphore(%arg11 : memref<!tpu.dma_semaphore, #tpu.memory_space<semaphore_mem>>) src(%dma_wait3A_741 : memref<5x2x64xi32, #tpu.memory_space<hbm>>) dst(%dma_wait3A_736 : memref<5x2x64xi32, #tpu.memory_space<vmem>>)
      } else {
      }
      %dma_wait3A_604 = arith.constant 0 : i32
      %dma_wait3A_605 = arith.constant 1 : i32
      %dma_wait3A_606 = arith.constant 0 : i32
      %dma_wait3A_607 = arith.constant 1 : i32
      %dma_wait3A_608 = arith.constant 0 : i32
      %dma_wait3A_609 = arith.constant 0 : i32
      %dma_wait3A_610 = arith.constant 0 : i32
      %dma_wait3A_611 = tpu.memref_slice %arg6[%dma_wait3A_604, %dma_wait3A_609, %dma_wait3A_610] : memref<5x64x128xf32, #tpu.memory_space<vmem>> -> memref<1x64x128xf32, #tpu.memory_space<vmem>>
      %dma_wait3A_612 = tpu.memref_squeeze %dma_wait3A_611 : memref<1x64x128xf32, #tpu.memory_space<vmem>> -> memref<64x128xf32, #tpu.memory_space<vmem>>
      %dma_wait3A_613 = arith.constant 0 : i32
      %dma_wait3A_614 = tpu.memref_slice %arg5[%dma_wait3A_605, %dma_wait3A_606, %dma_wait3A_607, %dma_wait3A_613] : memref<2x5x2x64xi32, #tpu.memory_space<vmem>> -> memref<1x1x1x64xi32, #tpu.memory_space<vmem>>
      %dma_wait3A_615 = tpu.memref_squeeze %dma_wait3A_614 : memref<1x1x1x64xi32, #tpu.memory_space<vmem>> -> memref<64xi32, #tpu.memory_space<vmem>>
      %dma_wait3A_616 = arith.constant 0 : i32
      %dma_wait3A_617 = arith.constant 0 : i32
      %dma_wait3A_618 = tpu.memref_slice %arg8[%dma_wait3A_616, %dma_wait3A_617] : memref<10240x128xf32, #tpu.memory_space<vmem_shared>> -> memref<10240x128xf32, #tpu.memory_space<vmem_shared>>
      %dma_wait3A_619 = tpu.memref_slice %arg10[%dma_wait3A_608] : memref<5x!tpu.dma_semaphore, #tpu.memory_space<semaphore_mem>> -> memref<1x!tpu.dma_semaphore, #tpu.memory_space<semaphore_mem>>
      %dma_wait3A_620 = tpu.memref_squeeze %dma_wait3A_619 : memref<1x!tpu.dma_semaphore, #tpu.memory_space<semaphore_mem>> -> memref<!tpu.dma_semaphore, #tpu.memory_space<semaphore_mem>>
      tpu.wait_indirect_dma semaphore(%dma_wait3A_620 : memref<!tpu.dma_semaphore, #tpu.memory_space<semaphore_mem>>) src(%dma_wait3A_612 : memref<64x128xf32, #tpu.memory_space<vmem>>) dst(%dma_wait3A_618 : memref<10240x128xf32, #tpu.memory_space<vmem_shared>>)
      %lt3A_621 = arith.constant 32 : i32
      %lt3A_622 = arith.cmpi slt, %add3A_598, %lt3A_621 : i32
      %convert_element_type3A_623 = arith.extui %lt3A_622 : i1 to i32
      %cond3A_624 = arith.constant 0 : i32
      %cond3A_625 = arith.cmpi ne, %convert_element_type3A_623, %cond3A_624 : i32
      scf.if %cond3A_625 {
        %dma_start3A_721 = arith.constant 0 : i32
        %dma_start3A_722 = arith.constant 0 : i32
        %dma_start3A_723 = arith.constant 0 : i32
        %dma_start3A_724 = arith.constant 0 : i32
        %dma_start3A_725 = arith.constant 0 : i32
        %dma_start3A_726 = arith.constant 0 : i32
        %dma_start3A_727 = arith.constant 0 : i32
        %dma_start3A_728 = tpu.memref_slice %arg6[%dma_start3A_724, %dma_start3A_726, %dma_start3A_727] : memref<5x64x128xf32, #tpu.memory_space<vmem>> -> memref<1x64x128xf32, #tpu.memory_space<vmem>>
        %dma_start3A_729 = tpu.memref_squeeze %dma_start3A_728 : memref<1x64x128xf32, #tpu.memory_space<vmem>> -> memref<64x128xf32, #tpu.memory_space<vmem>>
        %dma_start3A_730 = arith.constant 0 : i32
        %dma_start3A_731 = tpu.memref_slice %arg5[%dma_start3A_721, %dma_start3A_722, %dma_start3A_723, %dma_start3A_730] : memref<2x5x2x64xi32, #tpu.memory_space<vmem>> -> memref<1x1x1x64xi32, #tpu.memory_space<vmem>>
        %dma_start3A_732 = tpu.memref_squeeze %dma_start3A_731 : memref<1x1x1x64xi32, #tpu.memory_space<vmem>> -> memref<64xi32, #tpu.memory_space<vmem>>
        %dma_start3A_733 = arith.constant 0 : i32
        %dma_start3A_734 = arith.constant 0 : i32
        %dma_start3A_735 = tpu.memref_slice %arg2[%dma_start3A_733, %dma_start3A_734] : memref<10240x128xf32, #tpu.memory_space<hbm>> -> memref<10240x128xf32, #tpu.memory_space<hbm>>
        %dma_start3A_736 = tpu.memref_slice %arg9[%dma_start3A_725] : memref<5x!tpu.dma_semaphore, #tpu.memory_space<semaphore_mem>> -> memref<1x!tpu.dma_semaphore, #tpu.memory_space<semaphore_mem>>
        %dma_start3A_737 = tpu.memref_squeeze %dma_start3A_736 : memref<1x!tpu.dma_semaphore, #tpu.memory_space<semaphore_mem>> -> memref<!tpu.dma_semaphore, #tpu.memory_space<semaphore_mem>>
        tpu.enqueue_indirect_dma source(%dma_start3A_735 : memref<10240x128xf32, #tpu.memory_space<hbm>>) target(%dma_start3A_729 : memref<64x128xf32, #tpu.memory_space<vmem>>) offsets(%dma_start3A_732 : memref<64xi32, #tpu.memory_space<vmem>>) semaphore(%dma_start3A_737 : memref<!tpu.dma_semaphore, #tpu.memory_space<semaphore_mem>>)
      } else {
      }
      %dma_wait3A_626 = arith.constant 1 : i32
      %dma_wait3A_627 = arith.constant 1 : i32
      %dma_wait3A_628 = arith.constant 1 : i32
      %dma_wait3A_629 = arith.constant 1 : i32
      %dma_wait3A_630 = arith.constant 1 : i32
      %dma_wait3A_631 = arith.constant 0 : i32
      %dma_wait3A_632 = arith.constant 0 : i32
      %dma_wait3A_633 = tpu.memref_slice %arg6[%dma_wait3A_626, %dma_wait3A_631, %dma_wait3A_632] : memref<5x64x128xf32, #tpu.memory_space<vmem>> -> memref<1x64x128xf32, #tpu.memory_space<vmem>>
      %dma_wait3A_634 = tpu.memref_squeeze %dma_wait3A_633 : memref<1x64x128xf32, #tpu.memory_space<vmem>> -> memref<64x128xf32, #tpu.memory_space<vmem>>
      %dma_wait3A_635 = arith.constant 0 : i32
      %dma_wait3A_636 = tpu.memref_slice %arg5[%dma_wait3A_627, %dma_wait3A_628, %dma_wait3A_629, %dma_wait3A_635] : memref<2x5x2x64xi32, #tpu.memory_space<vmem>> -> memref<1x1x1x64xi32, #tpu.memory_space<vmem>>
      %dma_wait3A_637 = tpu.memref_squeeze %dma_wait3A_636 : memref<1x1x1x64xi32, #tpu.memory_space<vmem>> -> memref<64xi32, #tpu.memory_space<vmem>>
      %dma_wait3A_638 = arith.constant 0 : i32
      %dma_wait3A_639 = arith.constant 0 : i32
      %dma_wait3A_640 = tpu.memref_slice %arg8[%dma_wait3A_638, %dma_wait3A_639] : memref<10240x128xf32, #tpu.memory_space<vmem_shared>> -> memref<10240x128xf32, #tpu.memory_space<vmem_shared>>
      %dma_wait3A_641 = tpu.memref_slice %arg10[%dma_wait3A_630] : memref<5x!tpu.dma_semaphore, #tpu.memory_space<semaphore_mem>> -> memref<1x!tpu.dma_semaphore, #tpu.memory_space<semaphore_mem>>
      %dma_wait3A_642 = tpu.memref_squeeze %dma_wait3A_641 : memref<1x!tpu.dma_semaphore, #tpu.memory_space<semaphore_mem>> -> memref<!tpu.dma_semaphore, #tpu.memory_space<semaphore_mem>>
      tpu.wait_indirect_dma semaphore(%dma_wait3A_642 : memref<!tpu.dma_semaphore, #tpu.memory_space<semaphore_mem>>) src(%dma_wait3A_634 : memref<64x128xf32, #tpu.memory_space<vmem>>) dst(%dma_wait3A_640 : memref<10240x128xf32, #tpu.memory_space<vmem_shared>>)
      %lt3A_643 = arith.constant 32 : i32
      %lt3A_644 = arith.cmpi slt, %add3A_598, %lt3A_643 : i32
      %convert_element_type3A_645 = arith.extui %lt3A_644 : i1 to i32
      %cond3A_646 = arith.constant 0 : i32
      %cond3A_647 = arith.cmpi ne, %convert_element_type3A_645, %cond3A_646 : i32
      scf.if %cond3A_647 {
        %dma_start3A_721 = arith.constant 0 : i32
        %dma_start3A_722 = arith.constant 1 : i32
        %dma_start3A_723 = arith.constant 0 : i32
        %dma_start3A_724 = arith.constant 1 : i32
        %dma_start3A_725 = arith.constant 1 : i32
        %dma_start3A_726 = arith.constant 0 : i32
        %dma_start3A_727 = arith.constant 0 : i32
        %dma_start3A_728 = tpu.memref_slice %arg6[%dma_start3A_724, %dma_start3A_726, %dma_start3A_727] : memref<5x64x128xf32, #tpu.memory_space<vmem>> -> memref<1x64x128xf32, #tpu.memory_space<vmem>>
        %dma_start3A_729 = tpu.memref_squeeze %dma_start3A_728 : memref<1x64x128xf32, #tpu.memory_space<vmem>> -> memref<64x128xf32, #tpu.memory_space<vmem>>
        %dma_start3A_730 = arith.constant 0 : i32
        %dma_start3A_731 = tpu.memref_slice %arg5[%dma_start3A_721, %dma_start3A_722, %dma_start3A_723, %dma_start3A_730] : memref<2x5x2x64xi32, #tpu.memory_space<vmem>> -> memref<1x1x1x64xi32, #tpu.memory_space<vmem>>
        %dma_start3A_732 = tpu.memref_squeeze %dma_start3A_731 : memref<1x1x1x64xi32, #tpu.memory_space<vmem>> -> memref<64xi32, #tpu.memory_space<vmem>>
        %dma_start3A_733 = arith.constant 0 : i32
        %dma_start3A_734 = arith.constant 0 : i32
        %dma_start3A_735 = tpu.memref_slice %arg2[%dma_start3A_733, %dma_start3A_734] : memref<10240x128xf32, #tpu.memory_space<hbm>> -> memref<10240x128xf32, #tpu.memory_space<hbm>>
        %dma_start3A_736 = tpu.memref_slice %arg9[%dma_start3A_725] : memref<5x!tpu.dma_semaphore, #tpu.memory_space<semaphore_mem>> -> memref<1x!tpu.dma_semaphore, #tpu.memory_space<semaphore_mem>>
        %dma_start3A_737 = tpu.memref_squeeze %dma_start3A_736 : memref<1x!tpu.dma_semaphore, #tpu.memory_space<semaphore_mem>> -> memref<!tpu.dma_semaphore, #tpu.memory_space<semaphore_mem>>
        tpu.enqueue_indirect_dma source(%dma_start3A_735 : memref<10240x128xf32, #tpu.memory_space<hbm>>) target(%dma_start3A_729 : memref<64x128xf32, #tpu.memory_space<vmem>>) offsets(%dma_start3A_732 : memref<64xi32, #tpu.memory_space<vmem>>) semaphore(%dma_start3A_737 : memref<!tpu.dma_semaphore, #tpu.memory_space<semaphore_mem>>)
      } else {
      }
      %dma_wait3A_648 = arith.constant 2 : i32
      %dma_wait3A_649 = arith.constant 1 : i32
      %dma_wait3A_650 = arith.constant 2 : i32
      %dma_wait3A_651 = arith.constant 1 : i32
      %dma_wait3A_652 = arith.constant 2 : i32
      %dma_wait3A_653 = arith.constant 0 : i32
      %dma_wait3A_654 = arith.constant 0 : i32
      %dma_wait3A_655 = tpu.memref_slice %arg6[%dma_wait3A_648, %dma_wait3A_653, %dma_wait3A_654] : memref<5x64x128xf32, #tpu.memory_space<vmem>> -> memref<1x64x128xf32, #tpu.memory_space<vmem>>
      %dma_wait3A_656 = tpu.memref_squeeze %dma_wait3A_655 : memref<1x64x128xf32, #tpu.memory_space<vmem>> -> memref<64x128xf32, #tpu.memory_space<vmem>>
      %dma_wait3A_657 = arith.constant 0 : i32
      %dma_wait3A_658 = tpu.memref_slice %arg5[%dma_wait3A_649, %dma_wait3A_650, %dma_wait3A_651, %dma_wait3A_657] : memref<2x5x2x64xi32, #tpu.memory_space<vmem>> -> memref<1x1x1x64xi32, #tpu.memory_space<vmem>>
      %dma_wait3A_659 = tpu.memref_squeeze %dma_wait3A_658 : memref<1x1x1x64xi32, #tpu.memory_space<vmem>> -> memref<64xi32, #tpu.memory_space<vmem>>
      %dma_wait3A_660 = arith.constant 0 : i32
      %dma_wait3A_661 = arith.constant 0 : i32
      %dma_wait3A_662 = tpu.memref_slice %arg8[%dma_wait3A_660, %dma_wait3A_661] : memref<10240x128xf32, #tpu.memory_space<vmem_shared>> -> memref<10240x128xf32, #tpu.memory_space<vmem_shared>>
      %dma_wait3A_663 = tpu.memref_slice %arg10[%dma_wait3A_652] : memref<5x!tpu.dma_semaphore, #tpu.memory_space<semaphore_mem>> -> memref<1x!tpu.dma_semaphore, #tpu.memory_space<semaphore_mem>>
      %dma_wait3A_664 = tpu.memref_squeeze %dma_wait3A_663 : memref<1x!tpu.dma_semaphore, #tpu.memory_space<semaphore_mem>> -> memref<!tpu.dma_semaphore, #tpu.memory_space<semaphore_mem>>
      tpu.wait_indirect_dma semaphore(%dma_wait3A_664 : memref<!tpu.dma_semaphore, #tpu.memory_space<semaphore_mem>>) src(%dma_wait3A_656 : memref<64x128xf32, #tpu.memory_space<vmem>>) dst(%dma_wait3A_662 : memref<10240x128xf32, #tpu.memory_space<vmem_shared>>)
      %lt3A_665 = arith.constant 32 : i32
      %lt3A_666 = arith.cmpi slt, %add3A_598, %lt3A_665 : i32
      %convert_element_type3A_667 = arith.extui %lt3A_666 : i1 to i32
      %cond3A_668 = arith.constant 0 : i32
      %cond3A_669 = arith.cmpi ne, %convert_element_type3A_667, %cond3A_668 : i32
      scf.if %cond3A_669 {
        %dma_start3A_721 = arith.constant 0 : i32
        %dma_start3A_722 = arith.constant 2 : i32
        %dma_start3A_723 = arith.constant 0 : i32
        %dma_start3A_724 = arith.constant 2 : i32
        %dma_start3A_725 = arith.constant 2 : i32
        %dma_start3A_726 = arith.constant 0 : i32
        %dma_start3A_727 = arith.constant 0 : i32
        %dma_start3A_728 = tpu.memref_slice %arg6[%dma_start3A_724, %dma_start3A_726, %dma_start3A_727] : memref<5x64x128xf32, #tpu.memory_space<vmem>> -> memref<1x64x128xf32, #tpu.memory_space<vmem>>
        %dma_start3A_729 = tpu.memref_squeeze %dma_start3A_728 : memref<1x64x128xf32, #tpu.memory_space<vmem>> -> memref<64x128xf32, #tpu.memory_space<vmem>>
        %dma_start3A_730 = arith.constant 0 : i32
        %dma_start3A_731 = tpu.memref_slice %arg5[%dma_start3A_721, %dma_start3A_722, %dma_start3A_723, %dma_start3A_730] : memref<2x5x2x64xi32, #tpu.memory_space<vmem>> -> memref<1x1x1x64xi32, #tpu.memory_space<vmem>>
        %dma_start3A_732 = tpu.memref_squeeze %dma_start3A_731 : memref<1x1x1x64xi32, #tpu.memory_space<vmem>> -> memref<64xi32, #tpu.memory_space<vmem>>
        %dma_start3A_733 = arith.constant 0 : i32
        %dma_start3A_734 = arith.constant 0 : i32
        %dma_start3A_735 = tpu.memref_slice %arg2[%dma_start3A_733, %dma_start3A_734] : memref<10240x128xf32, #tpu.memory_space<hbm>> -> memref<10240x128xf32, #tpu.memory_space<hbm>>
        %dma_start3A_736 = tpu.memref_slice %arg9[%dma_start3A_725] : memref<5x!tpu.dma_semaphore, #tpu.memory_space<semaphore_mem>> -> memref<1x!tpu.dma_semaphore, #tpu.memory_space<semaphore_mem>>
        %dma_start3A_737 = tpu.memref_squeeze %dma_start3A_736 : memref<1x!tpu.dma_semaphore, #tpu.memory_space<semaphore_mem>> -> memref<!tpu.dma_semaphore, #tpu.memory_space<semaphore_mem>>
        tpu.enqueue_indirect_dma source(%dma_start3A_735 : memref<10240x128xf32, #tpu.memory_space<hbm>>) target(%dma_start3A_729 : memref<64x128xf32, #tpu.memory_space<vmem>>) offsets(%dma_start3A_732 : memref<64xi32, #tpu.memory_space<vmem>>) semaphore(%dma_start3A_737 : memref<!tpu.dma_semaphore, #tpu.memory_space<semaphore_mem>>)
      } else {
      }
      %dma_wait3A_670 = arith.constant 3 : i32
      %dma_wait3A_671 = arith.constant 1 : i32
      %dma_wait3A_672 = arith.constant 3 : i32
      %dma_wait3A_673 = arith.constant 1 : i32
      %dma_wait3A_674 = arith.constant 3 : i32
      %dma_wait3A_675 = arith.constant 0 : i32
      %dma_wait3A_676 = arith.constant 0 : i32
      %dma_wait3A_677 = tpu.memref_slice %arg6[%dma_wait3A_670, %dma_wait3A_675, %dma_wait3A_676] : memref<5x64x128xf32, #tpu.memory_space<vmem>> -> memref<1x64x128xf32, #tpu.memory_space<vmem>>
      %dma_wait3A_678 = tpu.memref_squeeze %dma_wait3A_677 : memref<1x64x128xf32, #tpu.memory_space<vmem>> -> memref<64x128xf32, #tpu.memory_space<vmem>>
      %dma_wait3A_679 = arith.constant 0 : i32
      %dma_wait3A_680 = tpu.memref_slice %arg5[%dma_wait3A_671, %dma_wait3A_672, %dma_wait3A_673, %dma_wait3A_679] : memref<2x5x2x64xi32, #tpu.memory_space<vmem>> -> memref<1x1x1x64xi32, #tpu.memory_space<vmem>>
      %dma_wait3A_681 = tpu.memref_squeeze %dma_wait3A_680 : memref<1x1x1x64xi32, #tpu.memory_space<vmem>> -> memref<64xi32, #tpu.memory_space<vmem>>
      %dma_wait3A_682 = arith.constant 0 : i32
      %dma_wait3A_683 = arith.constant 0 : i32
      %dma_wait3A_684 = tpu.memref_slice %arg8[%dma_wait3A_682, %dma_wait3A_683] : memref<10240x128xf32, #tpu.memory_space<vmem_shared>> -> memref<10240x128xf32, #tpu.memory_space<vmem_shared>>
      %dma_wait3A_685 = tpu.memref_slice %arg10[%dma_wait3A_674] : memref<5x!tpu.dma_semaphore, #tpu.memory_space<semaphore_mem>> -> memref<1x!tpu.dma_semaphore, #tpu.memory_space<semaphore_mem>>
      %dma_wait3A_686 = tpu.memref_squeeze %dma_wait3A_685 : memref<1x!tpu.dma_semaphore, #tpu.memory_space<semaphore_mem>> -> memref<!tpu.dma_semaphore, #tpu.memory_space<semaphore_mem>>
      tpu.wait_indirect_dma semaphore(%dma_wait3A_686 : memref<!tpu.dma_semaphore, #tpu.memory_space<semaphore_mem>>) src(%dma_wait3A_678 : memref<64x128xf32, #tpu.memory_space<vmem>>) dst(%dma_wait3A_684 : memref<10240x128xf32, #tpu.memory_space<vmem_shared>>)
      %lt3A_687 = arith.constant 32 : i32
      %lt3A_688 = arith.cmpi slt, %add3A_598, %lt3A_687 : i32
      %convert_element_type3A_689 = arith.extui %lt3A_688 : i1 to i32
      %cond3A_690 = arith.constant 0 : i32
      %cond3A_691 = arith.cmpi ne, %convert_element_type3A_689, %cond3A_690 : i32
      scf.if %cond3A_691 {
        %dma_start3A_721 = arith.constant 0 : i32
        %dma_start3A_722 = arith.constant 3 : i32
        %dma_start3A_723 = arith.constant 0 : i32
        %dma_start3A_724 = arith.constant 3 : i32
        %dma_start3A_725 = arith.constant 3 : i32
        %dma_start3A_726 = arith.constant 0 : i32
        %dma_start3A_727 = arith.constant 0 : i32
        %dma_start3A_728 = tpu.memref_slice %arg6[%dma_start3A_724, %dma_start3A_726, %dma_start3A_727] : memref<5x64x128xf32, #tpu.memory_space<vmem>> -> memref<1x64x128xf32, #tpu.memory_space<vmem>>
        %dma_start3A_729 = tpu.memref_squeeze %dma_start3A_728 : memref<1x64x128xf32, #tpu.memory_space<vmem>> -> memref<64x128xf32, #tpu.memory_space<vmem>>
        %dma_start3A_730 = arith.constant 0 : i32
        %dma_start3A_731 = tpu.memref_slice %arg5[%dma_start3A_721, %dma_start3A_722, %dma_start3A_723, %dma_start3A_730] : memref<2x5x2x64xi32, #tpu.memory_space<vmem>> -> memref<1x1x1x64xi32, #tpu.memory_space<vmem>>
        %dma_start3A_732 = tpu.memref_squeeze %dma_start3A_731 : memref<1x1x1x64xi32, #tpu.memory_space<vmem>> -> memref<64xi32, #tpu.memory_space<vmem>>
        %dma_start3A_733 = arith.constant 0 : i32
        %dma_start3A_734 = arith.constant 0 : i32
        %dma_start3A_735 = tpu.memref_slice %arg2[%dma_start3A_733, %dma_start3A_734] : memref<10240x128xf32, #tpu.memory_space<hbm>> -> memref<10240x128xf32, #tpu.memory_space<hbm>>
        %dma_start3A_736 = tpu.memref_slice %arg9[%dma_start3A_725] : memref<5x!tpu.dma_semaphore, #tpu.memory_space<semaphore_mem>> -> memref<1x!tpu.dma_semaphore, #tpu.memory_space<semaphore_mem>>
        %dma_start3A_737 = tpu.memref_squeeze %dma_start3A_736 : memref<1x!tpu.dma_semaphore, #tpu.memory_space<semaphore_mem>> -> memref<!tpu.dma_semaphore, #tpu.memory_space<semaphore_mem>>
        tpu.enqueue_indirect_dma source(%dma_start3A_735 : memref<10240x128xf32, #tpu.memory_space<hbm>>) target(%dma_start3A_729 : memref<64x128xf32, #tpu.memory_space<vmem>>) offsets(%dma_start3A_732 : memref<64xi32, #tpu.memory_space<vmem>>) semaphore(%dma_start3A_737 : memref<!tpu.dma_semaphore, #tpu.memory_space<semaphore_mem>>)
      } else {
      }
      %dma_wait3A_692 = arith.constant 4 : i32
      %dma_wait3A_693 = arith.constant 1 : i32
      %dma_wait3A_694 = arith.constant 4 : i32
      %dma_wait3A_695 = arith.constant 1 : i32
      %dma_wait3A_696 = arith.constant 4 : i32
      %dma_wait3A_697 = arith.constant 0 : i32
      %dma_wait3A_698 = arith.constant 0 : i32
      %dma_wait3A_699 = tpu.memref_slice %arg6[%dma_wait3A_692, %dma_wait3A_697, %dma_wait3A_698] : memref<5x64x128xf32, #tpu.memory_space<vmem>> -> memref<1x64x128xf32, #tpu.memory_space<vmem>>
      %dma_wait3A_700 = tpu.memref_squeeze %dma_wait3A_699 : memref<1x64x128xf32, #tpu.memory_space<vmem>> -> memref<64x128xf32, #tpu.memory_space<vmem>>
      %dma_wait3A_701 = arith.constant 0 : i32
      %dma_wait3A_702 = tpu.memref_slice %arg5[%dma_wait3A_693, %dma_wait3A_694, %dma_wait3A_695, %dma_wait3A_701] : memref<2x5x2x64xi32, #tpu.memory_space<vmem>> -> memref<1x1x1x64xi32, #tpu.memory_space<vmem>>
      %dma_wait3A_703 = tpu.memref_squeeze %dma_wait3A_702 : memref<1x1x1x64xi32, #tpu.memory_space<vmem>> -> memref<64xi32, #tpu.memory_space<vmem>>
      %dma_wait3A_704 = arith.constant 0 : i32
      %dma_wait3A_705 = arith.constant 0 : i32
      %dma_wait3A_706 = tpu.memref_slice %arg8[%dma_wait3A_704, %dma_wait3A_705] : memref<10240x128xf32, #tpu.memory_space<vmem_shared>> -> memref<10240x128xf32, #tpu.memory_space<vmem_shared>>
      %dma_wait3A_707 = tpu.memref_slice %arg10[%dma_wait3A_696] : memref<5x!tpu.dma_semaphore, #tpu.memory_space<semaphore_mem>> -> memref<1x!tpu.dma_semaphore, #tpu.memory_space<semaphore_mem>>
      %dma_wait3A_708 = tpu.memref_squeeze %dma_wait3A_707 : memref<1x!tpu.dma_semaphore, #tpu.memory_space<semaphore_mem>> -> memref<!tpu.dma_semaphore, #tpu.memory_space<semaphore_mem>>
      tpu.wait_indirect_dma semaphore(%dma_wait3A_708 : memref<!tpu.dma_semaphore, #tpu.memory_space<semaphore_mem>>) src(%dma_wait3A_700 : memref<64x128xf32, #tpu.memory_space<vmem>>) dst(%dma_wait3A_706 : memref<10240x128xf32, #tpu.memory_space<vmem_shared>>)
      %lt3A_709 = arith.constant 32 : i32
      %lt3A_710 = arith.cmpi slt, %add3A_598, %lt3A_709 : i32
      %convert_element_type3A_711 = arith.extui %lt3A_710 : i1 to i32
      %cond3A_712 = arith.constant 0 : i32
      %cond3A_713 = arith.cmpi ne, %convert_element_type3A_711, %cond3A_712 : i32
      scf.if %cond3A_713 {
        %dma_start3A_721 = arith.constant 0 : i32
        %dma_start3A_722 = arith.constant 4 : i32
        %dma_start3A_723 = arith.constant 0 : i32
        %dma_start3A_724 = arith.constant 4 : i32
        %dma_start3A_725 = arith.constant 4 : i32
        %dma_start3A_726 = arith.constant 0 : i32
        %dma_start3A_727 = arith.constant 0 : i32
        %dma_start3A_728 = tpu.memref_slice %arg6[%dma_start3A_724, %dma_start3A_726, %dma_start3A_727] : memref<5x64x128xf32, #tpu.memory_space<vmem>> -> memref<1x64x128xf32, #tpu.memory_space<vmem>>
        %dma_start3A_729 = tpu.memref_squeeze %dma_start3A_728 : memref<1x64x128xf32, #tpu.memory_space<vmem>> -> memref<64x128xf32, #tpu.memory_space<vmem>>
        %dma_start3A_730 = arith.constant 0 : i32
        %dma_start3A_731 = tpu.memref_slice %arg5[%dma_start3A_721, %dma_start3A_722, %dma_start3A_723, %dma_start3A_730] : memref<2x5x2x64xi32, #tpu.memory_space<vmem>> -> memref<1x1x1x64xi32, #tpu.memory_space<vmem>>
        %dma_start3A_732 = tpu.memref_squeeze %dma_start3A_731 : memref<1x1x1x64xi32, #tpu.memory_space<vmem>> -> memref<64xi32, #tpu.memory_space<vmem>>
        %dma_start3A_733 = arith.constant 0 : i32
        %dma_start3A_734 = arith.constant 0 : i32
        %dma_start3A_735 = tpu.memref_slice %arg2[%dma_start3A_733, %dma_start3A_734] : memref<10240x128xf32, #tpu.memory_space<hbm>> -> memref<10240x128xf32, #tpu.memory_space<hbm>>
        %dma_start3A_736 = tpu.memref_slice %arg9[%dma_start3A_725] : memref<5x!tpu.dma_semaphore, #tpu.memory_space<semaphore_mem>> -> memref<1x!tpu.dma_semaphore, #tpu.memory_space<semaphore_mem>>
        %dma_start3A_737 = tpu.memref_squeeze %dma_start3A_736 : memref<1x!tpu.dma_semaphore, #tpu.memory_space<semaphore_mem>> -> memref<!tpu.dma_semaphore, #tpu.memory_space<semaphore_mem>>
        tpu.enqueue_indirect_dma source(%dma_start3A_735 : memref<10240x128xf32, #tpu.memory_space<hbm>>) target(%dma_start3A_729 : memref<64x128xf32, #tpu.memory_space<vmem>>) offsets(%dma_start3A_732 : memref<64xi32, #tpu.memory_space<vmem>>) semaphore(%dma_start3A_737 : memref<!tpu.dma_semaphore, #tpu.memory_space<semaphore_mem>>)
      } else {
      }
      %add3A_714 = arith.constant 1 : i32
      %add3A_715 = arith.addi %add3A_598, %add3A_714 : i32
      %lt3A_716 = arith.constant 32 : i32
      %lt3A_717 = arith.cmpi slt, %add3A_715, %lt3A_716 : i32
      %convert_element_type3A_718 = arith.extui %lt3A_717 : i1 to i32
      %cond3A_719 = arith.constant 0 : i32
      %cond3A_720 = arith.cmpi ne, %convert_element_type3A_718, %cond3A_719 : i32
      scf.if %cond3A_720 {
        %add3A_721 = arith.constant 1 : i32
        %add3A_722 = arith.addi %add3A_598, %add3A_721 : i32
        %dma_start3A_723 = arith.constant 1 : i32
        %dma_start3A_724 = arith.constant 0 : i32
        %dma_start3A_725 = arith.constant 0 : i32
        %dma_start3A_726 = arith.constant 0 : i32
        %dma_start3A_727 = tpu.memref_slice %arg5[%dma_start3A_723, %dma_start3A_724, %dma_start3A_725, %dma_start3A_726] : memref<2x5x2x64xi32, #tpu.memory_space<vmem>> -> memref<1x5x2x64xi32, #tpu.memory_space<vmem>>
        %dma_start3A_728 = tpu.memref_squeeze %dma_start3A_727 : memref<1x5x2x64xi32, #tpu.memory_space<vmem>> -> memref<5x2x64xi32, #tpu.memory_space<vmem>>
        %dma_start3A_729 = arith.constant 0 : i32
        %dma_start3A_730 = arith.constant 0 : i32
        %dma_start3A_731 = arith.constant 0 : i32
        %dma_start3A_732 = tpu.memref_slice %arg3[%add3A, %add3A_722, %dma_start3A_729, %dma_start3A_730, %dma_start3A_731] : memref<32x32x5x2x64xi32, #tpu.memory_space<hbm>> -> memref<1x1x5x2x64xi32, #tpu.memory_space<hbm>>
        %dma_start3A_733 = tpu.memref_squeeze %dma_start3A_732 : memref<1x1x5x2x64xi32, #tpu.memory_space<hbm>> -> memref<5x2x64xi32, #tpu.memory_space<hbm>>
        %dma_start3A_734 = arith.constant 0 : i32
        %dma_start3A_735 = arith.constant 0 : i32
        %dma_start3A_736 = arith.constant 0 : i32
        %dma_start3A_737 = tpu.memref_slice %arg5[%dma_start3A_723, %dma_start3A_734, %dma_start3A_735, %dma_start3A_736] : memref<2x5x2x64xi32, #tpu.memory_space<vmem>> -> memref<1x5x2x64xi32, #tpu.memory_space<vmem>>
        %dma_start3A_738 = tpu.memref_squeeze %dma_start3A_737 : memref<1x5x2x64xi32, #tpu.memory_space<vmem>> -> memref<5x2x64xi32, #tpu.memory_space<vmem>>
        %dma_start3A_739 = arith.constant 0 : i32
        %dma_start3A_740 = arith.constant 0 : i32
        %dma_start3A_741 = arith.constant 0 : i32
        %dma_start3A_742 = tpu.memref_slice %arg3[%add3A, %add3A_722, %dma_start3A_739, %dma_start3A_740, %dma_start3A_741] : memref<32x32x5x2x64xi32, #tpu.memory_space<hbm>> -> memref<1x1x5x2x64xi32, #tpu.memory_space<hbm>>
        %dma_start3A_743 = tpu.memref_squeeze %dma_start3A_742 : memref<1x1x5x2x64xi32, #tpu.memory_space<hbm>> -> memref<5x2x64xi32, #tpu.memory_space<hbm>>
        tpu.enqueue_dma source(%dma_start3A_743 : memref<5x2x64xi32, #tpu.memory_space<hbm>>) target(%dma_start3A_738 : memref<5x2x64xi32, #tpu.memory_space<vmem>>) target_semaphore(%arg11 : memref<!tpu.dma_semaphore, #tpu.memory_space<semaphore_mem>>)
      } else {
      }
    }
    %scan3A_122 = arith.constant 16 : i32
    %barrier3A_123 = arith.constant 0 : index
    tpu.barrier barrier_id(%barrier3A_123)
    %mul3A_124 = arith.constant 640 : i32
    %mul3A_125 = arith.muli %arg1, %mul3A_124 : i32
    %mul3A_126 = arith.constant 640 : i32
    %mul3A_127 = arith.muli %arg1, %mul3A_126 : i32
    "tpu.region"() ({
      %run_scoped3A_128 = tpu.sem_alloc : memref<!tpu.dma_semaphore, #tpu.memory_space<semaphore_mem>>
      %dma_start3A_129 = arith.constant 0 : i32
      %dma_start3A_130 = arith.constant 0 : i32
      %dma_start3A_131 = tpu.memref_slice %arg4[%arg0, %dma_start3A_129, %dma_start3A_130] : memref<2x10240x128xf32, #tpu.memory_space<hbm>> -> memref<1x10240x128xf32, #tpu.memory_space<hbm>>
      %dma_start3A_132 = tpu.memref_squeeze %dma_start3A_131 : memref<1x10240x128xf32, #tpu.memory_space<hbm>> -> memref<10240x128xf32, #tpu.memory_space<hbm>>
      %dma_start3A_133 = arith.constant 0 : i32
      %dma_start3A_134 = tpu.memref_slice %dma_start3A_132[%mul3A_127, %dma_start3A_133] : memref<10240x128xf32, #tpu.memory_space<hbm>> -> memref<640x128xf32, #tpu.memory_space<hbm>>
      %dma_start3A_135 = arith.constant 0 : i32
      %dma_start3A_136 = tpu.memref_slice %arg8[%mul3A_125, %dma_start3A_135] : memref<10240x128xf32, #tpu.memory_space<vmem_shared>> -> memref<640x128xf32, #tpu.memory_space<vmem_shared>>
      tpu.enqueue_dma source(%dma_start3A_136 : memref<640x128xf32, #tpu.memory_space<vmem_shared>>) target(%dma_start3A_134 : memref<640x128xf32, #tpu.memory_space<hbm>>) target_semaphore(%run_scoped3A_128 : memref<!tpu.dma_semaphore, #tpu.memory_space<semaphore_mem>>)
      %dma_wait3A = arith.constant 0 : i32
      %dma_wait3A_137 = arith.constant 0 : i32
      %dma_wait3A_138 = tpu.memref_slice %arg4[%arg0, %dma_wait3A, %dma_wait3A_137] : memref<2x10240x128xf32, #tpu.memory_space<hbm>> -> memref<1x10240x128xf32, #tpu.memory_space<hbm>>
      %dma_wait3A_139 = tpu.memref_squeeze %dma_wait3A_138 : memref<1x10240x128xf32, #tpu.memory_space<hbm>> -> memref<10240x128xf32, #tpu.memory_space<hbm>>
      %dma_wait3A_140 = arith.constant 0 : i32
      %dma_wait3A_141 = tpu.memref_slice %dma_wait3A_139[%mul3A_127, %dma_wait3A_140] : memref<10240x128xf32, #tpu.memory_space<hbm>> -> memref<640x128xf32, #tpu.memory_space<hbm>>
      %dma_wait3A_142 = arith.constant 0 : i32
      %dma_wait3A_143 = tpu.memref_slice %arg8[%mul3A_125, %dma_wait3A_142] : memref<10240x128xf32, #tpu.memory_space<vmem_shared>> -> memref<640x128xf32, #tpu.memory_space<vmem_shared>>
      tpu.wait_dma2 semaphore(%run_scoped3A_128 : memref<!tpu.dma_semaphore, #tpu.memory_space<semaphore_mem>>) src(%dma_wait3A_143 : memref<640x128xf32, #tpu.memory_space<vmem_shared>>) dst(%dma_wait3A_141 : memref<640x128xf32, #tpu.memory_space<hbm>>)
      tpu.yield
    }) : () -> ()
    return
  }
}

#map = affine_map<(d0, d1) -> (0, 0, 0)>
#map1 = affine_map<(d0, d1) -> (0)>
module attributes {stable_mosaic.version = 14 : i64} {
  func.func @_deg_kernel(%arg0: i32, %arg1: i32, %arg2: memref<16x160x128xi32, #tpu.memory_space<hbm>>, %arg3: memref<10240xf32, #tpu.memory_space<hbm>>, %arg4: memref<160x128xi32, #tpu.memory_space<vmem>>, %arg5: memref<128xf32, #tpu.memory_space<vmem>>, %arg6: memref<640xf32, #tpu.memory_space<vmem>>, %arg7: memref<10240xf32, #tpu.memory_space<vmem_shared>>) attributes {dimension_semantics = [#tpu.dimension_semantics<core_parallel>, #tpu.dimension_semantics<subcore_parallel>], iteration_bounds = array<i64: 2, 16>, scalar_prefetch = 0 : i64, scratch_operands = 4 : i64, tpu.core_type = #tpu.core_type<sc_vector_subcore>, window_params = [{transform_indices = #map}, {transform_indices = #map1}]} {
    %broadcast_in_dim3A = arith.constant 0.000000e+00 : f32
    %broadcast_in_dim3A_0 = vector.broadcast %broadcast_in_dim3A : f32 to vector<16xf32>
    %scan3A = arith.constant 0 : i32
    %scan3A_1 = arith.constant 40 : i32
    %scan3A_2 = arith.addi %scan3A, %scan3A_1 : i32
    %scan3A_3 = arith.constant 1 : i32
    scf.for %scan3A_53 = %scan3A to %scan3A_2 step %scan3A_3  : i32 {
      %mul3A_54 = arith.constant 1 : i32
      %mul3A_55 = arith.muli %scan3A_53, %mul3A_54 : i32
      %add3A_56 = arith.constant 0 : i32
      %add3A_57 = arith.addi %add3A_56, %mul3A_55 : i32
      %mul3A_58 = arith.constant 16 : i32
      %mul3A_59 = arith.muli %add3A_57, %mul3A_58 : i32
      %swap3A_60 = arith.index_cast %mul3A_59 : i32 to index
      %swap3A_61 = tpu.vector_load %arg6[%swap3A_60] {strides = array<i32>} : memref<640xf32, #tpu.memory_space<vmem>>, vector<16xf32>,
      %swap3A_62 = vector.shape_cast %swap3A_61 : vector<16xf32> to vector<16xf32>
      %swap3A_63 = vector.shape_cast %broadcast_in_dim3A_0 : vector<16xf32> to vector<16xf32>
      tpu.vector_store %arg6[%swap3A_60], %swap3A_63 {strides = array<i32>} : memref<640xf32, #tpu.memory_space<vmem>>, vector<16xf32>,
    }
    %scan3A_4 = arith.constant 40 : i32
    %mul3A = arith.constant 640 : i32
    %mul3A_5 = arith.muli %arg1, %mul3A : i32
    "tpu.region"() ({
      %run_scoped3A = tpu.sem_alloc : memref<!tpu.dma_semaphore, #tpu.memory_space<semaphore_mem>>
      %dma_start3A = tpu.memref_slice %arg7[%mul3A_5] : memref<10240xf32, #tpu.memory_space<vmem_shared>> -> memref<640xf32, #tpu.memory_space<vmem_shared>>
      %dma_start3A_53 = tpu.memref_slice %arg7[%mul3A_5] : memref<10240xf32, #tpu.memory_space<vmem_shared>> -> memref<640xf32, #tpu.memory_space<vmem_shared>>
      tpu.enqueue_dma source(%arg6 : memref<640xf32, #tpu.memory_space<vmem>>) target(%dma_start3A_53 : memref<640xf32, #tpu.memory_space<vmem_shared>>) target_semaphore(%run_scoped3A : memref<!tpu.dma_semaphore, #tpu.memory_space<semaphore_mem>>)
      %dma_wait3A = tpu.memref_slice %arg7[%mul3A_5] : memref<10240xf32, #tpu.memory_space<vmem_shared>> -> memref<640xf32, #tpu.memory_space<vmem_shared>>
      %dma_wait3A_54 = tpu.memref_slice %arg7[%mul3A_5] : memref<10240xf32, #tpu.memory_space<vmem_shared>> -> memref<640xf32, #tpu.memory_space<vmem_shared>>
      tpu.wait_dma2 semaphore(%run_scoped3A : memref<!tpu.dma_semaphore, #tpu.memory_space<semaphore_mem>>) src(%arg6 : memref<640xf32, #tpu.memory_space<vmem>>) dst(%dma_wait3A_54 : memref<640xf32, #tpu.memory_space<vmem_shared>>)
      tpu.yield
    }) : () -> ()
    %broadcast_in_dim3A_6 = arith.constant 1.000000e+00 : f32
    %broadcast_in_dim3A_7 = vector.broadcast %broadcast_in_dim3A_6 : f32 to vector<16xf32>
    %swap3A = arith.constant 0 : index
    %swap3A_8 = tpu.vector_load %arg5[%swap3A] {strides = array<i32>} : memref<128xf32, #tpu.memory_space<vmem>>, vector<16xf32>,
    %swap3A_9 = vector.shape_cast %swap3A_8 : vector<16xf32> to vector<16xf32>
    %swap3A_10 = vector.shape_cast %broadcast_in_dim3A_7 : vector<16xf32> to vector<16xf32>
    tpu.vector_store %arg5[%swap3A], %swap3A_10 {strides = array<i32>} : memref<128xf32, #tpu.memory_space<vmem>>, vector<16xf32>,
    %swap3A_11 = arith.constant 16 : index
    %swap3A_12 = tpu.vector_load %arg5[%swap3A_11] {strides = array<i32>} : memref<128xf32, #tpu.memory_space<vmem>>, vector<16xf32>,
    %swap3A_13 = vector.shape_cast %swap3A_12 : vector<16xf32> to vector<16xf32>
    %swap3A_14 = vector.shape_cast %broadcast_in_dim3A_7 : vector<16xf32> to vector<16xf32>
    tpu.vector_store %arg5[%swap3A_11], %swap3A_14 {strides = array<i32>} : memref<128xf32, #tpu.memory_space<vmem>>, vector<16xf32>,
    %swap3A_15 = arith.constant 32 : index
    %swap3A_16 = tpu.vector_load %arg5[%swap3A_15] {strides = array<i32>} : memref<128xf32, #tpu.memory_space<vmem>>, vector<16xf32>,
    %swap3A_17 = vector.shape_cast %swap3A_16 : vector<16xf32> to vector<16xf32>
    %swap3A_18 = vector.shape_cast %broadcast_in_dim3A_7 : vector<16xf32> to vector<16xf32>
    tpu.vector_store %arg5[%swap3A_15], %swap3A_18 {strides = array<i32>} : memref<128xf32, #tpu.memory_space<vmem>>, vector<16xf32>,
    %swap3A_19 = arith.constant 48 : index
    %swap3A_20 = tpu.vector_load %arg5[%swap3A_19] {strides = array<i32>} : memref<128xf32, #tpu.memory_space<vmem>>, vector<16xf32>,
    %swap3A_21 = vector.shape_cast %swap3A_20 : vector<16xf32> to vector<16xf32>
    %swap3A_22 = vector.shape_cast %broadcast_in_dim3A_7 : vector<16xf32> to vector<16xf32>
    tpu.vector_store %arg5[%swap3A_19], %swap3A_22 {strides = array<i32>} : memref<128xf32, #tpu.memory_space<vmem>>, vector<16xf32>,
    %swap3A_23 = arith.constant 64 : index
    %swap3A_24 = tpu.vector_load %arg5[%swap3A_23] {strides = array<i32>} : memref<128xf32, #tpu.memory_space<vmem>>, vector<16xf32>,
    %swap3A_25 = vector.shape_cast %swap3A_24 : vector<16xf32> to vector<16xf32>
    %swap3A_26 = vector.shape_cast %broadcast_in_dim3A_7 : vector<16xf32> to vector<16xf32>
    tpu.vector_store %arg5[%swap3A_23], %swap3A_26 {strides = array<i32>} : memref<128xf32, #tpu.memory_space<vmem>>, vector<16xf32>,
    %swap3A_27 = arith.constant 80 : index
    %swap3A_28 = tpu.vector_load %arg5[%swap3A_27] {strides = array<i32>} : memref<128xf32, #tpu.memory_space<vmem>>, vector<16xf32>,
    %swap3A_29 = vector.shape_cast %swap3A_28 : vector<16xf32> to vector<16xf32>
    %swap3A_30 = vector.shape_cast %broadcast_in_dim3A_7 : vector<16xf32> to vector<16xf32>
    tpu.vector_store %arg5[%swap3A_27], %swap3A_30 {strides = array<i32>} : memref<128xf32, #tpu.memory_space<vmem>>, vector<16xf32>,
    %swap3A_31 = arith.constant 96 : index
    %swap3A_32 = tpu.vector_load %arg5[%swap3A_31] {strides = array<i32>} : memref<128xf32, #tpu.memory_space<vmem>>, vector<16xf32>,
    %swap3A_33 = vector.shape_cast %swap3A_32 : vector<16xf32> to vector<16xf32>
    %swap3A_34 = vector.shape_cast %broadcast_in_dim3A_7 : vector<16xf32> to vector<16xf32>
    tpu.vector_store %arg5[%swap3A_31], %swap3A_34 {strides = array<i32>} : memref<128xf32, #tpu.memory_space<vmem>>, vector<16xf32>,
    %swap3A_35 = arith.constant 112 : index
    %swap3A_36 = tpu.vector_load %arg5[%swap3A_35] {strides = array<i32>} : memref<128xf32, #tpu.memory_space<vmem>>, vector<16xf32>,
    %swap3A_37 = vector.shape_cast %swap3A_36 : vector<16xf32> to vector<16xf32>
    %swap3A_38 = vector.shape_cast %broadcast_in_dim3A_7 : vector<16xf32> to vector<16xf32>
    tpu.vector_store %arg5[%swap3A_35], %swap3A_38 {strides = array<i32>} : memref<128xf32, #tpu.memory_space<vmem>>, vector<16xf32>,
    %barrier3A = arith.constant 0 : index
    tpu.barrier barrier_id(%barrier3A)
    "tpu.region"() ({
      %run_scoped3A = tpu.sem_alloc : memref<!tpu.dma_semaphore, #tpu.memory_space<semaphore_mem>>
      %dma_start3A = arith.constant 0 : i32
      %dma_start3A_53 = arith.constant 0 : i32
      %dma_start3A_54 = tpu.memref_slice %arg2[%arg1, %dma_start3A, %dma_start3A_53] : memref<16x160x128xi32, #tpu.memory_space<hbm>> -> memref<1x160x128xi32, #tpu.memory_space<hbm>>
      %dma_start3A_55 = tpu.memref_squeeze %dma_start3A_54 : memref<1x160x128xi32, #tpu.memory_space<hbm>> -> memref<160x128xi32, #tpu.memory_space<hbm>>
      %dma_start3A_56 = arith.constant 0 : i32
      %dma_start3A_57 = arith.constant 0 : i32
      %dma_start3A_58 = tpu.memref_slice %arg2[%arg1, %dma_start3A_56, %dma_start3A_57] : memref<16x160x128xi32, #tpu.memory_space<hbm>> -> memref<1x160x128xi32, #tpu.memory_space<hbm>>
      %dma_start3A_59 = tpu.memref_squeeze %dma_start3A_58 : memref<1x160x128xi32, #tpu.memory_space<hbm>> -> memref<160x128xi32, #tpu.memory_space<hbm>>
      tpu.enqueue_dma source(%dma_start3A_59 : memref<160x128xi32, #tpu.memory_space<hbm>>) target(%arg4 : memref<160x128xi32, #tpu.memory_space<vmem>>) target_semaphore(%run_scoped3A : memref<!tpu.dma_semaphore, #tpu.memory_space<semaphore_mem>>)
      %dma_wait3A = arith.constant 0 : i32
      %dma_wait3A_60 = arith.constant 0 : i32
      %dma_wait3A_61 = tpu.memref_slice %arg2[%arg1, %dma_wait3A, %dma_wait3A_60] : memref<16x160x128xi32, #tpu.memory_space<hbm>> -> memref<1x160x128xi32, #tpu.memory_space<hbm>>
      %dma_wait3A_62 = tpu.memref_squeeze %dma_wait3A_61 : memref<1x160x128xi32, #tpu.memory_space<hbm>> -> memref<160x128xi32, #tpu.memory_space<hbm>>
      %dma_wait3A_63 = arith.constant 0 : i32
      %dma_wait3A_64 = arith.constant 0 : i32
      %dma_wait3A_65 = tpu.memref_slice %arg2[%arg1, %dma_wait3A_63, %dma_wait3A_64] : memref<16x160x128xi32, #tpu.memory_space<hbm>> -> memref<1x160x128xi32, #tpu.memory_space<hbm>>
      %dma_wait3A_66 = tpu.memref_squeeze %dma_wait3A_65 : memref<1x160x128xi32, #tpu.memory_space<hbm>> -> memref<160x128xi32, #tpu.memory_space<hbm>>
      tpu.wait_dma2 semaphore(%run_scoped3A : memref<!tpu.dma_semaphore, #tpu.memory_space<semaphore_mem>>) src(%dma_wait3A_66 : memref<160x128xi32, #tpu.memory_space<hbm>>) dst(%arg4 : memref<160x128xi32, #tpu.memory_space<vmem>>)
      tpu.yield
    }) : () -> ()
    %scan3A_39 = arith.constant 0 : i32
    %scan3A_40 = arith.constant 160 : i32
    %scan3A_41 = arith.addi %scan3A_39, %scan3A_40 : i32
    %scan3A_42 = arith.constant 1 : i32
    scf.for %scan3A_53 = %scan3A_39 to %scan3A_41 step %scan3A_42  : i32 {
      %mul3A_54 = arith.constant 1 : i32
      %mul3A_55 = arith.muli %scan3A_53, %mul3A_54 : i32
      %add3A_56 = arith.constant 0 : i32
      %add3A_57 = arith.addi %add3A_56, %mul3A_55 : i32
      "tpu.region"() ({
        %run_scoped3A = tpu.sem_alloc : memref<!tpu.dma_semaphore, #tpu.memory_space<semaphore_mem>>
        %dma_start3A = arith.constant 0 : i32
        %dma_start3A_58 = tpu.memref_slice %arg4[%add3A_57, %dma_start3A] : memref<160x128xi32, #tpu.memory_space<vmem>> -> memref<1x128xi32, #tpu.memory_space<vmem>>
        %dma_start3A_59 = tpu.memref_squeeze %dma_start3A_58 : memref<1x128xi32, #tpu.memory_space<vmem>> -> memref<128xi32, #tpu.memory_space<vmem>>
        %dma_start3A_60 = arith.constant 0 : i32
        %dma_start3A_61 = tpu.memref_slice %arg7[%dma_start3A_60] : memref<10240xf32, #tpu.memory_space<vmem_shared>> -> memref<10240xf32, #tpu.memory_space<vmem_shared>>
        tpu.enqueue_indirect_dma source(%arg5 : memref<128xf32, #tpu.memory_space<vmem>>) target(%dma_start3A_61 : memref<10240xf32, #tpu.memory_space<vmem_shared>>) offsets(%dma_start3A_59 : memref<128xi32, #tpu.memory_space<vmem>>) semaphore(%run_scoped3A : memref<!tpu.dma_semaphore, #tpu.memory_space<semaphore_mem>>) {add = true}
        %dma_wait3A = arith.constant 0 : i32
        %dma_wait3A_62 = tpu.memref_slice %arg4[%add3A_57, %dma_wait3A] : memref<160x128xi32, #tpu.memory_space<vmem>> -> memref<1x128xi32, #tpu.memory_space<vmem>>
        %dma_wait3A_63 = tpu.memref_squeeze %dma_wait3A_62 : memref<1x128xi32, #tpu.memory_space<vmem>> -> memref<128xi32, #tpu.memory_space<vmem>>
        %dma_wait3A_64 = arith.constant 0 : i32
        %dma_wait3A_65 = tpu.memref_slice %arg7[%dma_wait3A_64] : memref<10240xf32, #tpu.memory_space<vmem_shared>> -> memref<10240xf32, #tpu.memory_space<vmem_shared>>
        tpu.wait_indirect_dma semaphore(%run_scoped3A : memref<!tpu.dma_semaphore, #tpu.memory_space<semaphore_mem>>) src(%arg5 : memref<128xf32, #tpu.memory_space<vmem>>) dst(%dma_wait3A_65 : memref<10240xf32, #tpu.memory_space<vmem_shared>>)
        tpu.yield
      }) : () -> ()
    }
    %scan3A_43 = arith.constant 160 : i32
    %barrier3A_44 = arith.constant 0 : index
    tpu.barrier barrier_id(%barrier3A_44)
    %mul3A_45 = arith.constant 640 : i32
    %mul3A_46 = arith.muli %arg1, %mul3A_45 : i32
    %mul3A_47 = arith.constant 320 : i32
    %mul3A_48 = arith.muli %arg0, %mul3A_47 : i32
    %add3A = arith.addi %mul3A_46, %mul3A_48 : i32
    %mul3A_49 = arith.constant 320 : i32
    %mul3A_50 = arith.muli %arg0, %mul3A_49 : i32
    "tpu.region"() ({
      %run_scoped3A = tpu.sem_alloc : memref<!tpu.dma_semaphore, #tpu.memory_space<semaphore_mem>>
      %dma_start3A = tpu.memref_slice %arg6[%mul3A_50] : memref<640xf32, #tpu.memory_space<vmem>> -> memref<320xf32, #tpu.memory_space<vmem>>
      %dma_start3A_53 = tpu.memref_slice %arg7[%add3A] : memref<10240xf32, #tpu.memory_space<vmem_shared>> -> memref<320xf32, #tpu.memory_space<vmem_shared>>
      %dma_start3A_54 = tpu.memref_slice %arg6[%mul3A_50] : memref<640xf32, #tpu.memory_space<vmem>> -> memref<320xf32, #tpu.memory_space<vmem>>
      %dma_start3A_55 = tpu.memref_slice %arg7[%add3A] : memref<10240xf32, #tpu.memory_space<vmem_shared>> -> memref<320xf32, #tpu.memory_space<vmem_shared>>
      tpu.enqueue_dma source(%dma_start3A_55 : memref<320xf32, #tpu.memory_space<vmem_shared>>) target(%dma_start3A_54 : memref<320xf32, #tpu.memory_space<vmem>>) target_semaphore(%run_scoped3A : memref<!tpu.dma_semaphore, #tpu.memory_space<semaphore_mem>>)
      %dma_wait3A = tpu.memref_slice %arg6[%mul3A_50] : memref<640xf32, #tpu.memory_space<vmem>> -> memref<320xf32, #tpu.memory_space<vmem>>
      %dma_wait3A_56 = tpu.memref_slice %arg7[%add3A] : memref<10240xf32, #tpu.memory_space<vmem_shared>> -> memref<320xf32, #tpu.memory_space<vmem_shared>>
      %dma_wait3A_57 = tpu.memref_slice %arg6[%mul3A_50] : memref<640xf32, #tpu.memory_space<vmem>> -> memref<320xf32, #tpu.memory_space<vmem>>
      %dma_wait3A_58 = tpu.memref_slice %arg7[%add3A] : memref<10240xf32, #tpu.memory_space<vmem_shared>> -> memref<320xf32, #tpu.memory_space<vmem_shared>>
      tpu.wait_dma2 semaphore(%run_scoped3A : memref<!tpu.dma_semaphore, #tpu.memory_space<semaphore_mem>>) src(%dma_wait3A_58 : memref<320xf32, #tpu.memory_space<vmem_shared>>) dst(%dma_wait3A_57 : memref<320xf32, #tpu.memory_space<vmem>>)
      tpu.yield
    }) : () -> ()
    %mul3A_51 = arith.constant 320 : i32
    %mul3A_52 = arith.muli %arg0, %mul3A_51 : i32
    "tpu.region"() ({
      %run_scoped3A = tpu.sem_alloc : memref<!tpu.dma_semaphore, #tpu.memory_space<semaphore_mem>>
      %dma_start3A = tpu.memref_slice %arg6[%mul3A_52] : memref<640xf32, #tpu.memory_space<vmem>> -> memref<320xf32, #tpu.memory_space<vmem>>
      %dma_start3A_53 = tpu.memref_slice %arg3[%add3A] : memref<10240xf32, #tpu.memory_space<hbm>> -> memref<320xf32, #tpu.memory_space<hbm>>
      %dma_start3A_54 = tpu.memref_slice %arg3[%add3A] : memref<10240xf32, #tpu.memory_space<hbm>> -> memref<320xf32, #tpu.memory_space<hbm>>
      %dma_start3A_55 = tpu.memref_slice %arg6[%mul3A_52] : memref<640xf32, #tpu.memory_space<vmem>> -> memref<320xf32, #tpu.memory_space<vmem>>
      tpu.enqueue_dma source(%dma_start3A_55 : memref<320xf32, #tpu.memory_space<vmem>>) target(%dma_start3A_54 : memref<320xf32, #tpu.memory_space<hbm>>) target_semaphore(%run_scoped3A : memref<!tpu.dma_semaphore, #tpu.memory_space<semaphore_mem>>)
      %dma_wait3A = tpu.memref_slice %arg6[%mul3A_52] : memref<640xf32, #tpu.memory_space<vmem>> -> memref<320xf32, #tpu.memory_space<vmem>>
      %dma_wait3A_56 = tpu.memref_slice %arg3[%add3A] : memref<10240xf32, #tpu.memory_space<hbm>> -> memref<320xf32, #tpu.memory_space<hbm>>
      %dma_wait3A_57 = tpu.memref_slice %arg3[%add3A] : memref<10240xf32, #tpu.memory_space<hbm>> -> memref<320xf32, #tpu.memory_space<hbm>>
      %dma_wait3A_58 = tpu.memref_slice %arg6[%mul3A_52] : memref<640xf32, #tpu.memory_space<vmem>> -> memref<320xf32, #tpu.memory_space<vmem>>
      tpu.wait_dma2 semaphore(%run_scoped3A : memref<!tpu.dma_semaphore, #tpu.memory_space<semaphore_mem>>) src(%dma_wait3A_58 : memref<320xf32, #tpu.memory_space<vmem>>) dst(%dma_wait3A_57 : memref<320xf32, #tpu.memory_space<hbm>>)
      tpu.yield
    }) : () -> ()
    return
  }
}

module attributes {stable_mosaic.version = 14 : i64} {
  func.func @_scale_body(%arg0: i32, %arg1: memref<2048x128xf32, #tpu.memory_space<vmem>>, %arg2: memref<2048xf32, #tpu.memory_space<vmem>>, %arg3: memref<2048x128xf32, #tpu.memory_space<vmem>>, %arg4: memref<2048xf32, #tpu.memory_space<vmem>>) attributes {dimension_semantics = [#tpu.dimension_semantics<arbitrary>], iteration_bounds = array<i64: 5>, scalar_prefetch = 0 : i64, scratch_operands = 0 : i64, tpu.core_type = #tpu.core_type<tc>, window_params = [{transform_indices = @transform_0, window_bounds = array<i64: 2048, 128>}, {transform_indices = @transform_1, window_bounds = array<i64: 2048>}, {transform_indices = @transform_2, window_bounds = array<i64: 2048, 128>}, {transform_indices = @transform_3, window_bounds = array<i64: 2048>}]} {
    %get3A = arith.constant 0 : index
    %get3A_0 = vector.load %arg2[%get3A] : memref<2048xf32, #tpu.memory_space<vmem>>, vector<2048xf32>
    %add3A = arith.constant 1.000000e+00 : f32
    %add3A_1 = vector.broadcast %add3A : f32 to vector<2048xf32>
    %add3A_2 = arith.addf %get3A_0, %add3A_1 : vector<2048xf32>
    %rsqrt3A = math.rsqrt %add3A_2 : vector<2048xf32>
    %swap3A = arith.constant 0 : index
    %swap3A_3 = vector.load %arg4[%swap3A] : memref<2048xf32, #tpu.memory_space<vmem>>, vector<2048xf32>
    tpu.vector_store %arg4[%swap3A], %rsqrt3A {strides = array<i32>} : memref<2048xf32, #tpu.memory_space<vmem>>, vector<2048xf32>,
    %get3A_4 = arith.constant 0 : index
    %get3A_5 = arith.constant 0 : index
    %get3A_6 = vector.load %arg1[%get3A_4, %get3A_5] : memref<2048x128xf32, #tpu.memory_space<vmem>>, vector<2048x128xf32>
    %broadcast_in_dim3A = vector.shape_cast %rsqrt3A : vector<2048xf32> to vector<2048x1xf32>
    %mul3A = vector.broadcast %broadcast_in_dim3A : vector<2048x1xf32> to vector<2048x128xf32>
    %mul3A_7 = arith.mulf %get3A_6, %mul3A : vector<2048x128xf32>
    %swap3A_8 = arith.constant 0 : index
    %swap3A_9 = arith.constant 0 : index
    %swap3A_10 = vector.load %arg3[%swap3A_8, %swap3A_9] : memref<2048x128xf32, #tpu.memory_space<vmem>>, vector<2048x128xf32>
    tpu.vector_store %arg3[%swap3A_8, %swap3A_9], %mul3A_7 {strides = array<i32>} : memref<2048x128xf32, #tpu.memory_space<vmem>>, vector<2048x128xf32>,
    return
  }
  func.func @transform_0(%arg0: i32) -> (i32, i32) {
    %c0_i32 = arith.constant 0 : i32
    %c0_i32_0 = arith.constant 0 : i32
    return %arg0, %c0_i32 : i32, i32
  }
  func.func @transform_1(%arg0: i32) -> i32 {
    %c0_i32 = arith.constant 0 : i32
    return %arg0 : i32
  }
  func.func @transform_2(%arg0: i32) -> (i32, i32) {
    %c0_i32 = arith.constant 0 : i32
    %c0_i32_0 = arith.constant 0 : i32
    return %arg0, %c0_i32 : i32, i32
  }
  func.func @transform_3(%arg0: i32) -> i32 {
    %c0_i32 = arith.constant 0 : i32
    return %arg0 : i32
  }
}

module attributes {stable_mosaic.version = 14 : i64} {
  func.func @_final_body(%arg0: i32, %arg1: i32, %arg2: memref<2x512x128xf32, #tpu.memory_space<vmem>>, %arg3: memref<512x128xf32, #tpu.memory_space<vmem>>, %arg4: memref<512xf32, #tpu.memory_space<vmem>>, %arg5: memref<128x128xf32, #tpu.memory_space<vmem>>, %arg6: memref<128xf32, #tpu.memory_space<vmem>>, %arg7: memref<128xf32, #tpu.memory_space<vmem>>, %arg8: memref<128xf32, #tpu.memory_space<vmem>>, %arg9: memref<512x128xf32, #tpu.memory_space<vmem>>, %arg10: memref<10240x128xf32, #tpu.memory_space<vmem>>, %arg11: memref<1x128xf32, #tpu.memory_space<vmem>>, %arg12: memref<1x128xf32, #tpu.memory_space<vmem>>, %arg13: memref<2x128xf32, #tpu.memory_space<vmem>>) attributes {dimension_semantics = [#tpu.dimension_semantics<arbitrary>, #tpu.dimension_semantics<arbitrary>], iteration_bounds = array<i64: 2, 20>, scalar_prefetch = 0 : i64, scratch_operands = 4 : i64, tpu.core_type = #tpu.core_type<tc>, window_params = [{transform_indices = @transform_0, window_bounds = array<i64: 2, 512, 128>}, {transform_indices = @transform_1, window_bounds = array<i64: 512, 128>}, {transform_indices = @transform_2, window_bounds = array<i64: 512>}, {pipeline_mode = #tpu.pipeline_mode<synchronous>, transform_indices = @transform_3, window_bounds = array<i64: 128, 128>}, {pipeline_mode = #tpu.pipeline_mode<synchronous>, transform_indices = @transform_4, window_bounds = array<i64: 128>}, {pipeline_mode = #tpu.pipeline_mode<synchronous>, transform_indices = @transform_5, window_bounds = array<i64: 128>}, {pipeline_mode = #tpu.pipeline_mode<synchronous>, transform_indices = @transform_6, window_bounds = array<i64: 128>}, {transform_indices = @transform_7, window_bounds = array<i64: 512, 128>}]} {
    %eq3A = arith.constant 0 : i32
    %eq3A_0 = arith.cmpi eq, %arg0, %eq3A : i32
    %convert_element_type3A = arith.extui %eq3A_0 : i1 to i32
    %cond3A = arith.constant 0 : i32
    %cond3A_1 = arith.cmpi ne, %convert_element_type3A, %cond3A : i32
    scf.if %cond3A_1 {
      %eq3A_7 = arith.constant 0 : i32
      %eq3A_8 = arith.cmpi eq, %arg1, %eq3A_7 : i32
      %convert_element_type3A_9 = arith.extui %eq3A_8 : i1 to i32
      %cond3A_10 = arith.constant 0 : i32
      %cond3A_11 = arith.cmpi ne, %convert_element_type3A_9, %cond3A_10 : i32
      scf.if %cond3A_11 {
        %broadcast_in_dim3A_71 = arith.constant 0.000000e+00 : f32
        %broadcast_in_dim3A_72 = vector.broadcast %broadcast_in_dim3A_71 : f32 to vector<1x128xf32>
        %swap3A_73 = arith.constant 0 : index
        %swap3A_74 = arith.constant 0 : index
        %swap3A_75 = vector.load %arg11[%swap3A_73, %swap3A_74] : memref<1x128xf32, #tpu.memory_space<vmem>>, vector<1x128xf32>
        tpu.vector_store %arg11[%swap3A_73, %swap3A_74], %broadcast_in_dim3A_72 {strides = array<i32>} : memref<1x128xf32, #tpu.memory_space<vmem>>, vector<1x128xf32>,
        %broadcast_in_dim3A_76 = arith.constant 0.000000e+00 : f32
        %broadcast_in_dim3A_77 = vector.broadcast %broadcast_in_dim3A_76 : f32 to vector<1x128xf32>
        %swap3A_78 = arith.constant 0 : index
        %swap3A_79 = arith.constant 0 : index
        %swap3A_80 = vector.load %arg12[%swap3A_78, %swap3A_79] : memref<1x128xf32, #tpu.memory_space<vmem>>, vector<1x128xf32>
        tpu.vector_store %arg12[%swap3A_78, %swap3A_79], %broadcast_in_dim3A_77 {strides = array<i32>} : memref<1x128xf32, #tpu.memory_space<vmem>>, vector<1x128xf32>,
      } else {
      }
      %get3A = arith.constant 0 : index
      %get3A_12 = arith.constant 0 : index
      %get3A_13 = arith.constant 0 : index
      %get3A_14 = vector.load %arg2[%get3A, %get3A_12, %get3A_13] : memref<2x512x128xf32, #tpu.memory_space<vmem>>, vector<1x512x128xf32>
      %get3A_15 = vector.shape_cast %get3A_14 : vector<1x512x128xf32> to vector<512x128xf32>
      %get3A_16 = arith.constant 1 : index
      %get3A_17 = arith.constant 0 : index
      %get3A_18 = arith.constant 0 : index
      %get3A_19 = vector.load %arg2[%get3A_16, %get3A_17, %get3A_18] : memref<2x512x128xf32, #tpu.memory_space<vmem>>, vector<1x512x128xf32>
      %get3A_20 = vector.shape_cast %get3A_19 : vector<1x512x128xf32> to vector<512x128xf32>
      %add3A = arith.addf %get3A_15, %get3A_20 : vector<512x128xf32>
      %get3A_21 = arith.constant 0 : index
      %get3A_22 = arith.constant 0 : index
      %get3A_23 = vector.load %arg3[%get3A_21, %get3A_22] : memref<512x128xf32, #tpu.memory_space<vmem>>, vector<512x128xf32>
      %add3A_24 = arith.addf %add3A, %get3A_23 : vector<512x128xf32>
      %get3A_25 = arith.constant 0 : index
      %get3A_26 = vector.load %arg4[%get3A_25] : memref<512xf32, #tpu.memory_space<vmem>>, vector<512xf32>
      %broadcast_in_dim3A = vector.shape_cast %get3A_26 : vector<512xf32> to vector<512x1xf32>
      %mul3A = vector.broadcast %broadcast_in_dim3A : vector<512x1xf32> to vector<512x128xf32>
      %mul3A_27 = arith.mulf %add3A_24, %mul3A : vector<512x128xf32>
      %get3A_28 = arith.constant 0 : index
      %get3A_29 = arith.constant 0 : index
      %get3A_30 = vector.load %arg5[%get3A_28, %get3A_29] : memref<128x128xf32, #tpu.memory_space<vmem>>, vector<128x128xf32>
      %dot_general3A = arith.constant dense<0.000000e+00> : vector<512x128xf32>
      %dot_general3A_31 = tpu.matmul %mul3A_27, %get3A_30, %dot_general3A {dimension_numbers = #tpu.dot_dimension_numbers<[1], [0], [0], [1], [0, 0, 1, 1], [], []>, transpose_lhs_hint = false} : vector<512x128xf32>, vector<128x128xf32>, vector<512x128xf32> -> vector<512x128xf32>
      %get3A_32 = arith.constant 0 : index
      %get3A_33 = vector.load %arg6[%get3A_32] : memref<128xf32, #tpu.memory_space<vmem>>, vector<128xf32>
      %broadcast_in_dim3A_34 = vector.shape_cast %get3A_33 : vector<128xf32> to vector<1x128xf32>
      %add3A_35 = vector.broadcast %broadcast_in_dim3A_34 : vector<1x128xf32> to vector<512x128xf32>
      %add3A_36 = arith.addf %dot_general3A_31, %add3A_35 : vector<512x128xf32>
      %mul3A_37 = arith.constant 512 : i32
      %mul3A_38 = arith.muli %arg1, %mul3A_37 : i32
      %iota3A = tpu.iota {dimensions = array<i32: 0>} : vector<512x1xi32>
      %add3A_39 = vector.broadcast %mul3A_38 : i32 to vector<512x1xi32>
      %add3A_40 = arith.addi %add3A_39, %iota3A : vector<512x1xi32>
      %lt3A = arith.constant 10000 : i32
      %lt3A_41 = vector.broadcast %lt3A : i32 to vector<512x1xi32>
      %lt3A_42 = arith.cmpi slt, %add3A_40, %lt3A_41 : vector<512x1xi32>
      %convert_element_type3A_43 = arith.extui %lt3A_42 : vector<512x1xi1> to vector<512x1xi32>
      %convert_element_type3A_44 = arith.sitofp %convert_element_type3A_43 : vector<512x1xi32> to vector<512x1xf32>
      %mul3A_45 = vector.broadcast %convert_element_type3A_44 : vector<512x1xf32> to vector<512x128xf32>
      %mul3A_46 = arith.mulf %add3A_36, %mul3A_45 : vector<512x128xf32>
      %mul3A_47 = arith.constant 512 : i32
      %mul3A_48 = arith.muli %arg1, %mul3A_47 : i32
      %swap3A = arith.index_cast %mul3A_48 : i32 to index
      %swap3A_49 = arith.constant 0 : index
      %swap3A_50 = vector.load %arg10[%swap3A, %swap3A_49] : memref<10240x128xf32, #tpu.memory_space<vmem>>, vector<512x128xf32>
      tpu.vector_store %arg10[%swap3A, %swap3A_49], %add3A_36 {strides = array<i32>} : memref<10240x128xf32, #tpu.memory_space<vmem>>, vector<512x128xf32>,
      %get3A_51 = arith.constant 0 : index
      %get3A_52 = arith.constant 0 : index
      %get3A_53 = vector.load %arg11[%get3A_51, %get3A_52] : memref<1x128xf32, #tpu.memory_space<vmem>>, vector<1x128xf32>
      %reduce_sum3A = arith.constant dense<0.000000e+00> : vector<128xf32>
      %reduce_sum3A_54 = vector.multi_reduction <add>, %mul3A_46, %reduce_sum3A [0] : vector<512x128xf32> to vector<128xf32>
      %broadcast_in_dim3A_55 = vector.shape_cast %reduce_sum3A_54 : vector<128xf32> to vector<1x128xf32>
      %add3A_56 = arith.addf %get3A_53, %broadcast_in_dim3A_55 : vector<1x128xf32>
      %swap3A_57 = arith.constant 0 : index
      %swap3A_58 = arith.constant 0 : index
      %swap3A_59 = vector.load %arg11[%swap3A_57, %swap3A_58] : memref<1x128xf32, #tpu.memory_space<vmem>>, vector<1x128xf32>
      tpu.vector_store %arg11[%swap3A_57, %swap3A_58], %add3A_56 {strides = array<i32>} : memref<1x128xf32, #tpu.memory_space<vmem>>, vector<1x128xf32>,
      %get3A_60 = arith.constant 0 : index
      %get3A_61 = arith.constant 0 : index
      %get3A_62 = vector.load %arg12[%get3A_60, %get3A_61] : memref<1x128xf32, #tpu.memory_space<vmem>>, vector<1x128xf32>
      %mul3A_63 = arith.mulf %mul3A_46, %mul3A_46 : vector<512x128xf32>
      %reduce_sum3A_64 = arith.constant dense<0.000000e+00> : vector<128xf32>
      %reduce_sum3A_65 = vector.multi_reduction <add>, %mul3A_63, %reduce_sum3A_64 [0] : vector<512x128xf32> to vector<128xf32>
      %broadcast_in_dim3A_66 = vector.shape_cast %reduce_sum3A_65 : vector<128xf32> to vector<1x128xf32>
      %add3A_67 = arith.addf %get3A_62, %broadcast_in_dim3A_66 : vector<1x128xf32>
      %swap3A_68 = arith.constant 0 : index
      %swap3A_69 = arith.constant 0 : index
      %swap3A_70 = vector.load %arg12[%swap3A_68, %swap3A_69] : memref<1x128xf32, #tpu.memory_space<vmem>>, vector<1x128xf32>
      tpu.vector_store %arg12[%swap3A_68, %swap3A_69], %add3A_67 {strides = array<i32>} : memref<1x128xf32, #tpu.memory_space<vmem>>, vector<1x128xf32>,
    } else {
    }
    %eq3A_2 = arith.constant 1 : i32
    %eq3A_3 = arith.cmpi eq, %arg0, %eq3A_2 : i32
    %convert_element_type3A_4 = arith.extui %eq3A_3 : i1 to i32
    %cond3A_5 = arith.constant 0 : i32
    %cond3A_6 = arith.cmpi ne, %convert_element_type3A_4, %cond3A_5 : i32
    scf.if %cond3A_6 {
      %eq3A_7 = arith.constant 0 : i32
      %eq3A_8 = arith.cmpi eq, %arg1, %eq3A_7 : i32
      %convert_element_type3A_9 = arith.extui %eq3A_8 : i1 to i32
      %cond3A_10 = arith.constant 0 : i32
      %cond3A_11 = arith.cmpi ne, %convert_element_type3A_9, %cond3A_10 : i32
      scf.if %cond3A_11 {
        %get3A_36 = arith.constant 0 : index
        %get3A_37 = arith.constant 0 : index
        %get3A_38 = vector.load %arg11[%get3A_36, %get3A_37] : memref<1x128xf32, #tpu.memory_space<vmem>>, vector<1x128xf32>
        %div3A = arith.constant 1.000000e+04 : f32
        %div3A_39 = vector.broadcast %div3A : f32 to vector<1x128xf32>
        %div3A_40 = arith.divf %get3A_38, %div3A_39 : vector<1x128xf32>
        %get3A_41 = arith.constant 0 : index
        %get3A_42 = arith.constant 0 : index
        %get3A_43 = vector.load %arg12[%get3A_41, %get3A_42] : memref<1x128xf32, #tpu.memory_space<vmem>>, vector<1x128xf32>
        %div3A_44 = arith.constant 1.000000e+04 : f32
        %div3A_45 = vector.broadcast %div3A_44 : f32 to vector<1x128xf32>
        %div3A_46 = arith.divf %get3A_43, %div3A_45 : vector<1x128xf32>
        %mul3A_47 = arith.mulf %div3A_40, %div3A_40 : vector<1x128xf32>
        %sub3A_48 = arith.subf %div3A_46, %mul3A_47 : vector<1x128xf32>
        %swap3A_49 = arith.constant 0 : index
        %swap3A_50 = arith.constant 0 : index
        %swap3A_51 = vector.load %arg13[%swap3A_49, %swap3A_50] : memref<2x128xf32, #tpu.memory_space<vmem>>, vector<1x128xf32>
        tpu.vector_store %arg13[%swap3A_49, %swap3A_50], %div3A_40 {strides = array<i32>} : memref<2x128xf32, #tpu.memory_space<vmem>>, vector<1x128xf32>,
        %add3A_52 = arith.constant 9.99999974E-6 : f32
        %add3A_53 = vector.broadcast %add3A_52 : f32 to vector<1x128xf32>
        %add3A_54 = arith.addf %sub3A_48, %add3A_53 : vector<1x128xf32>
        %rsqrt3A = math.rsqrt %add3A_54 : vector<1x128xf32>
        %swap3A_55 = arith.constant 1 : index
        %swap3A_56 = arith.constant 0 : index
        %swap3A_57 = vector.load %arg13[%swap3A_55, %swap3A_56] : memref<2x128xf32, #tpu.memory_space<vmem>>, vector<1x128xf32>
        tpu.vector_store %arg13[%swap3A_55, %swap3A_56], %rsqrt3A {strides = array<i32>} : memref<2x128xf32, #tpu.memory_space<vmem>>, vector<1x128xf32>,
      } else {
      }
      %get3A = arith.constant 0 : index
      %get3A_12 = arith.constant 0 : index
      %get3A_13 = vector.load %arg13[%get3A, %get3A_12] : memref<2x128xf32, #tpu.memory_space<vmem>>, vector<1x128xf32>
      %get3A_14 = arith.constant 1 : index
      %get3A_15 = arith.constant 0 : index
      %get3A_16 = vector.load %arg13[%get3A_14, %get3A_15] : memref<2x128xf32, #tpu.memory_space<vmem>>, vector<1x128xf32>
      %mul3A = arith.constant 512 : i32
      %mul3A_17 = arith.muli %arg1, %mul3A : i32
      %get3A_18 = arith.index_cast %mul3A_17 : i32 to index
      %get3A_19 = arith.constant 0 : index
      %get3A_20 = vector.load %arg10[%get3A_18, %get3A_19] : memref<10240x128xf32, #tpu.memory_space<vmem>>, vector<512x128xf32>
      %sub3A = vector.broadcast %get3A_13 : vector<1x128xf32> to vector<512x128xf32>
      %sub3A_21 = arith.subf %get3A_20, %sub3A : vector<512x128xf32>
      %mul3A_22 = vector.broadcast %get3A_16 : vector<1x128xf32> to vector<512x128xf32>
      %mul3A_23 = arith.mulf %sub3A_21, %mul3A_22 : vector<512x128xf32>
      %get3A_24 = arith.constant 0 : index
      %get3A_25 = vector.load %arg7[%get3A_24] : memref<128xf32, #tpu.memory_space<vmem>>, vector<128xf32>
      %broadcast_in_dim3A = vector.shape_cast %get3A_25 : vector<128xf32> to vector<1x128xf32>
      %mul3A_26 = vector.broadcast %broadcast_in_dim3A : vector<1x128xf32> to vector<512x128xf32>
      %mul3A_27 = arith.mulf %mul3A_23, %mul3A_26 : vector<512x128xf32>
      %get3A_28 = arith.constant 0 : index
      %get3A_29 = vector.load %arg8[%get3A_28] : memref<128xf32, #tpu.memory_space<vmem>>, vector<128xf32>
      %broadcast_in_dim3A_30 = vector.shape_cast %get3A_29 : vector<128xf32> to vector<1x128xf32>
      %add3A = vector.broadcast %broadcast_in_dim3A_30 : vector<1x128xf32> to vector<512x128xf32>
      %add3A_31 = arith.addf %mul3A_27, %add3A : vector<512x128xf32>
      %max3A = arith.constant 0.000000e+00 : f32
      %max3A_32 = vector.broadcast %max3A : f32 to vector<512x128xf32>
      %max3A_33 = arith.maximumf %add3A_31, %max3A_32 : vector<512x128xf32>
      %swap3A = arith.constant 0 : index
      %swap3A_34 = arith.constant 0 : index
      %swap3A_35 = vector.load %arg9[%swap3A, %swap3A_34] : memref<512x128xf32, #tpu.memory_space<vmem>>, vector<512x128xf32>
      tpu.vector_store %arg9[%swap3A, %swap3A_34], %max3A_33 {strides = array<i32>} : memref<512x128xf32, #tpu.memory_space<vmem>>, vector<512x128xf32>,
    } else {
    }
    return
  }
  func.func @transform_0(%arg0: i32, %arg1: i32) -> (i32, i32, i32) {
    %c0_i32 = arith.constant 0 : i32
    %c0_i32_0 = arith.constant 0 : i32
    %c0_i32_1 = arith.constant 0 : i32
    return %c0_i32, %arg1, %c0_i32_0 : i32, i32, i32
  }
  func.func @transform_1(%arg0: i32, %arg1: i32) -> (i32, i32) {
    %c0_i32 = arith.constant 0 : i32
    %c0_i32_0 = arith.constant 0 : i32
    return %arg1, %c0_i32 : i32, i32
  }
  func.func @transform_2(%arg0: i32, %arg1: i32) -> i32 {
    %c0_i32 = arith.constant 0 : i32
    return %arg1 : i32
  }
  func.func @transform_3(%arg0: i32, %arg1: i32) -> (i32, i32) {
    %c0_i32 = arith.constant 0 : i32
    %c0_i32_0 = arith.constant 0 : i32
    %c0_i32_1 = arith.constant 0 : i32
    return %c0_i32, %c0_i32_0 : i32, i32
  }
  func.func @transform_4(%arg0: i32, %arg1: i32) -> i32 {
    %c0_i32 = arith.constant 0 : i32
    %c0_i32_0 = arith.constant 0 : i32
    return %c0_i32 : i32
  }
  func.func @transform_5(%arg0: i32, %arg1: i32) -> i32 {
    %c0_i32 = arith.constant 0 : i32
    %c0_i32_0 = arith.constant 0 : i32
    return %c0_i32 : i32
  }
  func.func @transform_6(%arg0: i32, %arg1: i32) -> i32 {
    %c0_i32 = arith.constant 0 : i32
    %c0_i32_0 = arith.constant 0 : i32
    return %c0_i32 : i32
  }
  func.func @transform_7(%arg0: i32, %arg1: i32) -> (i32, i32) {
    %c0_i32 = arith.constant 0 : i32
    %c0_i32_0 = arith.constant 0 : i32
    return %arg1, %c0_i32 : i32, i32
  }
}

</mosaic_0001>

<sc_bundles>
// kernel: kernel.6.cloned.1.call-start
scs
__scs_entry_jumppad:
0x0: {  	(pc) =	sbr.rel $0x88, $3  }
0x1: {  	(tag) =	ssettag $0x0;
	lr =	simm.s32 $0x1  }
0x2: {  	[smem:$0x3F9B] =	sst lr;
	_ =	strace $0xD0000000  }
0x3: {  	_ = 	snop  }
0x4: {  	_ = 	snop  }
0x5: {  	_ = 	snop  }
0x6: {  	_ = 	snop  }
0x7: {  	_ = 	snop  }
__scs_overlays_trampoline_lowered:
0x8: {  	[smem:$0x3FAA] =	sst s0  }
0x9: {  	[smem:$0x3FAB] =	sst s1  }
0xa: {  	[smem:$0x3FAC] =	sst s2  }
0xb: {  	[smem:$0x3FAD] =	sst s3  }
0xc: {  	[smem:$0x3FAE] =	sst s4  }
0xd: {  	[smem:$0x3FAF] =	sst s5  }
0xe: {  	[smem:$0x3FB0] =	sst s6  }
0xf: {  	[smem:$0x3FB1] =	sst s7  }
0x10: {  	[smem:$0x3FB2] =	sst s8  }
0x11: {  	[smem:$0x3FB3] =	sst s9;
	s0 =	simm.s32 @!p0 $0x0  }
0x12: {  	s1 =	sld [smem:$0x3F99];
	s0 =	simm.s32 @p0 $0x1  }
0x13: {  	[smem:$0x3FB4] =	sst s0;
	s0 =	simm.s32 @!p1 $0x0  }
0x14: {  	s2 =	sld [smem:$0x3F98];
	s0 =	simm.s32 @p1 $0x1  }
0x15: {  	[smem:$0x3FB5] =	sst s0;
	s0 =	simm.s32 @!p2 $0x0  }
0x16: {  	s3 =	sld [smem:$0x3FDB];
	s0 =	simm.s32 @p2 $0x1  }
0x17: {  	s4 =	simm.s32 $0x1BF5;
	[smem:$0x3FB7] =	sst s0  }
0x18: {  	s0 =	sld [smem:$0x3F9A];
	_ =	swait.ge [sflag:s4], $0x0  }
0x19: {  	s7 =	sld [smem:$0x3F9B]  }
0x1a: {  	s8 =	sadd.s32 $0xFFFFE003, lr  }
0x1b: {  	s9 =	sadd.s32 $0xFFFFFEF7, lr;
	s5 =	simm.s32 $0xFFFFFFFF;
	p2 =	slt.u32 s8, $0xFFFFF086  }
0x1c: {  	p1 =	slt.u32 s9, $0xF7A;
	s5 =	simm.s32 @!p2 $0x0  }
0x1d: {  	s5 =	simm.s32 @p1 $0x1;
	p0 =	seq.s32 s7, s2  }
0x1e: {  	s7 =	smul.u32 @!p0 $0xF7A, s2;
	p2 =	seq.s32 @!p0 s5, $0x0  }
0x1f: {  	s9 =	smul.u32 $0xF7A, s1;
	s8 =	simm.s32 @!p0 $0x1BF5;
	p2 =	por !p2, p0  }
0x20: {  	[sflag:s8] =	ssyncset.s32 @!p0 $0xFFFFF086;
	s6 =	sadd.s32 @!p0 s3, s7;
	s7 =	simm.s32 @!p0 $0x108  }
0x21: {  	s3 =	sadd.s32 s3, s9;
	s6 =	sadd.s32 @!p0 $0x88, s6;
	s7 =	simm.s32 @p2 $0x1082  }
0x22: {  	[simem:s7], [sflag:s8] =	dma.local @!p0 [hbm:s6], $0xF7A  }
0x23: {  	s9 =	sor.u32 $0xD0000000, s2;
	s6 =	simm.s32 $0x108;
	_ =	swait.ge @!p0 [sflag:s8], $0x0  }
0x24: {  	s3 =	sadd.s32 $0x88, s3;
	s6 =	simm.s32 @!p1 $0x1082;
	[sflag:s4] =	ssyncset.s32 $0xFFFFF086  }
0x25: {  	[simem:s6], [sflag:s4] =	dma.local [hbm:s3], $0xF7A  }
0x26: {  	[smem:$0x3F9B] =	sst s1;
	(tag) =	ssettag s2;
	_ =	strace s9  }
0x27: {  	s1 =	sld [smem:$0x3FAB]  }
0x28: {  	s2 =	sld [smem:$0x3FAC]  }
0x29: {  	s4 =	sld [smem:$0x3FAE]  }
0x2a: {  	p0 =	seq.s32 s5, $0x0;
	s5 =	sld [smem:$0x3FAF]  }
0x2b: {  	s6 =	sld [smem:$0x3FB0]  }
0x2c: {  	s7 =	sld [smem:$0x3FB1]  }
0x2d: {  	s3 =	simm.s32 $0x108;
	s8 =	sld [smem:$0x3FB2]  }
0x2e: {  	s3 =	simm.s32 @!p0 $0x1082;
	s9 =	sld [smem:$0x3FB3]  }
0x2f: {  	lr =	sadd.s32 s0, s3;
	s0 =	sld [smem:$0x3FAA]  }
0x30: {  	s3 =	sld [smem:$0x3FAD]  }
0x31: {  	[smem:$0x3FB6] =	sst s10  }
0x32: {  	s10 =	sld [smem:$0x3FB4];
	_ =	sdelay $0x3  }
0x33: {  	p0 =	seq.s32 s10, $0x1;
	s10 =	sld [smem:$0x3FB6];
	_ =	sdelay $0x3  }
0x34: {  	[smem:$0x3FB6] =	sst s10  }
0x35: {  	s10 =	sld [smem:$0x3FB5];
	_ =	sdelay $0x3  }
0x36: {  	p1 =	seq.s32 s10, $0x1;
	s10 =	sld [smem:$0x3FB6];
	_ =	sdelay $0x3  }
0x37: {  	[smem:$0x3FB6] =	sst s10  }
0x38: {  	s10 =	sld [smem:$0x3FB7]  }
0x39: {  	_ = 	snop;
	(pc) =	sbr.ind lr, $3  }
0x3a: {  	_ = 	snop  }
0x3b: {  	_ = 	snop  }
0x3c: {  	p2 =	seq.s32 s10, $0x1;
	s10 =	sld [smem:$0x3FB6]  }
0x3d: {  	_ =	shalt  }
0x3e: {  	_ =	shalt  }
0x3f: {  	_ =	shalt  }
0x40: {  	_ =	shalt  }
0x41: {  	_ =	shalt  }
0x42: {  	_ =	shalt  }
0x43: {  	_ =	shalt  }
0x44: {  	_ =	shalt  }
0x45: {  	_ =	shalt  }
0x46: {  	_ =	shalt  }
0x47: {  	_ =	shalt  }
0x48: {  	_ =	shalt  }
0x49: {  	_ =	shalt  }
0x4a: {  	_ =	shalt  }
0x4b: {  	_ =	shalt  }
0x4c: {  	_ =	shalt  }
0x4d: {  	_ =	shalt  }
0x4e: {  	_ =	shalt  }
0x4f: {  	_ =	shalt  }
0x50: {  	_ =	shalt  }
0x51: {  	_ =	shalt  }
0x52: {  	_ =	shalt  }
0x53: {  	_ =	shalt  }
0x54: {  	_ =	shalt  }
0x55: {  	_ =	shalt  }
0x56: {  	_ =	shalt  }
0x57: {  	_ =	shalt  }
0x58: {  	_ =	shalt  }
0x59: {  	_ =	shalt  }
0x5a: {  	_ =	shalt  }
0x5b: {  	_ =	shalt  }
0x5c: {  	_ =	shalt  }
0x5d: {  	_ =	shalt  }
0x5e: {  	_ =	shalt  }
0x5f: {  	_ =	shalt  }
0x60: {  	_ =	shalt  }
0x61: {  	_ =	shalt  }
0x62: {  	_ =	shalt  }
0x63: {  	_ =	shalt  }
0x64: {  	_ =	shalt  }
0x65: {  	_ =	shalt  }
0x66: {  	_ =	shalt  }
0x67: {  	_ =	shalt  }
0x68: {  	_ =	shalt  }
0x69: {  	_ =	shalt  }
0x6a: {  	_ =	shalt  }
0x6b: {  	_ =	shalt  }
0x6c: {  	_ =	shalt  }
0x6d: {  	_ =	shalt  }
0x6e: {  	_ =	shalt  }
0x6f: {  	_ =	shalt  }
0x70: {  	_ =	shalt  }
0x71: {  	_ =	shalt  }
0x72: {  	_ =	shalt  }
0x73: {  	_ =	shalt  }
0x74: {  	_ =	shalt  }
0x75: {  	_ =	shalt  }
0x76: {  	_ =	shalt  }
0x77: {  	_ =	shalt  }
0x78: {  	_ =	shalt  }
0x79: {  	_ =	shalt  }
0x7a: {  	_ =	shalt  }
0x7b: {  	_ =	shalt  }
0x7c: {  	_ =	shalt  }
0x7d: {  	_ =	shalt  }
0x7e: {  	_ =	shalt  }
0x7f: {  	_ =	shalt  }
0x80: {  	_ =	shalt  }
0x81: {  	_ =	shalt  }
0x82: {  	_ =	shalt  }
0x83: {  	_ =	shalt  }
0x84: {  	_ =	shalt  }
0x85: {  	_ =	shalt  }
0x86: {  	_ =	shalt  }
0x87: {  	_ =	shalt  }
.Lfunc_end0:
.L_simem_size_0:
called_computation_lowered:
.L_overlay_start_0:
0x88: {  	s2 =	sld [smem:$0x3FD9]  }
0x89: {  	s3 =	sld [smem:$0x3FFE];
	_ =	sdelay $0x1  }
0x8a: {  	s1 =	srdreg.scid  }
0x8b: {  	s0 =	sand.u32 $0x1, s1  }
0x8c: {  	s17 =	sshll.u32 s0, $0xA;
	s2 =	sadd.s32 s3, s2  }
0x8d: {  	s2 =	sadd.s32 s2, s17  }
0x8e: {  	[smem:$0x3FC2] =	sst s2  }
0x8f: {  	_ = 	snop  }
0x90: {  	s2 =	sld [smem:$0x3FD0];
	(tm) =	ssettm $0x1  }
0x91: {  	s18 =	sld [smem:$0x3FFB];
	_ =	sdelay $0x3  }
0x92: {  	_ =	strace s18  }
0x93: {  	s3 =	sld [smem:$0x3FFC];
	_ =	sdelay $0x3  }
0x94: {  	_ =	strace s3  }
0x95: {  	s3 =	sld [smem:$0x3FFD];
	_ =	sdelay $0x3  }
0x96: {  	_ =	strace s3  }
0x97: {  	_ =	strace $0x8FFFFFFF  }
0x98: {  	s19 =	sld [smem:$0x3FDB];
	_ =	sdelay $0x1  }
0x99: {  	s4 =	simm.s32 $_scs_section_size  }
0x9a: {  	s5 =	simm.s32 $_size__tile_overlayer_lowered;
	s6 =	simm.s32 $_tile_overlayer_lowered  }
0x9b: {  	s22 =	simm.s32 $0x1BFF;
	s21 =	sshll.u32 s6, $0x1;
	s3 =	sadd.s32 s4, s19  }
0x9c: {  	s7 =	simm.s32 $0x0;
	s20 =	sshll.u32 s5, $0x1;
	s5 =	sadd.s32 s21, s3  }
0x9d: {  	[timem:s7], [sflag:s22] =	dma.local [hbm:s5], s20  }
0x9e: {  	_ =	swait.ge [sflag:s22], s20  }
0x9f: {  	s4 =	ssub.s32 $0x0, s20;
	[sflag:s22] =	ssyncset.done $0x0  }
0xa0: {  	[sflag:s22] =	ssyncadd.s32 s4;
	_ =	sdelay $0x1  }
0xa1: {  	s23 =	simm.s32 $0x1B8B  }
0xa2: {  	_ =	swait.ge [sflag:s23], $0x1  }
0xa3: {  	[sflag:s23] =	ssyncset.done $0x0  }
0xa4: {  	s25 =	simm.s32 $0x1B8E;
	s24 =	sld [smem:$0x3FFE];
	[sflag:s23] =	ssyncadd.s32 $0xFFFFFFFF  }
0xa5: {  	s26 =	simm.s32 $execute0_lowered;
	[smem:$0x3FD2] =	sst s25  }
0xa6: {  	s5 =	sshll.u32 s26, $0x1;
	_ =	strace $0x80000046;
	[dreg:$0x1] =	wrdreg $0xFFFFFFFF  }
0xa7: {  	s28 =	simm.s32 $_size_execute0_lowered;
	s3 =	sadd.s32 s3, s5;
	[dreg:$0x0] =	wrdreg $0x0  }
0xa8: {  	s5 =	sshll.u32 s28, $0x1;
	[dreg:$0x2] =	wrdreg s3  }
0xa9: {  	[dreg:$0x3] =	wrdreg s5  }
0xaa: {  	[dreg:$0x4] =	wrdreg $0xC0  }
0xab: {  	_ =	task [dreg:s7], $0x5FFFF  }
0xac: {  	[dreg:$0x1] =	wrdreg $0xFFFFFFFF  }
0xad: {  	[dreg:$0x0] =	wrdreg $0x60  }
0xae: {  	[dreg:$0x2] =	wrdreg s2  }
0xaf: {  	[dreg:$0x3] =	wrdreg s24  }
0xb0: {  	[dreg:$0x4] =	wrdreg $0x53000  }
0xb1: {  	[dreg:$0x5] =	wrdreg $0x9  }
0xb2: {  	_ =	task.clear_ibuf [dreg:s7], $0x6FFFF;
	_ =	strace $0x90000046  }
0xb3: {  	s29 =	simm.s32 $0x9;
	_ =	strace $0x80000048  }
0xb4: {  	_ =	swait.ge [sflag:s29], $0x1  }
0xb5: {  	[sflag:s29] =	ssyncadd.s32 $0xFFFFFFFF  }
0xb6: {  	_ =	strace $0x90000048  }
0xb7: {  	_ =	sfence  }
0xb8: {  	s30 =	sld [smem:$0x0];
	_ =	sdelay $0x2  }
0xb9: {  	s31 =	sshll.u32 s1, $0xD;
	s1 =	sshrl.u32 s1, $0x2  }
0xba: {  	s3 =	sand.u32 $0x4000, s31;
	s1 =	sadd.s32 s1, s30  }
0xbb: {  	s0 =	sor.u32 s3, s0;
	s1 =	sshll.u32 s1, $0x11  }
0xbc: {  	s0 =	sor.u32 s1, s0  }
0xbd: {  	s0 =	sadd.s32 $0x8F2B, s0  }
0xbe: {  	[sflag:s0] =	ssyncadd.remote.s32 $0x1  }
0xbf: {  	_ =	sfence.sel $0xFFFF  }
0xc0: {  	[dreg:$0x0] =	wrdreg $0xFFFFFFFF;
	(pc) =	sbr.abs _section_cstart, $3  }
0xc1: {  	[dreg:$0x1] =	wrdreg $0xFFFFFFFF  }
0xc2: {  	_ =	task.clear_ibuf [dreg:s7], $0x2FFFF;
	_ =	strace $0x9FFFFFFF  }
0xc3: {  	(tm) =	ssettm $0x7FFFFFFF  }
tec
execute0_lowered:
.L_overlay_start_1:
0x0: {  	(tag) =	ssettag $0x1  }
0x1: {  	s5 =	rddreg [dreg:$0x0]  }
0x2: {  	s1 =	srdreg.scid;
	s4 =	rddreg [dreg:$0x1]  }
0x3: {  	s0 =	stileid.u32;
	s2 =	rddreg [dreg:$0x2];
	s3 =	simm.s32 $0x0  }
0x4: {  	s13 =	simm.s32 $0x5000;
	s6 =	sand.u32 $0x1, s1;
	s7 =	smul.u32 $0x280, s0  }
0x5: {  	s14 =	simm.s32 $0x0;
	s1 =	rddreg [dreg:$0x3];
	s8 =	smul.u32 $0x140, s6  }
0x6: {  	[smem:$0x7FF] =	sst s3;
	s11 =	smul.u32 $0xA00, s0;
	s6 =	ssub.s32 $0x2, s6  }
0x7: {  	_ =	strace $0x80000047;
	s31 =	sshrl.u32 s6, $0x1;
	s9 =	sadd.s32 s8, s7  }
0x8: {  	s5 =	sadd.s32 s5, s11;
	s11 =	simm.s32 $0x1;
	s10 =	sshrl.u32 s9, $0x3  }
0x9: {  	s12 =	ssub.s32 s6, s31;
	s6 =	sadd.s32 $0x5080, s8;
	s10 =	sadd.s32 s10, s4  }
0xa: {  	s4 =	sadd.s32 s7, s2;
	s7 =	sadd.s32 s9, s2;
	s9 =	smax.u32 s12, $0x1  }
0xb: {  	v0 =	vimm.f32 $0.0e+00;
	v1 =	vimm.f32 $1.000000000e+00;
	s12 =	simm.s32 $0x80;
	s8 =	sadd.s32 $0x2200, s10;
	s10 =	simm.s32 $0x5080  }
.LBB2_1:
0xc: {  	[tilespmem:$0x5080] =	vst v0  }
0xd: {  	[tilespmem:$0x5090] =	vst v0  }
0xe: {  	[tilespmem:$0x50A0] =	vst v0  }
0xf: {  	[tilespmem:$0x50B0] =	vst v0  }
0x10: {  	[tilespmem:$0x50C0] =	vst v0  }
0x11: {  	[tilespmem:$0x50D0] =	vst v0  }
0x12: {  	[tilespmem:$0x50E0] =	vst v0  }
0x13: {  	[tilespmem:$0x50F0] =	vst v0  }
0x14: {  	[tilespmem:$0x5100] =	vst v0  }
0x15: {  	[tilespmem:$0x5110] =	vst v0  }
0x16: {  	[tilespmem:$0x5120] =	vst v0  }
0x17: {  	[tilespmem:$0x5130] =	vst v0  }
0x18: {  	[tilespmem:$0x5140] =	vst v0  }
0x19: {  	[tilespmem:$0x5150] =	vst v0  }
0x1a: {  	[tilespmem:$0x5160] =	vst v0  }
0x1b: {  	[tilespmem:$0x5170] =	vst v0  }
0x1c: {  	[tilespmem:$0x5180] =	vst v0  }
0x1d: {  	[tilespmem:$0x5190] =	vst v0  }
0x1e: {  	[tilespmem:$0x51A0] =	vst v0  }
0x1f: {  	[tilespmem:$0x51B0] =	vst v0  }
0x20: {  	[tilespmem:$0x51C0] =	vst v0  }
0x21: {  	[tilespmem:$0x51D0] =	vst v0  }
0x22: {  	[tilespmem:$0x51E0] =	vst v0  }
0x23: {  	[tilespmem:$0x51F0] =	vst v0  }
0x24: {  	[tilespmem:$0x5200] =	vst v0  }
0x25: {  	[tilespmem:$0x5210] =	vst v0  }
0x26: {  	[tilespmem:$0x5220] =	vst v0  }
0x27: {  	[tilespmem:$0x5230] =	vst v0  }
0x28: {  	[tilespmem:$0x5240] =	vst v0  }
0x29: {  	[tilespmem:$0x5250] =	vst v0  }
0x2a: {  	[tilespmem:$0x5260] =	vst v0  }
0x2b: {  	[tilespmem:$0x5270] =	vst v0  }
0x2c: {  	[tilespmem:$0x5280] =	vst v0  }
0x2d: {  	[tilespmem:$0x5290] =	vst v0  }
0x2e: {  	[tilespmem:$0x52A0] =	vst v0  }
0x2f: {  	[tilespmem:$0x52B0] =	vst v0  }
0x30: {  	[tilespmem:$0x52C0] =	vst v0  }
0x31: {  	[tilespmem:$0x52D0] =	vst v0  }
0x32: {  	[tilespmem:$0x52E0] =	vst v0  }
0x33: {  	[tilespmem:$0x52F0] =	vst v0  }
0x34: {  	[spmem:s4] =	stream.linear.scatter [tilespmem:s10], [sflag:$0x1], $0x280, $0x38;
	[tilespmem:$0x5580] =	vst v63  }
0x35: {  	_ =	swait.ge [sflag:s11], $0x280  }
0x36: {  	[sflag:s11] =	ssyncset.done $0x0  }
0x37: {  	[sflag:s11] =	ssyncadd.s32 $0xFFFFFD80  }
0x38: {  	[tilespmem:$0x5000] =	vst v1  }
0x39: {  	[tilespmem:$0x5010] =	vst v1  }
0x3a: {  	[tilespmem:$0x5020] =	vst v1  }
0x3b: {  	[tilespmem:$0x5030] =	vst v1  }
0x3c: {  	[tilespmem:$0x5040] =	vst v1  }
0x3d: {  	[tilespmem:$0x5050] =	vst v1  }
0x3e: {  	[tilespmem:$0x5060] =	vst v1  }
0x3f: {  	[tilespmem:$0x5070] =	vst v1  }
0x40: {  	[bflag:$0x0] =	sbarrier.arrive $0xFFFF  }
0x41: {  	[tilespmem:s3], [sflag:$0x1] =	stream.linear.gather [hbm4b:s5+s3], $0x5000, $0x38;
	[tilespmem:$0x5580] =	vst v63  }
0x42: {  	_ =	swait.ge [sflag:s11], $0x5000  }
0x43: {  	[sflag:s11] =	ssyncset.done $0x0  }
0x44: {  	s15 =	simm.s32 $0x0;
	[sflag:s11] =	ssyncadd.s32 $0xFFFFB000  }
0x45: {  	[spmem:s2] =	stream.indirect.scatter.add.f32 [tilespmem:s13], [sflag:$0x1], $0x1, s15, s12, $0xb8;
	[tilespmem:$0x5580] =	vst v63  }
0x46: {  	_ =	swait.ge [sflag:s11], $0x80  }
0x47: {  	s15 =	simm.s32 $0x200;
	[sflag:s11] =	ssyncset.done $0x0  }
.LBB2_2:
0x48: {  	s16 =	sshra.s32 s15, $0x2;
	[sflag:s11] =	ssyncadd.s32 $0xFFFFFF80;
	p0 =	sne.s32 s15, $0x13E00  }
0x49: {  	[spmem:s2] =	stream.indirect.scatter.add.f32 [tilespmem:s13], [sflag:$0x1], $0x1, s16, s12, $0xb8;
	[tilespmem:$0x5580] =	vst v63  }
.Ltmp0:
0x4a: {  	_ = 	snop;
	(pc) =	sbr.rel @p0 .LBB2_2-.Ltmp0, $4  }
0x4b: {  	_ = 	snop  }
0x4c: {  	s15 =	sadd.s32 $0x200, s15  }
0x4d: {  	_ =	swait.ge [sflag:s11], $0x80  }
0x4e: {  	[sflag:s11] =	ssyncset.done $0x0  }
0x4f: {  	[sflag:s11] =	ssyncadd.s32 $0xFFFFFF80  }
0x50: {  	[bflag:$0x0] =	sbarrier.arrive $0xFFFF  }
0x51: {  	[tilespmem:s6], [sflag:$0x1] =	stream.linear.gather [spmem:s7], $0x140, $0x38;
	[tilespmem:$0x5580] =	vst v63  }
0x52: {  	s14 =	sadd.s32 $0x1, s14;
	_ =	swait.ge [sflag:s11], $0x140  }
0x53: {  	p0 =	sne.s32 s14, s9;
	[sflag:s11] =	ssyncset.done $0x0  }
.Ltmp1:
0x54: {  	[sflag:s11] =	ssyncadd.s32 $0xFFFFFEC0;
	(pc) =	sbr.rel @p0 .LBB2_1-.Ltmp1, $4  }
0x55: {  	[hbm4b:s8+s3] =	stream.linear.scatter [tilespmem:s6], [sflag:$0x1], $0x140, $0x38;
	[tilespmem:$0x5580] =	vst v63  }
0x56: {  	_ =	swait.ge [sflag:s11], $0x140  }
0x57: {  	[sflag:s11] =	ssyncset.done $0x0  }
0x58: {  	[sflag:s11] =	ssyncadd.s32 $0xFFFFFEC0  }
0x59: {  	_ =	sfence.sel $0x180000  }
0x5a: {  	[bflag:$0x0] =	sbarrier.arrive $0xFFFF  }
0x5b: {  	p0 =	sne.s32 s0, $0x0;
	_ =	strace $0x90000047  }
0x5c: {  	s0 =	sadd.s32 @!p0 $0x100000, s1;
	[bflag:$0x2] =	sbarrier.arrive $0xFFFF  }
0x5d: {  	[sflag:s0] =	ssyncadd.tile.s32 @!p0 $0x1;
	_ =	shalt  }
.Lfunc_end2:
_tile_overlayer_lowered:
.L_overlay_start_2:
0x5e: {  	(tag) =	ssettag $0x2  }
0x5f: {  	s0 =	rddreg [dreg:$0x0];
	s2 =	stileid.u32  }
0x60: {  	s1 =	rddreg [dreg:$0x1];
	p0 =	sne.s32 s2, $0x0  }
0x61: {  	s3 =	rddreg [dreg:$0x2];
	[bflag:$0x3] =	sbarrier.arrive $0xFFFF;
	s2 =	simm.s32 @!p0 $0x1C01  }
0x62: {  	[timem:s3], [sflag:s2] =	dma.local @!p0 [hbm:s0], s1  }
0x63: {  	s0 =	simm.s32 @!p0 $0x1  }
0x64: {  	_ =	swait.ge @!p0 [sflag:s0], s1  }
0x65: {  	s1 =	ssub.s32 @!p0 $0x0, s1;
	[sflag:s0] =	ssyncset.done @!p0 $0x0  }
0x66: {  	[sflag:s0] =	ssyncadd.s32 @!p0 s1  }
0x67: {  	[bflag:$0x3] =	sbarrier.arrive $0xFFFF  }
0x68: {  	_ =	shalt  }

// kernel: kernel.9.cloned.1.call-start
scs
__scs_entry_jumppad:
0x0: {  	(pc) =	sbr.rel $0x88, $3  }
0x1: {  	(tag) =	ssettag $0x0;
	lr =	simm.s32 $0x1  }
0x2: {  	[smem:$0x3F9B] =	sst lr;
	_ =	strace $0xD0000000  }
0x3: {  	_ = 	snop  }
0x4: {  	_ = 	snop  }
0x5: {  	_ = 	snop  }
0x6: {  	_ = 	snop  }
0x7: {  	_ = 	snop  }
__scs_overlays_trampoline_lowered:
0x8: {  	[smem:$0x3FAA] =	sst s0  }
0x9: {  	[smem:$0x3FAB] =	sst s1  }
0xa: {  	[smem:$0x3FAC] =	sst s2  }
0xb: {  	[smem:$0x3FAD] =	sst s3  }
0xc: {  	[smem:$0x3FAE] =	sst s4  }
0xd: {  	[smem:$0x3FAF] =	sst s5  }
0xe: {  	[smem:$0x3FB0] =	sst s6  }
0xf: {  	[smem:$0x3FB1] =	sst s7  }
0x10: {  	[smem:$0x3FB2] =	sst s8  }
0x11: {  	[smem:$0x3FB3] =	sst s9;
	s0 =	simm.s32 @!p0 $0x0  }
0x12: {  	s1 =	sld [smem:$0x3F99];
	s0 =	simm.s32 @p0 $0x1  }
0x13: {  	[smem:$0x3FB4] =	sst s0;
	s0 =	simm.s32 @!p1 $0x0  }
0x14: {  	s2 =	sld [smem:$0x3F98];
	s0 =	simm.s32 @p1 $0x1  }
0x15: {  	[smem:$0x3FB5] =	sst s0;
	s0 =	simm.s32 @!p2 $0x0  }
0x16: {  	s3 =	sld [smem:$0x3FDB];
	s0 =	simm.s32 @p2 $0x1  }
0x17: {  	s4 =	simm.s32 $0x1BF5;
	[smem:$0x3FB7] =	sst s0  }
0x18: {  	s0 =	sld [smem:$0x3F9A];
	_ =	swait.ge [sflag:s4], $0x0  }
0x19: {  	s7 =	sld [smem:$0x3F9B]  }
0x1a: {  	s8 =	sadd.s32 $0xFFFFE003, lr  }
0x1b: {  	s9 =	sadd.s32 $0xFFFFFEF7, lr;
	s5 =	simm.s32 $0xFFFFFFFF;
	p2 =	slt.u32 s8, $0xFFFFF086  }
0x1c: {  	p1 =	slt.u32 s9, $0xF7A;
	s5 =	simm.s32 @!p2 $0x0  }
0x1d: {  	s5 =	simm.s32 @p1 $0x1;
	p0 =	seq.s32 s7, s2  }
0x1e: {  	s7 =	smul.u32 @!p0 $0xF7A, s2;
	p2 =	seq.s32 @!p0 s5, $0x0  }
0x1f: {  	s9 =	smul.u32 $0xF7A, s1;
	s8 =	simm.s32 @!p0 $0x1BF5;
	p2 =	por !p2, p0  }
0x20: {  	[sflag:s8] =	ssyncset.s32 @!p0 $0xFFFFF086;
	s6 =	sadd.s32 @!p0 s3, s7;
	s7 =	simm.s32 @!p0 $0x108  }
0x21: {  	s3 =	sadd.s32 s3, s9;
	s6 =	sadd.s32 @!p0 $0x88, s6;
	s7 =	simm.s32 @p2 $0x1082  }
0x22: {  	[simem:s7], [sflag:s8] =	dma.local @!p0 [hbm:s6], $0xF7A  }
0x23: {  	s9 =	sor.u32 $0xD0000000, s2;
	s6 =	simm.s32 $0x108;
	_ =	swait.ge @!p0 [sflag:s8], $0x0  }
0x24: {  	s3 =	sadd.s32 $0x88, s3;
	s6 =	simm.s32 @!p1 $0x1082;
	[sflag:s4] =	ssyncset.s32 $0xFFFFF086  }
0x25: {  	[simem:s6], [sflag:s4] =	dma.local [hbm:s3], $0xF7A  }
0x26: {  	[smem:$0x3F9B] =	sst s1;
	(tag) =	ssettag s2;
	_ =	strace s9  }
0x27: {  	s1 =	sld [smem:$0x3FAB]  }
0x28: {  	s2 =	sld [smem:$0x3FAC]  }
0x29: {  	s4 =	sld [smem:$0x3FAE]  }
0x2a: {  	p0 =	seq.s32 s5, $0x0;
	s5 =	sld [smem:$0x3FAF]  }
0x2b: {  	s6 =	sld [smem:$0x3FB0]  }
0x2c: {  	s7 =	sld [smem:$0x3FB1]  }
0x2d: {  	s3 =	simm.s32 $0x108;
	s8 =	sld [smem:$0x3FB2]  }
0x2e: {  	s3 =	simm.s32 @!p0 $0x1082;
	s9 =	sld [smem:$0x3FB3]  }
0x2f: {  	lr =	sadd.s32 s0, s3;
	s0 =	sld [smem:$0x3FAA]  }
0x30: {  	s3 =	sld [smem:$0x3FAD]  }
0x31: {  	[smem:$0x3FB6] =	sst s10  }
0x32: {  	s10 =	sld [smem:$0x3FB4];
	_ =	sdelay $0x3  }
0x33: {  	p0 =	seq.s32 s10, $0x1;
	s10 =	sld [smem:$0x3FB6];
	_ =	sdelay $0x3  }
0x34: {  	[smem:$0x3FB6] =	sst s10  }
0x35: {  	s10 =	sld [smem:$0x3FB5];
	_ =	sdelay $0x3  }
0x36: {  	p1 =	seq.s32 s10, $0x1;
	s10 =	sld [smem:$0x3FB6];
	_ =	sdelay $0x3  }
0x37: {  	[smem:$0x3FB6] =	sst s10  }
0x38: {  	s10 =	sld [smem:$0x3FB7]  }
0x39: {  	_ = 	snop;
	(pc) =	sbr.ind lr, $3  }
0x3a: {  	_ = 	snop  }
0x3b: {  	_ = 	snop  }
0x3c: {  	p2 =	seq.s32 s10, $0x1;
	s10 =	sld [smem:$0x3FB6]  }
0x3d: {  	_ =	shalt  }
0x3e: {  	_ =	shalt  }
0x3f: {  	_ =	shalt  }
0x40: {  	_ =	shalt  }
0x41: {  	_ =	shalt  }
0x42: {  	_ =	shalt  }
0x43: {  	_ =	shalt  }
0x44: {  	_ =	shalt  }
0x45: {  	_ =	shalt  }
0x46: {  	_ =	shalt  }
0x47: {  	_ =	shalt  }
0x48: {  	_ =	shalt  }
0x49: {  	_ =	shalt  }
0x4a: {  	_ =	shalt  }
0x4b: {  	_ =	shalt  }
0x4c: {  	_ =	shalt  }
0x4d: {  	_ =	shalt  }
0x4e: {  	_ =	shalt  }
0x4f: {  	_ =	shalt  }
0x50: {  	_ =	shalt  }
0x51: {  	_ =	shalt  }
0x52: {  	_ =	shalt  }
0x53: {  	_ =	shalt  }
0x54: {  	_ =	shalt  }
0x55: {  	_ =	shalt  }
0x56: {  	_ =	shalt  }
0x57: {  	_ =	shalt  }
0x58: {  	_ =	shalt  }
0x59: {  	_ =	shalt  }
0x5a: {  	_ =	shalt  }
0x5b: {  	_ =	shalt  }
0x5c: {  	_ =	shalt  }
0x5d: {  	_ =	shalt  }
0x5e: {  	_ =	shalt  }
0x5f: {  	_ =	shalt  }
0x60: {  	_ =	shalt  }
0x61: {  	_ =	shalt  }
0x62: {  	_ =	shalt  }
0x63: {  	_ =	shalt  }
0x64: {  	_ =	shalt  }
0x65: {  	_ =	shalt  }
0x66: {  	_ =	shalt  }
0x67: {  	_ =	shalt  }
0x68: {  	_ =	shalt  }
0x69: {  	_ =	shalt  }
0x6a: {  	_ =	shalt  }
0x6b: {  	_ =	shalt  }
0x6c: {  	_ =	shalt  }
0x6d: {  	_ =	shalt  }
0x6e: {  	_ =	shalt  }
0x6f: {  	_ =	shalt  }
0x70: {  	_ =	shalt  }
0x71: {  	_ =	shalt  }
0x72: {  	_ =	shalt  }
0x73: {  	_ =	shalt  }
0x74: {  	_ =	shalt  }
0x75: {  	_ =	shalt  }
0x76: {  	_ =	shalt  }
0x77: {  	_ =	shalt  }
0x78: {  	_ =	shalt  }
0x79: {  	_ =	shalt  }
0x7a: {  	_ =	shalt  }
0x7b: {  	_ =	shalt  }
0x7c: {  	_ =	shalt  }
0x7d: {  	_ =	shalt  }
0x7e: {  	_ =	shalt  }
0x7f: {  	_ =	shalt  }
0x80: {  	_ =	shalt  }
0x81: {  	_ =	shalt  }
0x82: {  	_ =	shalt  }
0x83: {  	_ =	shalt  }
0x84: {  	_ =	shalt  }
0x85: {  	_ =	shalt  }
0x86: {  	_ =	shalt  }
0x87: {  	_ =	shalt  }
.Lfunc_end0:
.L_simem_size_0:
called_computation.1_lowered:
.L_overlay_start_0:
0x88: {  	s2 =	sld [smem:$0x3FD9]  }
0x89: {  	s3 =	sld [smem:$0x3FFE];
	_ =	sdelay $0x1  }
0x8a: {  	s1 =	srdreg.scid  }
0x8b: {  	s0 =	sand.u32 $0x1, s1  }
0x8c: {  	s16 =	sshll.u32 s0, $0xA;
	s2 =	sadd.s32 s3, s2  }
0x8d: {  	s2 =	sadd.s32 s2, s16  }
0x8e: {  	[smem:$0x3FC2] =	sst s2  }
0x8f: {  	_ = 	snop  }
0x90: {  	(tm) =	ssettm $0x1  }
0x91: {  	s17 =	sld [smem:$0x3FFB];
	_ =	sdelay $0x3  }
0x92: {  	_ =	strace s17  }
0x93: {  	s2 =	sld [smem:$0x3FFC];
	_ =	sdelay $0x3  }
0x94: {  	_ =	strace s2  }
0x95: {  	s2 =	sld [smem:$0x3FFD];
	_ =	sdelay $0x3  }
0x96: {  	_ =	strace s2  }
0x97: {  	_ =	strace $0x8FFFFFFF  }
0x98: {  	s18 =	sld [smem:$0x3FDB];
	_ =	sdelay $0x1  }
0x99: {  	s19 =	simm.s32 $_scs_section_size  }
0x9a: {  	s4 =	simm.s32 $_size__tile_overlayer_lowered;
	s5 =	simm.s32 $_tile_overlayer_lowered  }
0x9b: {  	s22 =	simm.s32 $0x1BFF;
	s21 =	sshll.u32 s5, $0x1;
	s2 =	sadd.s32 s19, s18  }
0x9c: {  	s6 =	simm.s32 $0x0;
	s20 =	sshll.u32 s4, $0x1;
	s4 =	sadd.s32 s21, s2  }
0x9d: {  	[timem:s6], [sflag:s22] =	dma.local [hbm:s4], s20  }
0x9e: {  	_ =	swait.ge [sflag:s22], s20  }
0x9f: {  	s3 =	ssub.s32 $0x0, s20;
	[sflag:s22] =	ssyncset.done $0x0  }
0xa0: {  	[sflag:s22] =	ssyncadd.s32 s3;
	_ =	sdelay $0x1  }
0xa1: {  	s23 =	simm.s32 $0x1B8B  }
0xa2: {  	_ =	swait.ge [sflag:s23], $0x1  }
0xa3: {  	[sflag:s23] =	ssyncset.done $0x0  }
0xa4: {  	s25 =	simm.s32 $0x1B8E;
	s24 =	sld [smem:$0x3FFE];
	[sflag:s23] =	ssyncadd.s32 $0xFFFFFFFF  }
0xa5: {  	s26 =	simm.s32 $execute0_lowered;
	[smem:$0x3FD2] =	sst s25  }
0xa6: {  	s4 =	sshll.u32 s26, $0x1;
	_ =	strace $0x80000049;
	[dreg:$0x1] =	wrdreg $0xFFFFFFFF  }
0xa7: {  	s28 =	simm.s32 $_size_execute0_lowered;
	s2 =	sadd.s32 s2, s4;
	[dreg:$0x0] =	wrdreg $0x0  }
0xa8: {  	s4 =	sshll.u32 s28, $0x1;
	[dreg:$0x2] =	wrdreg s2  }
0xa9: {  	[dreg:$0x3] =	wrdreg s4  }
0xaa: {  	[dreg:$0x4] =	wrdreg $0xC0  }
0xab: {  	_ =	task [dreg:s6], $0x5FFFF  }
0xac: {  	[dreg:$0x1] =	wrdreg $0xFFFFFFFF  }
0xad: {  	[dreg:$0x0] =	wrdreg $0x60  }
0xae: {  	[dreg:$0x2] =	wrdreg s24  }
0xaf: {  	[dreg:$0x3] =	wrdreg $0xB2000  }
0xb0: {  	[dreg:$0x4] =	wrdreg $0x9  }
0xb1: {  	_ =	task.clear_ibuf [dreg:s6], $0x5FFFF;
	_ =	strace $0x90000049  }
0xb2: {  	s29 =	simm.s32 $0x9;
	_ =	strace $0x8000004B  }
0xb3: {  	_ =	swait.ge [sflag:s29], $0x1  }
0xb4: {  	[sflag:s29] =	ssyncadd.s32 $0xFFFFFFFF  }
0xb5: {  	_ =	strace $0x9000004B  }
0xb6: {  	_ =	sfence  }
0xb7: {  	s30 =	sld [smem:$0x0];
	_ =	sdelay $0x2  }
0xb8: {  	s31 =	sshll.u32 s1, $0xD;
	s1 =	sshrl.u32 s1, $0x2  }
0xb9: {  	s3 =	sand.u32 $0x4000, s31;
	s1 =	sadd.s32 s1, s30  }
0xba: {  	s0 =	sor.u32 s3, s0;
	s1 =	sshll.u32 s1, $0x11  }
0xbb: {  	s0 =	sor.u32 s1, s0  }
0xbc: {  	s0 =	sadd.s32 $0x8F2B, s0  }
0xbd: {  	[sflag:s0] =	ssyncadd.remote.s32 $0x1  }
0xbe: {  	_ =	sfence.sel $0xFFFF  }
0xbf: {  	[dreg:$0x0] =	wrdreg $0xFFFFFFFF;
	(pc) =	sbr.abs _section_cstart, $3  }
0xc0: {  	[dreg:$0x1] =	wrdreg $0xFFFFFFFF  }
0xc1: {  	_ =	task.clear_ibuf [dreg:s6], $0x2FFFF;
	_ =	strace $0x9FFFFFFF  }
0xc2: {  	(tm) =	ssettm $0x7FFFFFFF  }
0xc3: {  	_ =	shalt  }
tec
execute0_lowered:
.L_overlay_start_1:
0x0: {  	(tag) =	ssettag $0x1  }
0x1: {  	s0 =	rddreg [dreg:$0x0]  }
0x2: {  	s1 =	rddreg [dreg:$0x1]  }
0x3: {  	s2 =	simm.s32 $0x0;
	s3 =	srdreg.scid;
	s11 =	stileid.u32  }
0x4: {  	s12 =	simm.s32 $0xC;
	s13 =	simm.s32 $0x40;
	s14 =	simm.s32 $0xA00  }
0x5: {  	s16 =	simm.s32 $0x2A00;
	s18 =	simm.s32 $0x4A00;
	s20 =	simm.s32 $0x6A00  }
0x6: {  	s22 =	simm.s32 $0x8A00;
	s23 =	simm.s32 $0x500;
	s28 =	simm.s32 $0x2  }
0x7: {  	s30 =	simm.s32 $0x3;
	s15 =	simm.s32 $0x7;
	s19 =	simm.s32 $0x8  }
0x8: {  	s31 =	simm.s32 $0xA;
	s29 =	simm.s32 $0x880;
	s7 =	smul.u32 $0x50000, s11  }
0x9: {  	s17 =	simm.s32 $0x0;
	[smem:$0x7FF] =	sst s2;
	s10 =	smul.u32 $0xA000, s11  }
0xa: {  	s3 =	sand.u32 $0x1, s3;
	s4 =	sadd.s32 $0x2A800, s0;
	s25 =	smul.u32 $0x2800, s11  }
0xb: {  	s8 =	sadd.s32 $0x2800, s0;
	_ =	strace $0x8000004A;
	s5 =	smul.u32 $0x28000, s3  }
0xc: {  	s6 =	sshll.u32 s3, $0x4;
	s9 =	ssub.s32 $0x2, s3;
	s3 =	smul.u32 $0xA0000, s3  }
0xd: {  	s6 =	sor.u32 s11, s6;
	s24 =	sshrl.u32 s9, $0x1;
	s7 =	sshrl.u32 s7, $0x2  }
0xe: {  	s11 =	simm.s32 $0xAA00;
	s6 =	smul.u32 $0xA000, s6;
	s0 =	sadd.s32 s5, s0  }
0xf: {  	s9 =	ssub.s32 s9, s24;
	s5 =	sadd.s32 s7, s1;
	s3 =	sadd.s32 s10, s3  }
0x10: {  	s24 =	simm.s32 $0x6;
	s0 =	sadd.s32 $0x52800, s0;
	s26 =	sor.u32 $0xF00, s3  }
0x11: {  	s3 =	sor.u32 $0xA00, s3;
	s9 =	smax.u32 s9, $0x1;
	s6 =	sshrl.u32 s6, $0x3  }
0x12: {  	[dreg:$0x5] =	wrdreg s9;
	s7 =	sshrl.u32 s26, $0x3;
	s3 =	sshrl.u32 s3, $0x3  }
.Ltmp0:
0x13: {  	s0 =	sadd.s32 s25, s0;
	s25 =	simm.s32 $0x1;
	(pc) =	sbr.rel .LBB2_1-.Ltmp0, $4  }
0x14: {  	s26 =	simm.s32 $0x9;
	s6 =	sadd.s32 s8, s6;
	s9 =	sadd.s32 s7, s8  }
0x15: {  	s10 =	sadd.s32 s3, s8;
	[dreg:$0x6] =	wrdreg s0;
	s0 =	simm.s32 $0x4  }
0x16: {  	s7 =	simm.s32 $0x5;
	[dreg:$0x3] =	wrdreg s6;
	s6 =	sadd.s32 $0xA0, s6  }
0x17: {  	v0 =	vimm.f32 $0.0e+00;
	s3 =	simm.s32 $0x980;
	[dreg:$0x4] =	wrdreg s6;
	s6 =	simm.s32 $0xB  }
.LBB2_8:
0x18: {  	_ =	swait.ge [sflag:s24], $0x2000  }
0x19: {  	[sflag:s24] =	ssyncset.done $0x0  }
0x1a: {  	[sflag:s24] =	ssyncadd.s32 $0xFFFFE000  }
0x1b: {  	_ =	swait.ge [sflag:s15], $0x2000  }
0x1c: {  	[sflag:s15] =	ssyncset.done $0x0  }
0x1d: {  	[sflag:s15] =	ssyncadd.s32 $0xFFFFE000  }
0x1e: {  	_ =	swait.ge [sflag:s19], $0x2000  }
0x1f: {  	[sflag:s19] =	ssyncset.done $0x0  }
0x20: {  	[sflag:s19] =	ssyncadd.s32 $0xFFFFE000  }
0x21: {  	_ =	swait.ge [sflag:s26], $0x2000  }
0x22: {  	[sflag:s26] =	ssyncset.done $0x0  }
0x23: {  	[sflag:s26] =	ssyncadd.s32 $0xFFFFE000  }
0x24: {  	_ =	swait.ge [sflag:s31], $0x2000  }
0x25: {  	[sflag:s31] =	ssyncset.done $0x0  }
0x26: {  	s8 =	stileid.u32;
	[sflag:s31] =	ssyncadd.s32 $0xFFFFE000  }
0x27: {  	s8 =	sshll.u32 s8, $0x6;
	[bflag:$0x0] =	sbarrier.arrive $0xFFFF  }
0x28: {  	s17 =	sshrl.u32 s5, $0x3;
	s8 =	sor.u32 $0x1C0C, s8;
	s21 =	rddreg [dreg:$0x6]  }
0x29: {  	[hbm:s21], [sflag:s8] =	dma.local [spmem:s17], $0x2800  }
0x2a: {  	_ =	swait.ge [sflag:s12], $0x2800  }
0x2b: {  	s8 =	rddreg [dreg:$0x7]  }
0x2c: {  	s21 =	rddreg [dreg:$0x5];
	s17 =	sadd.s32 $0x1, s8  }
0x2d: {  	p0 =	sne.s32 s17, s21  }
.Ltmp1:
0x2e: {  	_ = 	snop;
	(pc) =	sbr.rel @!p0 .LBB2_9-.Ltmp1, $3  }
0x2f: {  	_ =	sdelay $0x1  }
0x30: {  	[sflag:s12] =	ssyncset.done $0x0  }
0x31: {  	[sflag:s12] =	ssyncadd.s32 $0xFFFFD800  }
.LBB2_1:
0x32: {  	[dreg:$0x7] =	wrdreg s17;
	s8 =	simm.s32 $0x0;
	s17 =	simm.s32 $0x200  }
.LBB2_2:
0x33: {  	p0 =	sne.s32 s17, $0x1E00;
	[tilespmem:s8+$0xAA70] =	vst v0  }
0x34: {  	[tilespmem:s8+$0xAA00] =	vst v0  }
0x35: {  	[tilespmem:s8+$0xAA10] =	vst v0  }
.Ltmp2:
0x36: {  	[tilespmem:s8+$0xAA20] =	vst v0;
	(pc) =	sbr.rel @p0 .LBB2_2-.Ltmp2, $4  }
0x37: {  	[tilespmem:s8+$0xAA30] =	vst v0  }
0x38: {  	[tilespmem:s8+$0xAA40] =	vst v0  }
0x39: {  	[tilespmem:s8+$0xAA50] =	vst v0  }
0x3a: {  	[tilespmem:s8+$0xAA60] =	vst v0;
	s8 =	sshra.s32 s17, $0x2;
	s17 =	sadd.s32 $0x200, s17  }
0x3b: {  	[tilespmem:s8+$0xAA70] =	vst v0  }
0x3c: {  	[tilespmem:s8+$0xAA00] =	vst v0  }
0x3d: {  	[tilespmem:s8+$0xAA10] =	vst v0  }
0x3e: {  	[tilespmem:s8+$0xAA20] =	vst v0  }
0x3f: {  	[tilespmem:s8+$0xAA30] =	vst v0  }
0x40: {  	[tilespmem:s8+$0xAA40] =	vst v0  }
0x41: {  	[tilespmem:s8+$0xAA50] =	vst v0  }
0x42: {  	[tilespmem:s8+$0xAA60] =	vst v0;
	s21 =	sadd.s32 $0x0, s5  }
0x43: {  	[spmem:s21] =	stream.linear.scatter [tilespmem:s11], [sflag:$0xC], $0x800, $0x38;
	[tilespmem:$0x1F200] =	vst v63  }
0x44: {  	s8 =	simm.s32 $0x2000;
	_ =	swait.ge [sflag:s12], $0x800  }
.LBB2_4:
0x45: {  	s17 =	sshra.s32 s8, $0x2;
	[sflag:s12] =	ssyncset.done $0x0;
	p0 =	sne.s32 s8, $0x4E000  }
.Ltmp3:
0x46: {  	s17 =	sadd.s32 s17, s5;
	[sflag:s12] =	ssyncadd.s32 $0xFFFFF800;
	(pc) =	sbr.rel @p0 .LBB2_4-.Ltmp3, $3  }
0x47: {  	[spmem:s17] =	stream.linear.scatter [tilespmem:s11], [sflag:$0xC], $0x800, $0x38;
	[tilespmem:$0x1F200] =	vst v63  }
0x48: {  	s8 =	sadd.s32 $0x2000, s8;
	_ =	sdelay $0x1  }
0x49: {  	_ =	swait.ge [sflag:s12], $0x800  }
0x4a: {  	[sflag:s12] =	ssyncset.done $0x0  }
0x4b: {  	[sflag:s12] =	ssyncadd.s32 $0xFFFFF800  }
0x4c: {  	[bflag:$0x0] =	sbarrier.arrive $0xFFFF  }
0x4d: {  	s8 =	simm.s32 $0x0;
	s17 =	rddreg [dreg:$0x3]  }
0x4e: {  	[tilespmem:s8], [sflag:$0xC] =	stream.linear.gather [hbm4b:s17+s8], $0x500, $0x38;
	[tilespmem:$0x1F200] =	vst v63  }
0x4f: {  	_ =	swait.ge [sflag:s12], $0x500  }
0x50: {  	[sflag:s12] =	ssyncset.done $0x0  }
0x51: {  	[sflag:s12] =	ssyncadd.s32 $0xFFFFFB00  }
0x52: {  	[tilespmem:s14], [sflag:$0x1] =	stream.indirect.gather [hbm4b:s4+s13], $0x80, s8, s13, $0xb8;
	[tilespmem:$0x1F200] =	vst v63  }
0x53: {  	s21 =	simm.s32 $0x100  }
0x54: {  	[tilespmem:s16], [sflag:$0x2] =	stream.indirect.gather [hbm4b:s4+s13], $0x80, s21, s13, $0xb8;
	[tilespmem:$0x1F200] =	vst v63  }
0x55: {  	s21 =	simm.s32 $0x200  }
0x56: {  	[tilespmem:s18], [sflag:$0x3] =	stream.indirect.gather [hbm4b:s4+s13], $0x80, s21, s13, $0xb8;
	[tilespmem:$0x1F200] =	vst v63  }
0x57: {  	s21 =	simm.s32 $0x300  }
0x58: {  	[tilespmem:s20], [sflag:$0x4] =	stream.indirect.gather [hbm4b:s4+s13], $0x80, s21, s13, $0xb8;
	[tilespmem:$0x1F200] =	vst v63  }
0x59: {  	s21 =	simm.s32 $0x400  }
0x5a: {  	[tilespmem:s22], [sflag:$0x5] =	stream.indirect.gather [hbm4b:s4+s13], $0x80, s21, s13, $0xb8;
	[tilespmem:$0x1F200] =	vst v63  }
0x5b: {  	s21 =	rddreg [dreg:$0x4]  }
0x5c: {  	[tilespmem:s23], [sflag:$0xB] =	stream.linear.gather [hbm4b:s21+s8], $0x500, $0x38;
	[tilespmem:$0x1F200] =	vst v63  }
.LBB2_6:
0x5d: {  	_ =	swait.ge [sflag:s25], $0x2000  }
0x5e: {  	[sflag:s25] =	ssyncset.done $0x0  }
0x5f: {  	s17 =	simm.s32 $0x80;
	[sflag:s25] =	ssyncadd.s32 $0xFFFFE000  }
0x60: {  	[spmem:s1] =	stream.indirect.scatter.add.f32 [tilespmem:s14], [sflag:$0x6], $0x80, s17, s13, $0xb8;
	[tilespmem:$0x1F200] =	vst v63  }
0x61: {  	_ =	swait.ge [sflag:s28], $0x2000  }
0x62: {  	[sflag:s28] =	ssyncset.done $0x0  }
0x63: {  	s21 =	simm.s32 $0x180;
	[sflag:s28] =	ssyncadd.s32 $0xFFFFE000  }
0x64: {  	[spmem:s1] =	stream.indirect.scatter.add.f32 [tilespmem:s16], [sflag:$0x7], $0x80, s21, s13, $0xb8;
	[tilespmem:$0x1F200] =	vst v63  }
0x65: {  	_ =	swait.ge [sflag:s30], $0x2000  }
0x66: {  	[sflag:s30] =	ssyncset.done $0x0  }
0x67: {  	s21 =	simm.s32 $0x280;
	[sflag:s30] =	ssyncadd.s32 $0xFFFFE000  }
0x68: {  	[spmem:s1] =	stream.indirect.scatter.add.f32 [tilespmem:s18], [sflag:$0x8], $0x80, s21, s13, $0xb8;
	[tilespmem:$0x1F200] =	vst v63  }
0x69: {  	_ =	swait.ge [sflag:s0], $0x2000  }
0x6a: {  	[sflag:s0] =	ssyncset.done $0x0  }
0x6b: {  	s21 =	simm.s32 $0x380;
	[sflag:s0] =	ssyncadd.s32 $0xFFFFE000  }
0x6c: {  	[spmem:s1] =	stream.indirect.scatter.add.f32 [tilespmem:s20], [sflag:$0x9], $0x80, s21, s13, $0xb8;
	[tilespmem:$0x1F200] =	vst v63  }
0x6d: {  	_ =	swait.ge [sflag:s7], $0x2000  }
0x6e: {  	[sflag:s7] =	ssyncset.done $0x0  }
0x6f: {  	s21 =	simm.s32 $0x480;
	[sflag:s7] =	ssyncadd.s32 $0xFFFFE000  }
0x70: {  	[spmem:s1] =	stream.indirect.scatter.add.f32 [tilespmem:s22], [sflag:$0xA], $0x80, s21, s13, $0xb8;
	[tilespmem:$0x1F200] =	vst v63  }
0x71: {  	_ =	swait.ge [sflag:s6], $0x500  }
0x72: {  	[sflag:s6] =	ssyncset.done $0x0  }
0x73: {  	[sflag:s6] =	ssyncadd.s32 $0xFFFFFB00  }
0x74: {  	_ =	swait.ge [sflag:s24], $0x2000  }
0x75: {  	[sflag:s24] =	ssyncset.done $0x0  }
0x76: {  	[sflag:s24] =	ssyncadd.s32 $0xFFFFE000  }
0x77: {  	[tilespmem:s14], [sflag:$0x1] =	stream.indirect.gather [hbm4b:s4+s13], $0x80, s23, s13, $0xb8;
	[tilespmem:$0x1F200] =	vst v63  }
0x78: {  	_ =	swait.ge [sflag:s15], $0x2000  }
0x79: {  	[sflag:s15] =	ssyncset.done $0x0  }
0x7a: {  	s21 =	simm.s32 $0x600;
	[sflag:s15] =	ssyncadd.s32 $0xFFFFE000  }
0x7b: {  	[tilespmem:s16], [sflag:$0x2] =	stream.indirect.gather [hbm4b:s4+s13], $0x80, s21, s13, $0xb8;
	[tilespmem:$0x1F200] =	vst v63  }
0x7c: {  	_ =	swait.ge [sflag:s19], $0x2000  }
0x7d: {  	[sflag:s19] =	ssyncset.done $0x0  }
0x7e: {  	s21 =	simm.s32 $0x700;
	[sflag:s19] =	ssyncadd.s32 $0xFFFFE000  }
0x7f: {  	[tilespmem:s18], [sflag:$0x3] =	stream.indirect.gather [hbm4b:s4+s13], $0x80, s21, s13, $0xb8;
	[tilespmem:$0x1F200] =	vst v63  }
0x80: {  	_ =	swait.ge [sflag:s26], $0x2000  }
0x81: {  	[sflag:s26] =	ssyncset.done $0x0  }
0x82: {  	s21 =	simm.s32 $0x800;
	[sflag:s26] =	ssyncadd.s32 $0xFFFFE000  }
0x83: {  	[tilespmem:s20], [sflag:$0x4] =	stream.indirect.gather [hbm4b:s4+s13], $0x80, s21, s13, $0xb8;
	[tilespmem:$0x1F200] =	vst v63  }
0x84: {  	_ =	swait.ge [sflag:s31], $0x2000  }
0x85: {  	[sflag:s31] =	ssyncset.done $0x0  }
0x86: {  	p0 =	seq.s32 s8, $0x12C0;
	s21 =	simm.s32 $0x900;
	[sflag:s31] =	ssyncadd.s32 $0xFFFFE000  }
0x87: {  	[tilespmem:s22], [sflag:$0x5] =	stream.indirect.gather [hbm4b:s4+s13], $0x80, s21, s13, $0xb8;
	[tilespmem:$0x1F200] =	vst v63  }
0x88: {  	s17 =	sadd.s32 @!p0 s8, s10;
	s21 =	simm.s32 @!p0 $0x0  }
0x89: {  	[tilespmem:s21], [sflag:$0xB] =	stream.linear.gather @!p0 [hbm4b:s17+s21], $0x500, $0x38;
	[tilespmem:$0x1F200] =	vst v63  }
0x8a: {  	_ =	swait.ge [sflag:s25], $0x2000  }
0x8b: {  	[sflag:s25] =	ssyncset.done $0x0  }
0x8c: {  	s21 =	simm.s32 $0x580;
	[sflag:s25] =	ssyncadd.s32 $0xFFFFE000  }
0x8d: {  	[spmem:s1] =	stream.indirect.scatter.add.f32 [tilespmem:s14], [sflag:$0x6], $0x80, s21, s13, $0xb8;
	[tilespmem:$0x1F200] =	vst v63  }
0x8e: {  	_ =	swait.ge [sflag:s28], $0x2000  }
0x8f: {  	[sflag:s28] =	ssyncset.done $0x0  }
0x90: {  	s21 =	simm.s32 $0x680;
	[sflag:s28] =	ssyncadd.s32 $0xFFFFE000  }
0x91: {  	[spmem:s1] =	stream.indirect.scatter.add.f32 [tilespmem:s16], [sflag:$0x7], $0x80, s21, s13, $0xb8;
	[tilespmem:$0x1F200] =	vst v63  }
0x92: {  	_ =	swait.ge [sflag:s30], $0x2000  }
0x93: {  	[sflag:s30] =	ssyncset.done $0x0  }
0x94: {  	s21 =	simm.s32 $0x780;
	[sflag:s30] =	ssyncadd.s32 $0xFFFFE000  }
0x95: {  	[spmem:s1] =	stream.indirect.scatter.add.f32 [tilespmem:s18], [sflag:$0x8], $0x80, s21, s13, $0xb8;
	[tilespmem:$0x1F200] =	vst v63  }
0x96: {  	_ =	swait.ge [sflag:s0], $0x2000  }
0x97: {  	[sflag:s0] =	ssyncset.done $0x0  }
0x98: {  	[sflag:s0] =	ssyncadd.s32 $0xFFFFE000  }
0x99: {  	[spmem:s1] =	stream.indirect.scatter.add.f32 [tilespmem:s20], [sflag:$0x9], $0x80, s29, s13, $0xb8;
	[tilespmem:$0x1F200] =	vst v63  }
.Ltmp4:
0x9a: {  	_ = 	snop;
	(pc) =	sbr.rel @p0 .LBB2_8-.Ltmp4, $4  }
0x9b: {  	_ =	swait.ge [sflag:s7], $0x2000  }
0x9c: {  	[sflag:s7] =	ssyncset.done $0x0  }
0x9d: {  	[sflag:s7] =	ssyncadd.s32 $0xFFFFE000  }
0x9e: {  	[spmem:s1] =	stream.indirect.scatter.add.f32 [tilespmem:s22], [sflag:$0xA], $0x80, s3, s13, $0xb8;
	[tilespmem:$0x1F200] =	vst v63  }
0x9f: {  	_ =	swait.ge [sflag:s6], $0x500  }
0xa0: {  	[sflag:s6] =	ssyncset.done $0x0  }
0xa1: {  	[sflag:s6] =	ssyncadd.s32 $0xFFFFFB00  }
0xa2: {  	_ =	swait.ge [sflag:s24], $0x2000  }
0xa3: {  	[sflag:s24] =	ssyncset.done $0x0  }
0xa4: {  	[sflag:s24] =	ssyncadd.s32 $0xFFFFE000  }
0xa5: {  	[tilespmem:s14], [sflag:$0x1] =	stream.indirect.gather [hbm4b:s4+s13], $0x80, s2, s13, $0xb8;
	[tilespmem:$0x1F200] =	vst v63  }
0xa6: {  	_ =	swait.ge [sflag:s15], $0x2000  }
0xa7: {  	[sflag:s15] =	ssyncset.done $0x0  }
0xa8: {  	s17 =	simm.s32 $0x100;
	[sflag:s15] =	ssyncadd.s32 $0xFFFFE000  }
0xa9: {  	[tilespmem:s16], [sflag:$0x2] =	stream.indirect.gather [hbm4b:s4+s13], $0x80, s17, s13, $0xb8;
	[tilespmem:$0x1F200] =	vst v63  }
0xaa: {  	_ =	swait.ge [sflag:s19], $0x2000  }
0xab: {  	[sflag:s19] =	ssyncset.done $0x0  }
0xac: {  	s21 =	simm.s32 $0x200;
	[sflag:s19] =	ssyncadd.s32 $0xFFFFE000  }
0xad: {  	[tilespmem:s18], [sflag:$0x3] =	stream.indirect.gather [hbm4b:s4+s13], $0x80, s21, s13, $0xb8;
	[tilespmem:$0x1F200] =	vst v63  }
0xae: {  	_ =	swait.ge [sflag:s26], $0x2000  }
0xaf: {  	[sflag:s26] =	ssyncset.done $0x0  }
0xb0: {  	s21 =	simm.s32 $0x300;
	[sflag:s26] =	ssyncadd.s32 $0xFFFFE000  }
0xb1: {  	[tilespmem:s20], [sflag:$0x4] =	stream.indirect.gather [hbm4b:s4+s13], $0x80, s21, s13, $0xb8;
	[tilespmem:$0x1F200] =	vst v63  }
0xb2: {  	_ =	swait.ge [sflag:s31], $0x2000  }
.Ltmp5:
0xb3: {  	[sflag:s31] =	ssyncset.done $0x0;
	(pc) =	sbr.rel .LBB2_6-.Ltmp5, $4  }
0xb4: {  	s21 =	simm.s32 $0x400;
	[sflag:s31] =	ssyncadd.s32 $0xFFFFE000  }
0xb5: {  	[tilespmem:s22], [sflag:$0x5] =	stream.indirect.gather [hbm4b:s4+s13], $0x80, s21, s13, $0xb8;
	[tilespmem:$0x1F200] =	vst v63  }
0xb6: {  	s21 =	sadd.s32 s8, s9;
	s8 =	sadd.s32 $0x140, s8  }
0xb7: {  	[tilespmem:s23], [sflag:$0xB] =	stream.linear.gather [hbm4b:s21+s2], $0x500, $0x38;
	[tilespmem:$0x1F200] =	vst v63  }
.LBB2_9:
0xb8: {  	_ =	sfence.sel $0x180000  }
0xb9: {  	[bflag:$0x0] =	sbarrier.arrive $0xFFFF  }
0xba: {  	_ =	strace $0x9000004A  }
0xbb: {  	s0 =	stileid.u32;
	[bflag:$0x2] =	sbarrier.arrive $0xFFFF  }
0xbc: {  	p0 =	sne.s32 s0, $0x0;
	s0 =	rddreg [dreg:$0x2]  }
0xbd: {  	s0 =	sadd.s32 @!p0 $0x100000, s0  }
0xbe: {  	[sflag:s0] =	ssyncadd.tile.s32 @!p0 $0x1;
	_ =	shalt  }
.Lfunc_end2:
_tile_overlayer_lowered:
.L_overlay_start_2:
0xbf: {  	(tag) =	ssettag $0x2  }
0xc0: {  	s0 =	rddreg [dreg:$0x0];
	s2 =	stileid.u32  }
0xc1: {  	s1 =	rddreg [dreg:$0x1];
	p0 =	sne.s32 s2, $0x0  }
0xc2: {  	s3 =	rddreg [dreg:$0x2];
	[bflag:$0x3] =	sbarrier.arrive $0xFFFF;
	s2 =	simm.s32 @!p0 $0x1C0C  }
0xc3: {  	[timem:s3], [sflag:s2] =	dma.local @!p0 [hbm:s0], s1  }
0xc4: {  	s0 =	simm.s32 @!p0 $0xC  }
0xc5: {  	_ =	swait.ge @!p0 [sflag:s0], s1  }
0xc6: {  	s1 =	ssub.s32 @!p0 $0x0, s1;
	[sflag:s0] =	ssyncset.done @!p0 $0x0  }
0xc7: {  	[sflag:s0] =	ssyncadd.s32 @!p0 s1  }
0xc8: {  	[bflag:$0x3] =	sbarrier.arrive $0xFFFF  }
0xc9: {  	_ =	shalt  }

</sc_bundles>
